<compile_context>
chip_gen: v7x
topology: tpu7x:2x2x1
jax: 0.10.2.dev20260603
libtpu: 0.0.44.dev20260713+nightly
codegen_flags: <defaults>
</compile_context>

<pallas_src>
import functools

import jax
import jax.numpy as jnp
from jax import lax
from jax.experimental import pallas as pl
from jax.experimental.pallas import tpu as pltpu
from jax.experimental.pallas import tpu_sc as plsc

VOCAB = 12
EMB = 6
B, T = 4096, 200
N = B * T
NC, NS, L = 2, 16, 16
NW = NC * NS
PER_W = N // NW
CHUNK = 6400
CHUNKS = (3200, 6400, 6400, 6400, 3200)
OFFS = (0, 3200, 9600, 16000, 22400)
NCHUNK = len(CHUNKS)


def _prep_body(tabT_ref, p_ref, tv_ref):
    tabT = tabT_ref[...]
    m = jnp.max(tabT, axis=0, keepdims=True)
    logz = m + jnp.log(jnp.sum(jnp.exp(tabT - m), axis=0, keepdims=True))
    extT = jnp.concatenate(
        [tabT, jnp.full((VOCAB - EMB, VOCAB), jnp.nan, jnp.float32)], axis=0)
    p_ref[0:VOCAB, 0:VOCAB] = logz - extT
    tv_ref[0:EMB, 0:VOCAB] = tabT


_prep = pl.pallas_call(
    _prep_body,
    out_shape=(
        jax.ShapeDtypeStruct((16, 128), jnp.float32),
        jax.ShapeDtypeStruct((8, 128), jnp.float32),
    ),
)


def _fin_body(part_ref, loss_ref):
    loss_ref[0, 0] = jnp.sum(part_ref[...]) * jnp.float32(1.0 / N)


_finalize = pl.pallas_call(
    _fin_body,
    out_shape=jax.ShapeDtypeStruct((1, 1), jnp.float32),
    out_specs=pl.BlockSpec(memory_space=pltpu.SMEM),
)


_SC_MESH = plsc.VectorSubcoreMesh(
    core_axis_name="c", subcore_axis_name="s", num_cores=NC, num_subcores=NS
)


@functools.partial(
    pl.kernel,
    out_type=(
        jax.ShapeDtypeStruct((N * EMB,), jnp.float32),
        jax.ShapeDtypeStruct((NW, L), jnp.float32),
    ),
    mesh=_SC_MESH,
    compiler_params=pltpu.CompilerParams(needs_layout_passes=False),
    scratch_types=(
        pltpu.VMEM((8 * 128,), jnp.float32),
        pltpu.VMEM((16 * 128,), jnp.float32),
        pltpu.VMEM((CHUNK,), jnp.int32),
        pltpu.VMEM((CHUNK,), jnp.int32),
        pltpu.VMEM((CHUNK,), jnp.int32),
        pltpu.VMEM((CHUNK,), jnp.int32),
        pltpu.VMEM((EMB * CHUNK,), jnp.float32),
        pltpu.VMEM((EMB * CHUNK,), jnp.float32),
        pltpu.VMEM((L,), jnp.float32),
        pltpu.SemaphoreType.DMA,
        pltpu.SemaphoreType.DMA,
        pltpu.SemaphoreType.DMA,
        pltpu.SemaphoreType.DMA,
    ),
)
def _sc_main(in_hbm, tgt_hbm, tab_hbm, p_hbm, out_hbm, part_hbm,
             tab_v, p_v, in_v0, in_v1, tgt_v0, tgt_v1, out_v0, out_v1, acc_v,
             sem_in, sem_tgt, sem_out0, sem_out1):
    wid = lax.axis_index("s") * NC + lax.axis_index("c")
    base = wid * PER_W

    in_v = (in_v0, in_v1)
    tgt_v = (tgt_v0, tgt_v1)
    out_v = (out_v0, out_v1)
    sem_out = (sem_out0, sem_out1)

    def start_in(k):
        b = k & 1
        sz = CHUNKS[k]
        ci = pltpu.async_copy(
            in_hbm.at[pl.ds(base + OFFS[k], sz)],
            in_v[b].at[pl.ds(0, sz)], sem_in)
        ct = pltpu.async_copy(
            tgt_hbm.at[pl.ds(base + OFFS[k], sz)],
            tgt_v[b].at[pl.ds(0, sz)], sem_tgt)
        return ci, ct

    def compute_chunk(b, sz, acc0):
        inb = in_v[b]
        tgb = tgt_v[b]
        onb = out_v[b]

        @plsc.parallel_loop(0, sz, step=L, unroll=4, carry=acc0)
        def body(off, acc):
            vin = inb[pl.ds(off, L)]
            vtg = tgb[pl.ds(off, L)]
            for c in range(EMB):
                onb[pl.ds(c * CHUNK + off, L)] = plsc.load_gather(
                    tab_v, [vin + c * 128])
            return acc + plsc.load_gather(p_v, [vtg * 128 + vin])

        return body

    pend = start_in(0)
    pltpu.sync_copy(tab_hbm, tab_v)
    pltpu.sync_copy(p_hbm, p_v)
    acc = jnp.zeros((L,), jnp.float32)
    out_pend = [None, None]
    for k in range(NCHUNK):
        b = k & 1
        ci, ct = pend
        ci.wait()
        ct.wait()
        if k + 1 < NCHUNK:
            pend = start_in(k + 1)
        if out_pend[b] is not None:
            for cp in out_pend[b]:
                cp.wait()
        acc = compute_chunk(b, CHUNKS[k], acc)
        out_pend[b] = [
            pltpu.async_copy(
                out_v[b].at[pl.ds(c * CHUNK, CHUNKS[k])],
                out_hbm.at[pl.ds(c * N + base + OFFS[k], CHUNKS[k])],
                sem_out[b])
            for c in range(EMB)
        ]
    for b in range(2):
        if out_pend[b] is not None:
            for cp in out_pend[b]:
                cp.wait()
    acc_v[...] = acc
    pltpu.sync_copy(acc_v, part_hbm.at[wid])


def _flatten_physical(x_BT):
    return (x_BT.astype(jnp.int32).T
            .reshape(T // 8, 8, B // 128, 128)
            .transpose(0, 2, 1, 3)
            .reshape(-1))


def kernel(inputs_BT, targets_BT, embedding_table):
    tabT = embedding_table.astype(jnp.float32).T
    inp = _flatten_physical(inputs_BT)
    tgt = _flatten_physical(targets_BT)
    p_tab, tv_tab = _prep(tabT)
    out_flat, part = _sc_main(inp, tgt, tv_tab.reshape(-1), p_tab.reshape(-1))
    logits = (out_flat
              .reshape(EMB, T // 8, B // 128, 8, 128)
              .transpose(0, 1, 3, 2, 4)
              .reshape(EMB, T, B)
              .transpose(2, 1, 0))
    loss = _finalize(part)[0, 0]
    return logits, loss

# --- scband reference (transcript-rebuilt; emitter-appended) ---
"""Pipeline reference for scband-bigram-model-77704548319889 (READ-ONLY COPY).

The authoritative reference and input builder live on the scoring server;
editing this copy changes nothing except your own understanding.
"""

import jax, jax.numpy as jnp
import numpy as np

VOCAB_SIZE = 12
EMBEDDING_SIZE = 6
B, T = 4096, 200


def setup_inputs(seed: int = 0) -> dict:
    key = jax.random.key(seed)
    k1, k2, k3 = jax.random.split(key, 3)
    inputs_BT = jax.random.randint(k1, (B, T), 0, VOCAB_SIZE)
    targets_BT = jax.random.randint(k2, (B, T), 0, VOCAB_SIZE)
    embedding_table = jax.random.normal(k3, (VOCAB_SIZE, EMBEDDING_SIZE), dtype=jnp.float32)
    return {"inputs_BT": inputs_BT, "targets_BT": targets_BT, "embedding_table": embedding_table}


def reference(inputs_BT, targets_BT, embedding_table):
    # logits_BTC = self.embeddingTable(inputs_BT)
    logits_BTC = jnp.take(embedding_table, inputs_BT, axis=0)
    Bb, Tt, C = logits_BTC.shape
    logitsReworked = logits_BTC.reshape(Bb * Tt, C)
    targetsReworked = targets_BT.reshape(Bb * Tt)
    # cross entropy with mean reduction
    logz = jax.scipy.special.logsumexp(logitsReworked, axis=-1)
    picked = jnp.take_along_axis(logitsReworked, targetsReworked[:, None], axis=1)[:, 0]
    loss = jnp.mean(logz - picked)
    return (logits_BTC, loss)

if __name__ == "__main__":
    import jax
    _d = setup_inputs()
    print(jax.jit(kernel)(*tuple(_d.values())))

</pallas_src>

<mosaic_0001>
#map = affine_map<(d0, d1) -> (0)>
#map1 = affine_map<(d0, d1) -> (0, 0)>
module attributes {stable_mosaic.version = 14 : i64} {
  func.func @_sc_main(%arg0: i32, %arg1: i32, %arg2: memref<819200xi32, #tpu.memory_space<hbm>>, %arg3: memref<819200xi32, #tpu.memory_space<hbm>>, %arg4: memref<1024xf32, #tpu.memory_space<hbm>>, %arg5: memref<2048xf32, #tpu.memory_space<hbm>>, %arg6: memref<4915200xf32, #tpu.memory_space<hbm>>, %arg7: memref<32x16xf32, #tpu.memory_space<hbm>>, %arg8: memref<1024xf32, #tpu.memory_space<vmem>>, %arg9: memref<2048xf32, #tpu.memory_space<vmem>>, %arg10: memref<6400xi32, #tpu.memory_space<vmem>>, %arg11: memref<6400xi32, #tpu.memory_space<vmem>>, %arg12: memref<6400xi32, #tpu.memory_space<vmem>>, %arg13: memref<6400xi32, #tpu.memory_space<vmem>>, %arg14: memref<38400xf32, #tpu.memory_space<vmem>>, %arg15: memref<38400xf32, #tpu.memory_space<vmem>>, %arg16: memref<16xf32, #tpu.memory_space<vmem>>, %arg17: memref<!tpu.dma_semaphore, #tpu.memory_space<semaphore_mem>>, %arg18: memref<!tpu.dma_semaphore, #tpu.memory_space<semaphore_mem>>, %arg19: memref<!tpu.dma_semaphore, #tpu.memory_space<semaphore_mem>>, %arg20: memref<!tpu.dma_semaphore, #tpu.memory_space<semaphore_mem>>) attributes {dimension_semantics = [#tpu.dimension_semantics<core_parallel>, #tpu.dimension_semantics<subcore_parallel>], iteration_bounds = array<i64: 2, 16>, scalar_prefetch = 0 : i64, scratch_operands = 13 : i64, tpu.core_type = #tpu.core_type<sc_vector_subcore>, window_params = [{transform_indices = #map}, {transform_indices = #map}, {transform_indices = #map}, {transform_indices = #map}, {transform_indices = #map}, {transform_indices = #map1}]} {
    %mul3A = arith.constant 2 : i32
    %mul3A_0 = arith.muli %arg1, %mul3A : i32
    %add3A = arith.addi %mul3A_0, %arg0 : i32
    %mul3A_1 = arith.constant 25600 : i32
    %mul3A_2 = arith.muli %add3A, %mul3A_1 : i32
    %add3A_3 = arith.constant 0 : i32
    %add3A_4 = arith.addi %mul3A_2, %add3A_3 : i32
    %dma_start3A = arith.constant 0 : i32
    %dma_start3A_5 = tpu.memref_slice %arg10[%dma_start3A] : memref<6400xi32, #tpu.memory_space<vmem>> -> memref<3200xi32, #tpu.memory_space<vmem>>
    %dma_start3A_6 = tpu.memref_slice %arg2[%add3A_4] : memref<819200xi32, #tpu.memory_space<hbm>> -> memref<3200xi32, #tpu.memory_space<hbm>>
    %dma_start3A_7 = arith.constant 0 : i32
    %dma_start3A_8 = tpu.memref_slice %arg10[%dma_start3A_7] : memref<6400xi32, #tpu.memory_space<vmem>> -> memref<3200xi32, #tpu.memory_space<vmem>>
    %dma_start3A_9 = tpu.memref_slice %arg2[%add3A_4] : memref<819200xi32, #tpu.memory_space<hbm>> -> memref<3200xi32, #tpu.memory_space<hbm>>
    tpu.enqueue_dma source(%dma_start3A_9 : memref<3200xi32, #tpu.memory_space<hbm>>) target(%dma_start3A_8 : memref<3200xi32, #tpu.memory_space<vmem>>) target_semaphore(%arg17 : memref<!tpu.dma_semaphore, #tpu.memory_space<semaphore_mem>>)
    %add3A_10 = arith.constant 0 : i32
    %add3A_11 = arith.addi %mul3A_2, %add3A_10 : i32
    %dma_start3A_12 = arith.constant 0 : i32
    %dma_start3A_13 = tpu.memref_slice %arg12[%dma_start3A_12] : memref<6400xi32, #tpu.memory_space<vmem>> -> memref<3200xi32, #tpu.memory_space<vmem>>
    %dma_start3A_14 = tpu.memref_slice %arg3[%add3A_11] : memref<819200xi32, #tpu.memory_space<hbm>> -> memref<3200xi32, #tpu.memory_space<hbm>>
    %dma_start3A_15 = arith.constant 0 : i32
    %dma_start3A_16 = tpu.memref_slice %arg12[%dma_start3A_15] : memref<6400xi32, #tpu.memory_space<vmem>> -> memref<3200xi32, #tpu.memory_space<vmem>>
    %dma_start3A_17 = tpu.memref_slice %arg3[%add3A_11] : memref<819200xi32, #tpu.memory_space<hbm>> -> memref<3200xi32, #tpu.memory_space<hbm>>
    tpu.enqueue_dma source(%dma_start3A_17 : memref<3200xi32, #tpu.memory_space<hbm>>) target(%dma_start3A_16 : memref<3200xi32, #tpu.memory_space<vmem>>) target_semaphore(%arg18 : memref<!tpu.dma_semaphore, #tpu.memory_space<semaphore_mem>>)
    "tpu.region"() ({
      %run_scoped3A = tpu.sem_alloc : memref<!tpu.dma_semaphore, #tpu.memory_space<semaphore_mem>>
      tpu.enqueue_dma source(%arg4 : memref<1024xf32, #tpu.memory_space<hbm>>) target(%arg8 : memref<1024xf32, #tpu.memory_space<vmem>>) target_semaphore(%run_scoped3A : memref<!tpu.dma_semaphore, #tpu.memory_space<semaphore_mem>>)
      tpu.wait_dma2 semaphore(%run_scoped3A : memref<!tpu.dma_semaphore, #tpu.memory_space<semaphore_mem>>) src(%arg4 : memref<1024xf32, #tpu.memory_space<hbm>>) dst(%arg8 : memref<1024xf32, #tpu.memory_space<vmem>>)
      tpu.yield
    }) : () -> ()
    "tpu.region"() ({
      %run_scoped3A = tpu.sem_alloc : memref<!tpu.dma_semaphore, #tpu.memory_space<semaphore_mem>>
      tpu.enqueue_dma source(%arg5 : memref<2048xf32, #tpu.memory_space<hbm>>) target(%arg9 : memref<2048xf32, #tpu.memory_space<vmem>>) target_semaphore(%run_scoped3A : memref<!tpu.dma_semaphore, #tpu.memory_space<semaphore_mem>>)
      tpu.wait_dma2 semaphore(%run_scoped3A : memref<!tpu.dma_semaphore, #tpu.memory_space<semaphore_mem>>) src(%arg5 : memref<2048xf32, #tpu.memory_space<hbm>>) dst(%arg9 : memref<2048xf32, #tpu.memory_space<vmem>>)
      tpu.yield
    }) : () -> ()
    %broadcast_in_dim3A = arith.constant 0.000000e+00 : f32
    %broadcast_in_dim3A_18 = vector.broadcast %broadcast_in_dim3A : f32 to vector<16xf32>
    %dma_wait3A = arith.constant 0 : i32
    %dma_wait3A_19 = tpu.memref_slice %arg10[%dma_wait3A] : memref<6400xi32, #tpu.memory_space<vmem>> -> memref<3200xi32, #tpu.memory_space<vmem>>
    %dma_wait3A_20 = tpu.memref_slice %arg2[%add3A_4] : memref<819200xi32, #tpu.memory_space<hbm>> -> memref<3200xi32, #tpu.memory_space<hbm>>
    %dma_wait3A_21 = arith.constant 0 : i32
    %dma_wait3A_22 = tpu.memref_slice %arg10[%dma_wait3A_21] : memref<6400xi32, #tpu.memory_space<vmem>> -> memref<3200xi32, #tpu.memory_space<vmem>>
    %dma_wait3A_23 = tpu.memref_slice %arg2[%add3A_4] : memref<819200xi32, #tpu.memory_space<hbm>> -> memref<3200xi32, #tpu.memory_space<hbm>>
    tpu.wait_dma2 semaphore(%arg17 : memref<!tpu.dma_semaphore, #tpu.memory_space<semaphore_mem>>) src(%dma_wait3A_23 : memref<3200xi32, #tpu.memory_space<hbm>>) dst(%dma_wait3A_22 : memref<3200xi32, #tpu.memory_space<vmem>>)
    %dma_wait3A_24 = arith.constant 0 : i32
    %dma_wait3A_25 = tpu.memref_slice %arg12[%dma_wait3A_24] : memref<6400xi32, #tpu.memory_space<vmem>> -> memref<3200xi32, #tpu.memory_space<vmem>>
    %dma_wait3A_26 = tpu.memref_slice %arg3[%add3A_11] : memref<819200xi32, #tpu.memory_space<hbm>> -> memref<3200xi32, #tpu.memory_space<hbm>>
    %dma_wait3A_27 = arith.constant 0 : i32
    %dma_wait3A_28 = tpu.memref_slice %arg12[%dma_wait3A_27] : memref<6400xi32, #tpu.memory_space<vmem>> -> memref<3200xi32, #tpu.memory_space<vmem>>
    %dma_wait3A_29 = tpu.memref_slice %arg3[%add3A_11] : memref<819200xi32, #tpu.memory_space<hbm>> -> memref<3200xi32, #tpu.memory_space<hbm>>
    tpu.wait_dma2 semaphore(%arg18 : memref<!tpu.dma_semaphore, #tpu.memory_space<semaphore_mem>>) src(%dma_wait3A_29 : memref<3200xi32, #tpu.memory_space<hbm>>) dst(%dma_wait3A_28 : memref<3200xi32, #tpu.memory_space<vmem>>)
    %add3A_30 = arith.constant 3200 : i32
    %add3A_31 = arith.addi %mul3A_2, %add3A_30 : i32
    %dma_start3A_32 = arith.constant 0 : i32
    %dma_start3A_33 = tpu.memref_slice %arg11[%dma_start3A_32] : memref<6400xi32, #tpu.memory_space<vmem>> -> memref<6400xi32, #tpu.memory_space<vmem>>
    %dma_start3A_34 = tpu.memref_slice %arg2[%add3A_31] : memref<819200xi32, #tpu.memory_space<hbm>> -> memref<6400xi32, #tpu.memory_space<hbm>>
    %dma_start3A_35 = arith.constant 0 : i32
    %dma_start3A_36 = tpu.memref_slice %arg11[%dma_start3A_35] : memref<6400xi32, #tpu.memory_space<vmem>> -> memref<6400xi32, #tpu.memory_space<vmem>>
    %dma_start3A_37 = tpu.memref_slice %arg2[%add3A_31] : memref<819200xi32, #tpu.memory_space<hbm>> -> memref<6400xi32, #tpu.memory_space<hbm>>
    tpu.enqueue_dma source(%dma_start3A_37 : memref<6400xi32, #tpu.memory_space<hbm>>) target(%dma_start3A_36 : memref<6400xi32, #tpu.memory_space<vmem>>) target_semaphore(%arg17 : memref<!tpu.dma_semaphore, #tpu.memory_space<semaphore_mem>>)
    %add3A_38 = arith.constant 3200 : i32
    %add3A_39 = arith.addi %mul3A_2, %add3A_38 : i32
    %dma_start3A_40 = arith.constant 0 : i32
    %dma_start3A_41 = tpu.memref_slice %arg13[%dma_start3A_40] : memref<6400xi32, #tpu.memory_space<vmem>> -> memref<6400xi32, #tpu.memory_space<vmem>>
    %dma_start3A_42 = tpu.memref_slice %arg3[%add3A_39] : memref<819200xi32, #tpu.memory_space<hbm>> -> memref<6400xi32, #tpu.memory_space<hbm>>
    %dma_start3A_43 = arith.constant 0 : i32
    %dma_start3A_44 = tpu.memref_slice %arg13[%dma_start3A_43] : memref<6400xi32, #tpu.memory_space<vmem>> -> memref<6400xi32, #tpu.memory_space<vmem>>
    %dma_start3A_45 = tpu.memref_slice %arg3[%add3A_39] : memref<819200xi32, #tpu.memory_space<hbm>> -> memref<6400xi32, #tpu.memory_space<hbm>>
    tpu.enqueue_dma source(%dma_start3A_45 : memref<6400xi32, #tpu.memory_space<hbm>>) target(%dma_start3A_44 : memref<6400xi32, #tpu.memory_space<vmem>>) target_semaphore(%arg18 : memref<!tpu.dma_semaphore, #tpu.memory_space<semaphore_mem>>)
    %parallel_loop3A = arith.constant 0 : i32
    %parallel_loop3A_46 = arith.constant 3200 : i32
    %parallel_loop3A_47 = arith.constant 16 : i32
    %parallel_loop3A_48 = scf.for %parallel_loop3A_642 = %parallel_loop3A to %parallel_loop3A_46 step %parallel_loop3A_47 iter_args(%parallel_loop3A_643 = %broadcast_in_dim3A_18) -> (vector<16xf32>)  : i32 {
      %parallel_loop3A_644 = arith.index_cast %parallel_loop3A_642 : i32 to index
      %parallel_loop3A_645 = tpu.vector_load %arg10[%parallel_loop3A_644] {strides = array<i32>} : memref<6400xi32, #tpu.memory_space<vmem>>, vector<16xi32>,
      %parallel_loop3A_646 = arith.index_cast %parallel_loop3A_642 : i32 to index
      %parallel_loop3A_647 = tpu.vector_load %arg12[%parallel_loop3A_646] {strides = array<i32>} : memref<6400xi32, #tpu.memory_space<vmem>>, vector<16xi32>,
      %parallel_loop3A_648 = arith.constant 0 : i32
      %parallel_loop3A_649 = vector.broadcast %parallel_loop3A_648 : i32 to vector<16xi32>
      %parallel_loop3A_650 = arith.addi %parallel_loop3A_645, %parallel_loop3A_649 : vector<16xi32>
      %parallel_loop3A_651 = tpu.vector_load_idx %arg8[%parallel_loop3A_650] : memref<1024xf32, #tpu.memory_space<vmem>>[vector<16xi32>], vector<16xf32>,
      %parallel_loop3A_652 = arith.constant 0 : i32
      %parallel_loop3A_653 = arith.addi %parallel_loop3A_652, %parallel_loop3A_642 : i32
      %parallel_loop3A_654 = arith.index_cast %parallel_loop3A_653 : i32 to index
      %parallel_loop3A_655 = tpu.vector_load %arg14[%parallel_loop3A_654] {strides = array<i32>} : memref<38400xf32, #tpu.memory_space<vmem>>, vector<16xf32>,
      tpu.vector_store %arg14[%parallel_loop3A_654], %parallel_loop3A_651 {strides = array<i32>} : memref<38400xf32, #tpu.memory_space<vmem>>, vector<16xf32>,
      %parallel_loop3A_656 = arith.constant 128 : i32
      %parallel_loop3A_657 = vector.broadcast %parallel_loop3A_656 : i32 to vector<16xi32>
      %parallel_loop3A_658 = arith.addi %parallel_loop3A_645, %parallel_loop3A_657 : vector<16xi32>
      %parallel_loop3A_659 = tpu.vector_load_idx %arg8[%parallel_loop3A_658] : memref<1024xf32, #tpu.memory_space<vmem>>[vector<16xi32>], vector<16xf32>,
      %parallel_loop3A_660 = arith.constant 6400 : i32
      %parallel_loop3A_661 = arith.addi %parallel_loop3A_660, %parallel_loop3A_642 : i32
      %parallel_loop3A_662 = arith.index_cast %parallel_loop3A_661 : i32 to index
      %parallel_loop3A_663 = tpu.vector_load %arg14[%parallel_loop3A_662] {strides = array<i32>} : memref<38400xf32, #tpu.memory_space<vmem>>, vector<16xf32>,
      tpu.vector_store %arg14[%parallel_loop3A_662], %parallel_loop3A_659 {strides = array<i32>} : memref<38400xf32, #tpu.memory_space<vmem>>, vector<16xf32>,
      %parallel_loop3A_664 = arith.constant 256 : i32
      %parallel_loop3A_665 = vector.broadcast %parallel_loop3A_664 : i32 to vector<16xi32>
      %parallel_loop3A_666 = arith.addi %parallel_loop3A_645, %parallel_loop3A_665 : vector<16xi32>
      %parallel_loop3A_667 = tpu.vector_load_idx %arg8[%parallel_loop3A_666] : memref<1024xf32, #tpu.memory_space<vmem>>[vector<16xi32>], vector<16xf32>,
      %parallel_loop3A_668 = arith.constant 12800 : i32
      %parallel_loop3A_669 = arith.addi %parallel_loop3A_668, %parallel_loop3A_642 : i32
      %parallel_loop3A_670 = arith.index_cast %parallel_loop3A_669 : i32 to index
      %parallel_loop3A_671 = tpu.vector_load %arg14[%parallel_loop3A_670] {strides = array<i32>} : memref<38400xf32, #tpu.memory_space<vmem>>, vector<16xf32>,
      tpu.vector_store %arg14[%parallel_loop3A_670], %parallel_loop3A_667 {strides = array<i32>} : memref<38400xf32, #tpu.memory_space<vmem>>, vector<16xf32>,
      %parallel_loop3A_672 = arith.constant 384 : i32
      %parallel_loop3A_673 = vector.broadcast %parallel_loop3A_672 : i32 to vector<16xi32>
      %parallel_loop3A_674 = arith.addi %parallel_loop3A_645, %parallel_loop3A_673 : vector<16xi32>
      %parallel_loop3A_675 = tpu.vector_load_idx %arg8[%parallel_loop3A_674] : memref<1024xf32, #tpu.memory_space<vmem>>[vector<16xi32>], vector<16xf32>,
      %parallel_loop3A_676 = arith.constant 19200 : i32
      %parallel_loop3A_677 = arith.addi %parallel_loop3A_676, %parallel_loop3A_642 : i32
      %parallel_loop3A_678 = arith.index_cast %parallel_loop3A_677 : i32 to index
      %parallel_loop3A_679 = tpu.vector_load %arg14[%parallel_loop3A_678] {strides = array<i32>} : memref<38400xf32, #tpu.memory_space<vmem>>, vector<16xf32>,
      tpu.vector_store %arg14[%parallel_loop3A_678], %parallel_loop3A_675 {strides = array<i32>} : memref<38400xf32, #tpu.memory_space<vmem>>, vector<16xf32>,
      %parallel_loop3A_680 = arith.constant 512 : i32
      %parallel_loop3A_681 = vector.broadcast %parallel_loop3A_680 : i32 to vector<16xi32>
      %parallel_loop3A_682 = arith.addi %parallel_loop3A_645, %parallel_loop3A_681 : vector<16xi32>
      %parallel_loop3A_683 = tpu.vector_load_idx %arg8[%parallel_loop3A_682] : memref<1024xf32, #tpu.memory_space<vmem>>[vector<16xi32>], vector<16xf32>,
      %parallel_loop3A_684 = arith.constant 25600 : i32
      %parallel_loop3A_685 = arith.addi %parallel_loop3A_684, %parallel_loop3A_642 : i32
      %parallel_loop3A_686 = arith.index_cast %parallel_loop3A_685 : i32 to index
      %parallel_loop3A_687 = tpu.vector_load %arg14[%parallel_loop3A_686] {strides = array<i32>} : memref<38400xf32, #tpu.memory_space<vmem>>, vector<16xf32>,
      tpu.vector_store %arg14[%parallel_loop3A_686], %parallel_loop3A_683 {strides = array<i32>} : memref<38400xf32, #tpu.memory_space<vmem>>, vector<16xf32>,
      %parallel_loop3A_688 = arith.constant 640 : i32
      %parallel_loop3A_689 = vector.broadcast %parallel_loop3A_688 : i32 to vector<16xi32>
      %parallel_loop3A_690 = arith.addi %parallel_loop3A_645, %parallel_loop3A_689 : vector<16xi32>
      %parallel_loop3A_691 = tpu.vector_load_idx %arg8[%parallel_loop3A_690] : memref<1024xf32, #tpu.memory_space<vmem>>[vector<16xi32>], vector<16xf32>,
      %parallel_loop3A_692 = arith.constant 32000 : i32
      %parallel_loop3A_693 = arith.addi %parallel_loop3A_692, %parallel_loop3A_642 : i32
      %parallel_loop3A_694 = arith.index_cast %parallel_loop3A_693 : i32 to index
      %parallel_loop3A_695 = tpu.vector_load %arg14[%parallel_loop3A_694] {strides = array<i32>} : memref<38400xf32, #tpu.memory_space<vmem>>, vector<16xf32>,
      tpu.vector_store %arg14[%parallel_loop3A_694], %parallel_loop3A_691 {strides = array<i32>} : memref<38400xf32, #tpu.memory_space<vmem>>, vector<16xf32>,
      %parallel_loop3A_696 = arith.constant 128 : i32
      %parallel_loop3A_697 = vector.broadcast %parallel_loop3A_696 : i32 to vector<16xi32>
      %parallel_loop3A_698 = arith.muli %parallel_loop3A_647, %parallel_loop3A_697 : vector<16xi32>
      %parallel_loop3A_699 = arith.addi %parallel_loop3A_698, %parallel_loop3A_645 : vector<16xi32>
      %parallel_loop3A_700 = tpu.vector_load_idx %arg9[%parallel_loop3A_699] : memref<2048xf32, #tpu.memory_space<vmem>>[vector<16xi32>], vector<16xf32>,
      %parallel_loop3A_701 = arith.addf %parallel_loop3A_643, %parallel_loop3A_700 : vector<16xf32>
      scf.yield %parallel_loop3A_701 : vector<16xf32>
    } {sc.loop_unroll_factor = 4 : i64, sc.parallel_access}
    %add3A_49 = arith.constant 0 : i32
    %add3A_50 = arith.addi %add3A_49, %mul3A_2 : i32
    %add3A_51 = arith.constant 0 : i32
    %add3A_52 = arith.addi %add3A_50, %add3A_51 : i32
    %dma_start3A_53 = arith.constant 0 : i32
    %dma_start3A_54 = tpu.memref_slice %arg14[%dma_start3A_53] : memref<38400xf32, #tpu.memory_space<vmem>> -> memref<3200xf32, #tpu.memory_space<vmem>>
    %dma_start3A_55 = tpu.memref_slice %arg6[%add3A_52] : memref<4915200xf32, #tpu.memory_space<hbm>> -> memref<3200xf32, #tpu.memory_space<hbm>>
    %dma_start3A_56 = tpu.memref_slice %arg6[%add3A_52] : memref<4915200xf32, #tpu.memory_space<hbm>> -> memref<3200xf32, #tpu.memory_space<hbm>>
    %dma_start3A_57 = arith.constant 0 : i32
    %dma_start3A_58 = tpu.memref_slice %arg14[%dma_start3A_57] : memref<38400xf32, #tpu.memory_space<vmem>> -> memref<3200xf32, #tpu.memory_space<vmem>>
    tpu.enqueue_dma source(%dma_start3A_58 : memref<3200xf32, #tpu.memory_space<vmem>>) target(%dma_start3A_56 : memref<3200xf32, #tpu.memory_space<hbm>>) target_semaphore(%arg19 : memref<!tpu.dma_semaphore, #tpu.memory_space<semaphore_mem>>)
    %add3A_59 = arith.constant 819200 : i32
    %add3A_60 = arith.addi %add3A_59, %mul3A_2 : i32
    %add3A_61 = arith.constant 0 : i32
    %add3A_62 = arith.addi %add3A_60, %add3A_61 : i32
    %dma_start3A_63 = arith.constant 6400 : i32
    %dma_start3A_64 = tpu.memref_slice %arg14[%dma_start3A_63] : memref<38400xf32, #tpu.memory_space<vmem>> -> memref<3200xf32, #tpu.memory_space<vmem>>
    %dma_start3A_65 = tpu.memref_slice %arg6[%add3A_62] : memref<4915200xf32, #tpu.memory_space<hbm>> -> memref<3200xf32, #tpu.memory_space<hbm>>
    %dma_start3A_66 = tpu.memref_slice %arg6[%add3A_62] : memref<4915200xf32, #tpu.memory_space<hbm>> -> memref<3200xf32, #tpu.memory_space<hbm>>
    %dma_start3A_67 = arith.constant 6400 : i32
    %dma_start3A_68 = tpu.memref_slice %arg14[%dma_start3A_67] : memref<38400xf32, #tpu.memory_space<vmem>> -> memref<3200xf32, #tpu.memory_space<vmem>>
    tpu.enqueue_dma source(%dma_start3A_68 : memref<3200xf32, #tpu.memory_space<vmem>>) target(%dma_start3A_66 : memref<3200xf32, #tpu.memory_space<hbm>>) target_semaphore(%arg19 : memref<!tpu.dma_semaphore, #tpu.memory_space<semaphore_mem>>)
    %add3A_69 = arith.constant 1638400 : i32
    %add3A_70 = arith.addi %add3A_69, %mul3A_2 : i32
    %add3A_71 = arith.constant 0 : i32
    %add3A_72 = arith.addi %add3A_70, %add3A_71 : i32
    %dma_start3A_73 = arith.constant 12800 : i32
    %dma_start3A_74 = tpu.memref_slice %arg14[%dma_start3A_73] : memref<38400xf32, #tpu.memory_space<vmem>> -> memref<3200xf32, #tpu.memory_space<vmem>>
    %dma_start3A_75 = tpu.memref_slice %arg6[%add3A_72] : memref<4915200xf32, #tpu.memory_space<hbm>> -> memref<3200xf32, #tpu.memory_space<hbm>>
    %dma_start3A_76 = tpu.memref_slice %arg6[%add3A_72] : memref<4915200xf32, #tpu.memory_space<hbm>> -> memref<3200xf32, #tpu.memory_space<hbm>>
    %dma_start3A_77 = arith.constant 12800 : i32
    %dma_start3A_78 = tpu.memref_slice %arg14[%dma_start3A_77] : memref<38400xf32, #tpu.memory_space<vmem>> -> memref<3200xf32, #tpu.memory_space<vmem>>
    tpu.enqueue_dma source(%dma_start3A_78 : memref<3200xf32, #tpu.memory_space<vmem>>) target(%dma_start3A_76 : memref<3200xf32, #tpu.memory_space<hbm>>) target_semaphore(%arg19 : memref<!tpu.dma_semaphore, #tpu.memory_space<semaphore_mem>>)
    %add3A_79 = arith.constant 2457600 : i32
    %add3A_80 = arith.addi %add3A_79, %mul3A_2 : i32
    %add3A_81 = arith.constant 0 : i32
    %add3A_82 = arith.addi %add3A_80, %add3A_81 : i32
    %dma_start3A_83 = arith.constant 19200 : i32
    %dma_start3A_84 = tpu.memref_slice %arg14[%dma_start3A_83] : memref<38400xf32, #tpu.memory_space<vmem>> -> memref<3200xf32, #tpu.memory_space<vmem>>
    %dma_start3A_85 = tpu.memref_slice %arg6[%add3A_82] : memref<4915200xf32, #tpu.memory_space<hbm>> -> memref<3200xf32, #tpu.memory_space<hbm>>
    %dma_start3A_86 = tpu.memref_slice %arg6[%add3A_82] : memref<4915200xf32, #tpu.memory_space<hbm>> -> memref<3200xf32, #tpu.memory_space<hbm>>
    %dma_start3A_87 = arith.constant 19200 : i32
    %dma_start3A_88 = tpu.memref_slice %arg14[%dma_start3A_87] : memref<38400xf32, #tpu.memory_space<vmem>> -> memref<3200xf32, #tpu.memory_space<vmem>>
    tpu.enqueue_dma source(%dma_start3A_88 : memref<3200xf32, #tpu.memory_space<vmem>>) target(%dma_start3A_86 : memref<3200xf32, #tpu.memory_space<hbm>>) target_semaphore(%arg19 : memref<!tpu.dma_semaphore, #tpu.memory_space<semaphore_mem>>)
    %add3A_89 = arith.constant 3276800 : i32
    %add3A_90 = arith.addi %add3A_89, %mul3A_2 : i32
    %add3A_91 = arith.constant 0 : i32
    %add3A_92 = arith.addi %add3A_90, %add3A_91 : i32
    %dma_start3A_93 = arith.constant 25600 : i32
    %dma_start3A_94 = tpu.memref_slice %arg14[%dma_start3A_93] : memref<38400xf32, #tpu.memory_space<vmem>> -> memref<3200xf32, #tpu.memory_space<vmem>>
    %dma_start3A_95 = tpu.memref_slice %arg6[%add3A_92] : memref<4915200xf32, #tpu.memory_space<hbm>> -> memref<3200xf32, #tpu.memory_space<hbm>>
    %dma_start3A_96 = tpu.memref_slice %arg6[%add3A_92] : memref<4915200xf32, #tpu.memory_space<hbm>> -> memref<3200xf32, #tpu.memory_space<hbm>>
    %dma_start3A_97 = arith.constant 25600 : i32
    %dma_start3A_98 = tpu.memref_slice %arg14[%dma_start3A_97] : memref<38400xf32, #tpu.memory_space<vmem>> -> memref<3200xf32, #tpu.memory_space<vmem>>
    tpu.enqueue_dma source(%dma_start3A_98 : memref<3200xf32, #tpu.memory_space<vmem>>) target(%dma_start3A_96 : memref<3200xf32, #tpu.memory_space<hbm>>) target_semaphore(%arg19 : memref<!tpu.dma_semaphore, #tpu.memory_space<semaphore_mem>>)
    %add3A_99 = arith.constant 4096000 : i32
    %add3A_100 = arith.addi %add3A_99, %mul3A_2 : i32
    %add3A_101 = arith.constant 0 : i32
    %add3A_102 = arith.addi %add3A_100, %add3A_101 : i32
    %dma_start3A_103 = arith.constant 32000 : i32
    %dma_start3A_104 = tpu.memref_slice %arg14[%dma_start3A_103] : memref<38400xf32, #tpu.memory_space<vmem>> -> memref<3200xf32, #tpu.memory_space<vmem>>
    %dma_start3A_105 = tpu.memref_slice %arg6[%add3A_102] : memref<4915200xf32, #tpu.memory_space<hbm>> -> memref<3200xf32, #tpu.memory_space<hbm>>
    %dma_start3A_106 = tpu.memref_slice %arg6[%add3A_102] : memref<4915200xf32, #tpu.memory_space<hbm>> -> memref<3200xf32, #tpu.memory_space<hbm>>
    %dma_start3A_107 = arith.constant 32000 : i32
    %dma_start3A_108 = tpu.memref_slice %arg14[%dma_start3A_107] : memref<38400xf32, #tpu.memory_space<vmem>> -> memref<3200xf32, #tpu.memory_space<vmem>>
    tpu.enqueue_dma source(%dma_start3A_108 : memref<3200xf32, #tpu.memory_space<vmem>>) target(%dma_start3A_106 : memref<3200xf32, #tpu.memory_space<hbm>>) target_semaphore(%arg19 : memref<!tpu.dma_semaphore, #tpu.memory_space<semaphore_mem>>)
    %dma_wait3A_109 = arith.constant 0 : i32
    %dma_wait3A_110 = tpu.memref_slice %arg11[%dma_wait3A_109] : memref<6400xi32, #tpu.memory_space<vmem>> -> memref<6400xi32, #tpu.memory_space<vmem>>
    %dma_wait3A_111 = tpu.memref_slice %arg2[%add3A_31] : memref<819200xi32, #tpu.memory_space<hbm>> -> memref<6400xi32, #tpu.memory_space<hbm>>
    %dma_wait3A_112 = arith.constant 0 : i32
    %dma_wait3A_113 = tpu.memref_slice %arg11[%dma_wait3A_112] : memref<6400xi32, #tpu.memory_space<vmem>> -> memref<6400xi32, #tpu.memory_space<vmem>>
    %dma_wait3A_114 = tpu.memref_slice %arg2[%add3A_31] : memref<819200xi32, #tpu.memory_space<hbm>> -> memref<6400xi32, #tpu.memory_space<hbm>>
    tpu.wait_dma2 semaphore(%arg17 : memref<!tpu.dma_semaphore, #tpu.memory_space<semaphore_mem>>) src(%dma_wait3A_114 : memref<6400xi32, #tpu.memory_space<hbm>>) dst(%dma_wait3A_113 : memref<6400xi32, #tpu.memory_space<vmem>>)
    %dma_wait3A_115 = arith.constant 0 : i32
    %dma_wait3A_116 = tpu.memref_slice %arg13[%dma_wait3A_115] : memref<6400xi32, #tpu.memory_space<vmem>> -> memref<6400xi32, #tpu.memory_space<vmem>>
    %dma_wait3A_117 = tpu.memref_slice %arg3[%add3A_39] : memref<819200xi32, #tpu.memory_space<hbm>> -> memref<6400xi32, #tpu.memory_space<hbm>>
    %dma_wait3A_118 = arith.constant 0 : i32
    %dma_wait3A_119 = tpu.memref_slice %arg13[%dma_wait3A_118] : memref<6400xi32, #tpu.memory_space<vmem>> -> memref<6400xi32, #tpu.memory_space<vmem>>
    %dma_wait3A_120 = tpu.memref_slice %arg3[%add3A_39] : memref<819200xi32, #tpu.memory_space<hbm>> -> memref<6400xi32, #tpu.memory_space<hbm>>
    tpu.wait_dma2 semaphore(%arg18 : memref<!tpu.dma_semaphore, #tpu.memory_space<semaphore_mem>>) src(%dma_wait3A_120 : memref<6400xi32, #tpu.memory_space<hbm>>) dst(%dma_wait3A_119 : memref<6400xi32, #tpu.memory_space<vmem>>)
    %add3A_121 = arith.constant 9600 : i32
    %add3A_122 = arith.addi %mul3A_2, %add3A_121 : i32
    %dma_start3A_123 = arith.constant 0 : i32
    %dma_start3A_124 = tpu.memref_slice %arg10[%dma_start3A_123] : memref<6400xi32, #tpu.memory_space<vmem>> -> memref<6400xi32, #tpu.memory_space<vmem>>
    %dma_start3A_125 = tpu.memref_slice %arg2[%add3A_122] : memref<819200xi32, #tpu.memory_space<hbm>> -> memref<6400xi32, #tpu.memory_space<hbm>>
    %dma_start3A_126 = arith.constant 0 : i32
    %dma_start3A_127 = tpu.memref_slice %arg10[%dma_start3A_126] : memref<6400xi32, #tpu.memory_space<vmem>> -> memref<6400xi32, #tpu.memory_space<vmem>>
    %dma_start3A_128 = tpu.memref_slice %arg2[%add3A_122] : memref<819200xi32, #tpu.memory_space<hbm>> -> memref<6400xi32, #tpu.memory_space<hbm>>
    tpu.enqueue_dma source(%dma_start3A_128 : memref<6400xi32, #tpu.memory_space<hbm>>) target(%dma_start3A_127 : memref<6400xi32, #tpu.memory_space<vmem>>) target_semaphore(%arg17 : memref<!tpu.dma_semaphore, #tpu.memory_space<semaphore_mem>>)
    %add3A_129 = arith.constant 9600 : i32
    %add3A_130 = arith.addi %mul3A_2, %add3A_129 : i32
    %dma_start3A_131 = arith.constant 0 : i32
    %dma_start3A_132 = tpu.memref_slice %arg12[%dma_start3A_131] : memref<6400xi32, #tpu.memory_space<vmem>> -> memref<6400xi32, #tpu.memory_space<vmem>>
    %dma_start3A_133 = tpu.memref_slice %arg3[%add3A_130] : memref<819200xi32, #tpu.memory_space<hbm>> -> memref<6400xi32, #tpu.memory_space<hbm>>
    %dma_start3A_134 = arith.constant 0 : i32
    %dma_start3A_135 = tpu.memref_slice %arg12[%dma_start3A_134] : memref<6400xi32, #tpu.memory_space<vmem>> -> memref<6400xi32, #tpu.memory_space<vmem>>
    %dma_start3A_136 = tpu.memref_slice %arg3[%add3A_130] : memref<819200xi32, #tpu.memory_space<hbm>> -> memref<6400xi32, #tpu.memory_space<hbm>>
    tpu.enqueue_dma source(%dma_start3A_136 : memref<6400xi32, #tpu.memory_space<hbm>>) target(%dma_start3A_135 : memref<6400xi32, #tpu.memory_space<vmem>>) target_semaphore(%arg18 : memref<!tpu.dma_semaphore, #tpu.memory_space<semaphore_mem>>)
    %parallel_loop3A_137 = arith.constant 0 : i32
    %parallel_loop3A_138 = arith.constant 6400 : i32
    %parallel_loop3A_139 = arith.constant 16 : i32
    %parallel_loop3A_140 = scf.for %parallel_loop3A_642 = %parallel_loop3A_137 to %parallel_loop3A_138 step %parallel_loop3A_139 iter_args(%parallel_loop3A_643 = %parallel_loop3A_48) -> (vector<16xf32>)  : i32 {
      %parallel_loop3A_644 = arith.index_cast %parallel_loop3A_642 : i32 to index
      %parallel_loop3A_645 = tpu.vector_load %arg11[%parallel_loop3A_644] {strides = array<i32>} : memref<6400xi32, #tpu.memory_space<vmem>>, vector<16xi32>,
      %parallel_loop3A_646 = arith.index_cast %parallel_loop3A_642 : i32 to index
      %parallel_loop3A_647 = tpu.vector_load %arg13[%parallel_loop3A_646] {strides = array<i32>} : memref<6400xi32, #tpu.memory_space<vmem>>, vector<16xi32>,
      %parallel_loop3A_648 = arith.constant 0 : i32
      %parallel_loop3A_649 = vector.broadcast %parallel_loop3A_648 : i32 to vector<16xi32>
      %parallel_loop3A_650 = arith.addi %parallel_loop3A_645, %parallel_loop3A_649 : vector<16xi32>
      %parallel_loop3A_651 = tpu.vector_load_idx %arg8[%parallel_loop3A_650] : memref<1024xf32, #tpu.memory_space<vmem>>[vector<16xi32>], vector<16xf32>,
      %parallel_loop3A_652 = arith.constant 0 : i32
      %parallel_loop3A_653 = arith.addi %parallel_loop3A_652, %parallel_loop3A_642 : i32
      %parallel_loop3A_654 = arith.index_cast %parallel_loop3A_653 : i32 to index
      %parallel_loop3A_655 = tpu.vector_load %arg15[%parallel_loop3A_654] {strides = array<i32>} : memref<38400xf32, #tpu.memory_space<vmem>>, vector<16xf32>,
      tpu.vector_store %arg15[%parallel_loop3A_654], %parallel_loop3A_651 {strides = array<i32>} : memref<38400xf32, #tpu.memory_space<vmem>>, vector<16xf32>,
      %parallel_loop3A_656 = arith.constant 128 : i32
      %parallel_loop3A_657 = vector.broadcast %parallel_loop3A_656 : i32 to vector<16xi32>
      %parallel_loop3A_658 = arith.addi %parallel_loop3A_645, %parallel_loop3A_657 : vector<16xi32>
      %parallel_loop3A_659 = tpu.vector_load_idx %arg8[%parallel_loop3A_658] : memref<1024xf32, #tpu.memory_space<vmem>>[vector<16xi32>], vector<16xf32>,
      %parallel_loop3A_660 = arith.constant 6400 : i32
      %parallel_loop3A_661 = arith.addi %parallel_loop3A_660, %parallel_loop3A_642 : i32
      %parallel_loop3A_662 = arith.index_cast %parallel_loop3A_661 : i32 to index
      %parallel_loop3A_663 = tpu.vector_load %arg15[%parallel_loop3A_662] {strides = array<i32>} : memref<38400xf32, #tpu.memory_space<vmem>>, vector<16xf32>,
      tpu.vector_store %arg15[%parallel_loop3A_662], %parallel_loop3A_659 {strides = array<i32>} : memref<38400xf32, #tpu.memory_space<vmem>>, vector<16xf32>,
      %parallel_loop3A_664 = arith.constant 256 : i32
      %parallel_loop3A_665 = vector.broadcast %parallel_loop3A_664 : i32 to vector<16xi32>
      %parallel_loop3A_666 = arith.addi %parallel_loop3A_645, %parallel_loop3A_665 : vector<16xi32>
      %parallel_loop3A_667 = tpu.vector_load_idx %arg8[%parallel_loop3A_666] : memref<1024xf32, #tpu.memory_space<vmem>>[vector<16xi32>], vector<16xf32>,
      %parallel_loop3A_668 = arith.constant 12800 : i32
      %parallel_loop3A_669 = arith.addi %parallel_loop3A_668, %parallel_loop3A_642 : i32
      %parallel_loop3A_670 = arith.index_cast %parallel_loop3A_669 : i32 to index
      %parallel_loop3A_671 = tpu.vector_load %arg15[%parallel_loop3A_670] {strides = array<i32>} : memref<38400xf32, #tpu.memory_space<vmem>>, vector<16xf32>,
      tpu.vector_store %arg15[%parallel_loop3A_670], %parallel_loop3A_667 {strides = array<i32>} : memref<38400xf32, #tpu.memory_space<vmem>>, vector<16xf32>,
      %parallel_loop3A_672 = arith.constant 384 : i32
      %parallel_loop3A_673 = vector.broadcast %parallel_loop3A_672 : i32 to vector<16xi32>
      %parallel_loop3A_674 = arith.addi %parallel_loop3A_645, %parallel_loop3A_673 : vector<16xi32>
      %parallel_loop3A_675 = tpu.vector_load_idx %arg8[%parallel_loop3A_674] : memref<1024xf32, #tpu.memory_space<vmem>>[vector<16xi32>], vector<16xf32>,
      %parallel_loop3A_676 = arith.constant 19200 : i32
      %parallel_loop3A_677 = arith.addi %parallel_loop3A_676, %parallel_loop3A_642 : i32
      %parallel_loop3A_678 = arith.index_cast %parallel_loop3A_677 : i32 to index
      %parallel_loop3A_679 = tpu.vector_load %arg15[%parallel_loop3A_678] {strides = array<i32>} : memref<38400xf32, #tpu.memory_space<vmem>>, vector<16xf32>,
      tpu.vector_store %arg15[%parallel_loop3A_678], %parallel_loop3A_675 {strides = array<i32>} : memref<38400xf32, #tpu.memory_space<vmem>>, vector<16xf32>,
      %parallel_loop3A_680 = arith.constant 512 : i32
      %parallel_loop3A_681 = vector.broadcast %parallel_loop3A_680 : i32 to vector<16xi32>
      %parallel_loop3A_682 = arith.addi %parallel_loop3A_645, %parallel_loop3A_681 : vector<16xi32>
      %parallel_loop3A_683 = tpu.vector_load_idx %arg8[%parallel_loop3A_682] : memref<1024xf32, #tpu.memory_space<vmem>>[vector<16xi32>], vector<16xf32>,
      %parallel_loop3A_684 = arith.constant 25600 : i32
      %parallel_loop3A_685 = arith.addi %parallel_loop3A_684, %parallel_loop3A_642 : i32
      %parallel_loop3A_686 = arith.index_cast %parallel_loop3A_685 : i32 to index
      %parallel_loop3A_687 = tpu.vector_load %arg15[%parallel_loop3A_686] {strides = array<i32>} : memref<38400xf32, #tpu.memory_space<vmem>>, vector<16xf32>,
      tpu.vector_store %arg15[%parallel_loop3A_686], %parallel_loop3A_683 {strides = array<i32>} : memref<38400xf32, #tpu.memory_space<vmem>>, vector<16xf32>,
      %parallel_loop3A_688 = arith.constant 640 : i32
      %parallel_loop3A_689 = vector.broadcast %parallel_loop3A_688 : i32 to vector<16xi32>
      %parallel_loop3A_690 = arith.addi %parallel_loop3A_645, %parallel_loop3A_689 : vector<16xi32>
      %parallel_loop3A_691 = tpu.vector_load_idx %arg8[%parallel_loop3A_690] : memref<1024xf32, #tpu.memory_space<vmem>>[vector<16xi32>], vector<16xf32>,
      %parallel_loop3A_692 = arith.constant 32000 : i32
      %parallel_loop3A_693 = arith.addi %parallel_loop3A_692, %parallel_loop3A_642 : i32
      %parallel_loop3A_694 = arith.index_cast %parallel_loop3A_693 : i32 to index
      %parallel_loop3A_695 = tpu.vector_load %arg15[%parallel_loop3A_694] {strides = array<i32>} : memref<38400xf32, #tpu.memory_space<vmem>>, vector<16xf32>,
      tpu.vector_store %arg15[%parallel_loop3A_694], %parallel_loop3A_691 {strides = array<i32>} : memref<38400xf32, #tpu.memory_space<vmem>>, vector<16xf32>,
      %parallel_loop3A_696 = arith.constant 128 : i32
      %parallel_loop3A_697 = vector.broadcast %parallel_loop3A_696 : i32 to vector<16xi32>
      %parallel_loop3A_698 = arith.muli %parallel_loop3A_647, %parallel_loop3A_697 : vector<16xi32>
      %parallel_loop3A_699 = arith.addi %parallel_loop3A_698, %parallel_loop3A_645 : vector<16xi32>
      %parallel_loop3A_700 = tpu.vector_load_idx %arg9[%parallel_loop3A_699] : memref<2048xf32, #tpu.memory_space<vmem>>[vector<16xi32>], vector<16xf32>,
      %parallel_loop3A_701 = arith.addf %parallel_loop3A_643, %parallel_loop3A_700 : vector<16xf32>
      scf.yield %parallel_loop3A_701 : vector<16xf32>
    } {sc.loop_unroll_factor = 4 : i64, sc.parallel_access}
    %add3A_141 = arith.constant 0 : i32
    %add3A_142 = arith.addi %add3A_141, %mul3A_2 : i32
    %add3A_143 = arith.constant 3200 : i32
    %add3A_144 = arith.addi %add3A_142, %add3A_143 : i32
    %dma_start3A_145 = arith.constant 0 : i32
    %dma_start3A_146 = tpu.memref_slice %arg15[%dma_start3A_145] : memref<38400xf32, #tpu.memory_space<vmem>> -> memref<6400xf32, #tpu.memory_space<vmem>>
    %dma_start3A_147 = tpu.memref_slice %arg6[%add3A_144] : memref<4915200xf32, #tpu.memory_space<hbm>> -> memref<6400xf32, #tpu.memory_space<hbm>>
    %dma_start3A_148 = tpu.memref_slice %arg6[%add3A_144] : memref<4915200xf32, #tpu.memory_space<hbm>> -> memref<6400xf32, #tpu.memory_space<hbm>>
    %dma_start3A_149 = arith.constant 0 : i32
    %dma_start3A_150 = tpu.memref_slice %arg15[%dma_start3A_149] : memref<38400xf32, #tpu.memory_space<vmem>> -> memref<6400xf32, #tpu.memory_space<vmem>>
    tpu.enqueue_dma source(%dma_start3A_150 : memref<6400xf32, #tpu.memory_space<vmem>>) target(%dma_start3A_148 : memref<6400xf32, #tpu.memory_space<hbm>>) target_semaphore(%arg20 : memref<!tpu.dma_semaphore, #tpu.memory_space<semaphore_mem>>)
    %add3A_151 = arith.constant 819200 : i32
    %add3A_152 = arith.addi %add3A_151, %mul3A_2 : i32
    %add3A_153 = arith.constant 3200 : i32
    %add3A_154 = arith.addi %add3A_152, %add3A_153 : i32
    %dma_start3A_155 = arith.constant 6400 : i32
    %dma_start3A_156 = tpu.memref_slice %arg15[%dma_start3A_155] : memref<38400xf32, #tpu.memory_space<vmem>> -> memref<6400xf32, #tpu.memory_space<vmem>>
    %dma_start3A_157 = tpu.memref_slice %arg6[%add3A_154] : memref<4915200xf32, #tpu.memory_space<hbm>> -> memref<6400xf32, #tpu.memory_space<hbm>>
    %dma_start3A_158 = tpu.memref_slice %arg6[%add3A_154] : memref<4915200xf32, #tpu.memory_space<hbm>> -> memref<6400xf32, #tpu.memory_space<hbm>>
    %dma_start3A_159 = arith.constant 6400 : i32
    %dma_start3A_160 = tpu.memref_slice %arg15[%dma_start3A_159] : memref<38400xf32, #tpu.memory_space<vmem>> -> memref<6400xf32, #tpu.memory_space<vmem>>
    tpu.enqueue_dma source(%dma_start3A_160 : memref<6400xf32, #tpu.memory_space<vmem>>) target(%dma_start3A_158 : memref<6400xf32, #tpu.memory_space<hbm>>) target_semaphore(%arg20 : memref<!tpu.dma_semaphore, #tpu.memory_space<semaphore_mem>>)
    %add3A_161 = arith.constant 1638400 : i32
    %add3A_162 = arith.addi %add3A_161, %mul3A_2 : i32
    %add3A_163 = arith.constant 3200 : i32
    %add3A_164 = arith.addi %add3A_162, %add3A_163 : i32
    %dma_start3A_165 = arith.constant 12800 : i32
    %dma_start3A_166 = tpu.memref_slice %arg15[%dma_start3A_165] : memref<38400xf32, #tpu.memory_space<vmem>> -> memref<6400xf32, #tpu.memory_space<vmem>>
    %dma_start3A_167 = tpu.memref_slice %arg6[%add3A_164] : memref<4915200xf32, #tpu.memory_space<hbm>> -> memref<6400xf32, #tpu.memory_space<hbm>>
    %dma_start3A_168 = tpu.memref_slice %arg6[%add3A_164] : memref<4915200xf32, #tpu.memory_space<hbm>> -> memref<6400xf32, #tpu.memory_space<hbm>>
    %dma_start3A_169 = arith.constant 12800 : i32
    %dma_start3A_170 = tpu.memref_slice %arg15[%dma_start3A_169] : memref<38400xf32, #tpu.memory_space<vmem>> -> memref<6400xf32, #tpu.memory_space<vmem>>
    tpu.enqueue_dma source(%dma_start3A_170 : memref<6400xf32, #tpu.memory_space<vmem>>) target(%dma_start3A_168 : memref<6400xf32, #tpu.memory_space<hbm>>) target_semaphore(%arg20 : memref<!tpu.dma_semaphore, #tpu.memory_space<semaphore_mem>>)
    %add3A_171 = arith.constant 2457600 : i32
    %add3A_172 = arith.addi %add3A_171, %mul3A_2 : i32
    %add3A_173 = arith.constant 3200 : i32
    %add3A_174 = arith.addi %add3A_172, %add3A_173 : i32
    %dma_start3A_175 = arith.constant 19200 : i32
    %dma_start3A_176 = tpu.memref_slice %arg15[%dma_start3A_175] : memref<38400xf32, #tpu.memory_space<vmem>> -> memref<6400xf32, #tpu.memory_space<vmem>>
    %dma_start3A_177 = tpu.memref_slice %arg6[%add3A_174] : memref<4915200xf32, #tpu.memory_space<hbm>> -> memref<6400xf32, #tpu.memory_space<hbm>>
    %dma_start3A_178 = tpu.memref_slice %arg6[%add3A_174] : memref<4915200xf32, #tpu.memory_space<hbm>> -> memref<6400xf32, #tpu.memory_space<hbm>>
    %dma_start3A_179 = arith.constant 19200 : i32
    %dma_start3A_180 = tpu.memref_slice %arg15[%dma_start3A_179] : memref<38400xf32, #tpu.memory_space<vmem>> -> memref<6400xf32, #tpu.memory_space<vmem>>
    tpu.enqueue_dma source(%dma_start3A_180 : memref<6400xf32, #tpu.memory_space<vmem>>) target(%dma_start3A_178 : memref<6400xf32, #tpu.memory_space<hbm>>) target_semaphore(%arg20 : memref<!tpu.dma_semaphore, #tpu.memory_space<semaphore_mem>>)
    %add3A_181 = arith.constant 3276800 : i32
    %add3A_182 = arith.addi %add3A_181, %mul3A_2 : i32
    %add3A_183 = arith.constant 3200 : i32
    %add3A_184 = arith.addi %add3A_182, %add3A_183 : i32
    %dma_start3A_185 = arith.constant 25600 : i32
    %dma_start3A_186 = tpu.memref_slice %arg15[%dma_start3A_185] : memref<38400xf32, #tpu.memory_space<vmem>> -> memref<6400xf32, #tpu.memory_space<vmem>>
    %dma_start3A_187 = tpu.memref_slice %arg6[%add3A_184] : memref<4915200xf32, #tpu.memory_space<hbm>> -> memref<6400xf32, #tpu.memory_space<hbm>>
    %dma_start3A_188 = tpu.memref_slice %arg6[%add3A_184] : memref<4915200xf32, #tpu.memory_space<hbm>> -> memref<6400xf32, #tpu.memory_space<hbm>>
    %dma_start3A_189 = arith.constant 25600 : i32
    %dma_start3A_190 = tpu.memref_slice %arg15[%dma_start3A_189] : memref<38400xf32, #tpu.memory_space<vmem>> -> memref<6400xf32, #tpu.memory_space<vmem>>
    tpu.enqueue_dma source(%dma_start3A_190 : memref<6400xf32, #tpu.memory_space<vmem>>) target(%dma_start3A_188 : memref<6400xf32, #tpu.memory_space<hbm>>) target_semaphore(%arg20 : memref<!tpu.dma_semaphore, #tpu.memory_space<semaphore_mem>>)
    %add3A_191 = arith.constant 4096000 : i32
    %add3A_192 = arith.addi %add3A_191, %mul3A_2 : i32
    %add3A_193 = arith.constant 3200 : i32
    %add3A_194 = arith.addi %add3A_192, %add3A_193 : i32
    %dma_start3A_195 = arith.constant 32000 : i32
    %dma_start3A_196 = tpu.memref_slice %arg15[%dma_start3A_195] : memref<38400xf32, #tpu.memory_space<vmem>> -> memref<6400xf32, #tpu.memory_space<vmem>>
    %dma_start3A_197 = tpu.memref_slice %arg6[%add3A_194] : memref<4915200xf32, #tpu.memory_space<hbm>> -> memref<6400xf32, #tpu.memory_space<hbm>>
    %dma_start3A_198 = tpu.memref_slice %arg6[%add3A_194] : memref<4915200xf32, #tpu.memory_space<hbm>> -> memref<6400xf32, #tpu.memory_space<hbm>>
    %dma_start3A_199 = arith.constant 32000 : i32
    %dma_start3A_200 = tpu.memref_slice %arg15[%dma_start3A_199] : memref<38400xf32, #tpu.memory_space<vmem>> -> memref<6400xf32, #tpu.memory_space<vmem>>
    tpu.enqueue_dma source(%dma_start3A_200 : memref<6400xf32, #tpu.memory_space<vmem>>) target(%dma_start3A_198 : memref<6400xf32, #tpu.memory_space<hbm>>) target_semaphore(%arg20 : memref<!tpu.dma_semaphore, #tpu.memory_space<semaphore_mem>>)
    %dma_wait3A_201 = arith.constant 0 : i32
    %dma_wait3A_202 = tpu.memref_slice %arg10[%dma_wait3A_201] : memref<6400xi32, #tpu.memory_space<vmem>> -> memref<6400xi32, #tpu.memory_space<vmem>>
    %dma_wait3A_203 = tpu.memref_slice %arg2[%add3A_122] : memref<819200xi32, #tpu.memory_space<hbm>> -> memref<6400xi32, #tpu.memory_space<hbm>>
    %dma_wait3A_204 = arith.constant 0 : i32
    %dma_wait3A_205 = tpu.memref_slice %arg10[%dma_wait3A_204] : memref<6400xi32, #tpu.memory_space<vmem>> -> memref<6400xi32, #tpu.memory_space<vmem>>
    %dma_wait3A_206 = tpu.memref_slice %arg2[%add3A_122] : memref<819200xi32, #tpu.memory_space<hbm>> -> memref<6400xi32, #tpu.memory_space<hbm>>
    tpu.wait_dma2 semaphore(%arg17 : memref<!tpu.dma_semaphore, #tpu.memory_space<semaphore_mem>>) src(%dma_wait3A_206 : memref<6400xi32, #tpu.memory_space<hbm>>) dst(%dma_wait3A_205 : memref<6400xi32, #tpu.memory_space<vmem>>)
    %dma_wait3A_207 = arith.constant 0 : i32
    %dma_wait3A_208 = tpu.memref_slice %arg12[%dma_wait3A_207] : memref<6400xi32, #tpu.memory_space<vmem>> -> memref<6400xi32, #tpu.memory_space<vmem>>
    %dma_wait3A_209 = tpu.memref_slice %arg3[%add3A_130] : memref<819200xi32, #tpu.memory_space<hbm>> -> memref<6400xi32, #tpu.memory_space<hbm>>
    %dma_wait3A_210 = arith.constant 0 : i32
    %dma_wait3A_211 = tpu.memref_slice %arg12[%dma_wait3A_210] : memref<6400xi32, #tpu.memory_space<vmem>> -> memref<6400xi32, #tpu.memory_space<vmem>>
    %dma_wait3A_212 = tpu.memref_slice %arg3[%add3A_130] : memref<819200xi32, #tpu.memory_space<hbm>> -> memref<6400xi32, #tpu.memory_space<hbm>>
    tpu.wait_dma2 semaphore(%arg18 : memref<!tpu.dma_semaphore, #tpu.memory_space<semaphore_mem>>) src(%dma_wait3A_212 : memref<6400xi32, #tpu.memory_space<hbm>>) dst(%dma_wait3A_211 : memref<6400xi32, #tpu.memory_space<vmem>>)
    %add3A_213 = arith.constant 16000 : i32
    %add3A_214 = arith.addi %mul3A_2, %add3A_213 : i32
    %dma_start3A_215 = arith.constant 0 : i32
    %dma_start3A_216 = tpu.memref_slice %arg11[%dma_start3A_215] : memref<6400xi32, #tpu.memory_space<vmem>> -> memref<6400xi32, #tpu.memory_space<vmem>>
    %dma_start3A_217 = tpu.memref_slice %arg2[%add3A_214] : memref<819200xi32, #tpu.memory_space<hbm>> -> memref<6400xi32, #tpu.memory_space<hbm>>
    %dma_start3A_218 = arith.constant 0 : i32
    %dma_start3A_219 = tpu.memref_slice %arg11[%dma_start3A_218] : memref<6400xi32, #tpu.memory_space<vmem>> -> memref<6400xi32, #tpu.memory_space<vmem>>
    %dma_start3A_220 = tpu.memref_slice %arg2[%add3A_214] : memref<819200xi32, #tpu.memory_space<hbm>> -> memref<6400xi32, #tpu.memory_space<hbm>>
    tpu.enqueue_dma source(%dma_start3A_220 : memref<6400xi32, #tpu.memory_space<hbm>>) target(%dma_start3A_219 : memref<6400xi32, #tpu.memory_space<vmem>>) target_semaphore(%arg17 : memref<!tpu.dma_semaphore, #tpu.memory_space<semaphore_mem>>)
    %add3A_221 = arith.constant 16000 : i32
    %add3A_222 = arith.addi %mul3A_2, %add3A_221 : i32
    %dma_start3A_223 = arith.constant 0 : i32
    %dma_start3A_224 = tpu.memref_slice %arg13[%dma_start3A_223] : memref<6400xi32, #tpu.memory_space<vmem>> -> memref<6400xi32, #tpu.memory_space<vmem>>
    %dma_start3A_225 = tpu.memref_slice %arg3[%add3A_222] : memref<819200xi32, #tpu.memory_space<hbm>> -> memref<6400xi32, #tpu.memory_space<hbm>>
    %dma_start3A_226 = arith.constant 0 : i32
    %dma_start3A_227 = tpu.memref_slice %arg13[%dma_start3A_226] : memref<6400xi32, #tpu.memory_space<vmem>> -> memref<6400xi32, #tpu.memory_space<vmem>>
    %dma_start3A_228 = tpu.memref_slice %arg3[%add3A_222] : memref<819200xi32, #tpu.memory_space<hbm>> -> memref<6400xi32, #tpu.memory_space<hbm>>
    tpu.enqueue_dma source(%dma_start3A_228 : memref<6400xi32, #tpu.memory_space<hbm>>) target(%dma_start3A_227 : memref<6400xi32, #tpu.memory_space<vmem>>) target_semaphore(%arg18 : memref<!tpu.dma_semaphore, #tpu.memory_space<semaphore_mem>>)
    %dma_wait3A_229 = arith.constant 0 : i32
    %dma_wait3A_230 = tpu.memref_slice %arg14[%dma_wait3A_229] : memref<38400xf32, #tpu.memory_space<vmem>> -> memref<3200xf32, #tpu.memory_space<vmem>>
    %dma_wait3A_231 = tpu.memref_slice %arg6[%add3A_52] : memref<4915200xf32, #tpu.memory_space<hbm>> -> memref<3200xf32, #tpu.memory_space<hbm>>
    %dma_wait3A_232 = tpu.memref_slice %arg6[%add3A_52] : memref<4915200xf32, #tpu.memory_space<hbm>> -> memref<3200xf32, #tpu.memory_space<hbm>>
    %dma_wait3A_233 = arith.constant 0 : i32
    %dma_wait3A_234 = tpu.memref_slice %arg14[%dma_wait3A_233] : memref<38400xf32, #tpu.memory_space<vmem>> -> memref<3200xf32, #tpu.memory_space<vmem>>
    tpu.wait_dma2 semaphore(%arg19 : memref<!tpu.dma_semaphore, #tpu.memory_space<semaphore_mem>>) src(%dma_wait3A_234 : memref<3200xf32, #tpu.memory_space<vmem>>) dst(%dma_wait3A_232 : memref<3200xf32, #tpu.memory_space<hbm>>)
    %dma_wait3A_235 = arith.constant 6400 : i32
    %dma_wait3A_236 = tpu.memref_slice %arg14[%dma_wait3A_235] : memref<38400xf32, #tpu.memory_space<vmem>> -> memref<3200xf32, #tpu.memory_space<vmem>>
    %dma_wait3A_237 = tpu.memref_slice %arg6[%add3A_62] : memref<4915200xf32, #tpu.memory_space<hbm>> -> memref<3200xf32, #tpu.memory_space<hbm>>
    %dma_wait3A_238 = tpu.memref_slice %arg6[%add3A_62] : memref<4915200xf32, #tpu.memory_space<hbm>> -> memref<3200xf32, #tpu.memory_space<hbm>>
    %dma_wait3A_239 = arith.constant 6400 : i32
    %dma_wait3A_240 = tpu.memref_slice %arg14[%dma_wait3A_239] : memref<38400xf32, #tpu.memory_space<vmem>> -> memref<3200xf32, #tpu.memory_space<vmem>>
    tpu.wait_dma2 semaphore(%arg19 : memref<!tpu.dma_semaphore, #tpu.memory_space<semaphore_mem>>) src(%dma_wait3A_240 : memref<3200xf32, #tpu.memory_space<vmem>>) dst(%dma_wait3A_238 : memref<3200xf32, #tpu.memory_space<hbm>>)
    %dma_wait3A_241 = arith.constant 12800 : i32
    %dma_wait3A_242 = tpu.memref_slice %arg14[%dma_wait3A_241] : memref<38400xf32, #tpu.memory_space<vmem>> -> memref<3200xf32, #tpu.memory_space<vmem>>
    %dma_wait3A_243 = tpu.memref_slice %arg6[%add3A_72] : memref<4915200xf32, #tpu.memory_space<hbm>> -> memref<3200xf32, #tpu.memory_space<hbm>>
    %dma_wait3A_244 = tpu.memref_slice %arg6[%add3A_72] : memref<4915200xf32, #tpu.memory_space<hbm>> -> memref<3200xf32, #tpu.memory_space<hbm>>
    %dma_wait3A_245 = arith.constant 12800 : i32
    %dma_wait3A_246 = tpu.memref_slice %arg14[%dma_wait3A_245] : memref<38400xf32, #tpu.memory_space<vmem>> -> memref<3200xf32, #tpu.memory_space<vmem>>
    tpu.wait_dma2 semaphore(%arg19 : memref<!tpu.dma_semaphore, #tpu.memory_space<semaphore_mem>>) src(%dma_wait3A_246 : memref<3200xf32, #tpu.memory_space<vmem>>) dst(%dma_wait3A_244 : memref<3200xf32, #tpu.memory_space<hbm>>)
    %dma_wait3A_247 = arith.constant 19200 : i32
    %dma_wait3A_248 = tpu.memref_slice %arg14[%dma_wait3A_247] : memref<38400xf32, #tpu.memory_space<vmem>> -> memref<3200xf32, #tpu.memory_space<vmem>>
    %dma_wait3A_249 = tpu.memref_slice %arg6[%add3A_82] : memref<4915200xf32, #tpu.memory_space<hbm>> -> memref<3200xf32, #tpu.memory_space<hbm>>
    %dma_wait3A_250 = tpu.memref_slice %arg6[%add3A_82] : memref<4915200xf32, #tpu.memory_space<hbm>> -> memref<3200xf32, #tpu.memory_space<hbm>>
    %dma_wait3A_251 = arith.constant 19200 : i32
    %dma_wait3A_252 = tpu.memref_slice %arg14[%dma_wait3A_251] : memref<38400xf32, #tpu.memory_space<vmem>> -> memref<3200xf32, #tpu.memory_space<vmem>>
    tpu.wait_dma2 semaphore(%arg19 : memref<!tpu.dma_semaphore, #tpu.memory_space<semaphore_mem>>) src(%dma_wait3A_252 : memref<3200xf32, #tpu.memory_space<vmem>>) dst(%dma_wait3A_250 : memref<3200xf32, #tpu.memory_space<hbm>>)
    %dma_wait3A_253 = arith.constant 25600 : i32
    %dma_wait3A_254 = tpu.memref_slice %arg14[%dma_wait3A_253] : memref<38400xf32, #tpu.memory_space<vmem>> -> memref<3200xf32, #tpu.memory_space<vmem>>
    %dma_wait3A_255 = tpu.memref_slice %arg6[%add3A_92] : memref<4915200xf32, #tpu.memory_space<hbm>> -> memref<3200xf32, #tpu.memory_space<hbm>>
    %dma_wait3A_256 = tpu.memref_slice %arg6[%add3A_92] : memref<4915200xf32, #tpu.memory_space<hbm>> -> memref<3200xf32, #tpu.memory_space<hbm>>
    %dma_wait3A_257 = arith.constant 25600 : i32
    %dma_wait3A_258 = tpu.memref_slice %arg14[%dma_wait3A_257] : memref<38400xf32, #tpu.memory_space<vmem>> -> memref<3200xf32, #tpu.memory_space<vmem>>
    tpu.wait_dma2 semaphore(%arg19 : memref<!tpu.dma_semaphore, #tpu.memory_space<semaphore_mem>>) src(%dma_wait3A_258 : memref<3200xf32, #tpu.memory_space<vmem>>) dst(%dma_wait3A_256 : memref<3200xf32, #tpu.memory_space<hbm>>)
    %dma_wait3A_259 = arith.constant 32000 : i32
    %dma_wait3A_260 = tpu.memref_slice %arg14[%dma_wait3A_259] : memref<38400xf32, #tpu.memory_space<vmem>> -> memref<3200xf32, #tpu.memory_space<vmem>>
    %dma_wait3A_261 = tpu.memref_slice %arg6[%add3A_102] : memref<4915200xf32, #tpu.memory_space<hbm>> -> memref<3200xf32, #tpu.memory_space<hbm>>
    %dma_wait3A_262 = tpu.memref_slice %arg6[%add3A_102] : memref<4915200xf32, #tpu.memory_space<hbm>> -> memref<3200xf32, #tpu.memory_space<hbm>>
    %dma_wait3A_263 = arith.constant 32000 : i32
    %dma_wait3A_264 = tpu.memref_slice %arg14[%dma_wait3A_263] : memref<38400xf32, #tpu.memory_space<vmem>> -> memref<3200xf32, #tpu.memory_space<vmem>>
    tpu.wait_dma2 semaphore(%arg19 : memref<!tpu.dma_semaphore, #tpu.memory_space<semaphore_mem>>) src(%dma_wait3A_264 : memref<3200xf32, #tpu.memory_space<vmem>>) dst(%dma_wait3A_262 : memref<3200xf32, #tpu.memory_space<hbm>>)
    %parallel_loop3A_265 = arith.constant 0 : i32
    %parallel_loop3A_266 = arith.constant 6400 : i32
    %parallel_loop3A_267 = arith.constant 16 : i32
    %parallel_loop3A_268 = scf.for %parallel_loop3A_642 = %parallel_loop3A_265 to %parallel_loop3A_266 step %parallel_loop3A_267 iter_args(%parallel_loop3A_643 = %parallel_loop3A_140) -> (vector<16xf32>)  : i32 {
      %parallel_loop3A_644 = arith.index_cast %parallel_loop3A_642 : i32 to index
      %parallel_loop3A_645 = tpu.vector_load %arg10[%parallel_loop3A_644] {strides = array<i32>} : memref<6400xi32, #tpu.memory_space<vmem>>, vector<16xi32>,
      %parallel_loop3A_646 = arith.index_cast %parallel_loop3A_642 : i32 to index
      %parallel_loop3A_647 = tpu.vector_load %arg12[%parallel_loop3A_646] {strides = array<i32>} : memref<6400xi32, #tpu.memory_space<vmem>>, vector<16xi32>,
      %parallel_loop3A_648 = arith.constant 0 : i32
      %parallel_loop3A_649 = vector.broadcast %parallel_loop3A_648 : i32 to vector<16xi32>
      %parallel_loop3A_650 = arith.addi %parallel_loop3A_645, %parallel_loop3A_649 : vector<16xi32>
      %parallel_loop3A_651 = tpu.vector_load_idx %arg8[%parallel_loop3A_650] : memref<1024xf32, #tpu.memory_space<vmem>>[vector<16xi32>], vector<16xf32>,
      %parallel_loop3A_652 = arith.constant 0 : i32
      %parallel_loop3A_653 = arith.addi %parallel_loop3A_652, %parallel_loop3A_642 : i32
      %parallel_loop3A_654 = arith.index_cast %parallel_loop3A_653 : i32 to index
      %parallel_loop3A_655 = tpu.vector_load %arg14[%parallel_loop3A_654] {strides = array<i32>} : memref<38400xf32, #tpu.memory_space<vmem>>, vector<16xf32>,
      tpu.vector_store %arg14[%parallel_loop3A_654], %parallel_loop3A_651 {strides = array<i32>} : memref<38400xf32, #tpu.memory_space<vmem>>, vector<16xf32>,
      %parallel_loop3A_656 = arith.constant 128 : i32
      %parallel_loop3A_657 = vector.broadcast %parallel_loop3A_656 : i32 to vector<16xi32>
      %parallel_loop3A_658 = arith.addi %parallel_loop3A_645, %parallel_loop3A_657 : vector<16xi32>
      %parallel_loop3A_659 = tpu.vector_load_idx %arg8[%parallel_loop3A_658] : memref<1024xf32, #tpu.memory_space<vmem>>[vector<16xi32>], vector<16xf32>,
      %parallel_loop3A_660 = arith.constant 6400 : i32
      %parallel_loop3A_661 = arith.addi %parallel_loop3A_660, %parallel_loop3A_642 : i32
      %parallel_loop3A_662 = arith.index_cast %parallel_loop3A_661 : i32 to index
      %parallel_loop3A_663 = tpu.vector_load %arg14[%parallel_loop3A_662] {strides = array<i32>} : memref<38400xf32, #tpu.memory_space<vmem>>, vector<16xf32>,
      tpu.vector_store %arg14[%parallel_loop3A_662], %parallel_loop3A_659 {strides = array<i32>} : memref<38400xf32, #tpu.memory_space<vmem>>, vector<16xf32>,
      %parallel_loop3A_664 = arith.constant 256 : i32
      %parallel_loop3A_665 = vector.broadcast %parallel_loop3A_664 : i32 to vector<16xi32>
      %parallel_loop3A_666 = arith.addi %parallel_loop3A_645, %parallel_loop3A_665 : vector<16xi32>
      %parallel_loop3A_667 = tpu.vector_load_idx %arg8[%parallel_loop3A_666] : memref<1024xf32, #tpu.memory_space<vmem>>[vector<16xi32>], vector<16xf32>,
      %parallel_loop3A_668 = arith.constant 12800 : i32
      %parallel_loop3A_669 = arith.addi %parallel_loop3A_668, %parallel_loop3A_642 : i32
      %parallel_loop3A_670 = arith.index_cast %parallel_loop3A_669 : i32 to index
      %parallel_loop3A_671 = tpu.vector_load %arg14[%parallel_loop3A_670] {strides = array<i32>} : memref<38400xf32, #tpu.memory_space<vmem>>, vector<16xf32>,
      tpu.vector_store %arg14[%parallel_loop3A_670], %parallel_loop3A_667 {strides = array<i32>} : memref<38400xf32, #tpu.memory_space<vmem>>, vector<16xf32>,
      %parallel_loop3A_672 = arith.constant 384 : i32
      %parallel_loop3A_673 = vector.broadcast %parallel_loop3A_672 : i32 to vector<16xi32>
      %parallel_loop3A_674 = arith.addi %parallel_loop3A_645, %parallel_loop3A_673 : vector<16xi32>
      %parallel_loop3A_675 = tpu.vector_load_idx %arg8[%parallel_loop3A_674] : memref<1024xf32, #tpu.memory_space<vmem>>[vector<16xi32>], vector<16xf32>,
      %parallel_loop3A_676 = arith.constant 19200 : i32
      %parallel_loop3A_677 = arith.addi %parallel_loop3A_676, %parallel_loop3A_642 : i32
      %parallel_loop3A_678 = arith.index_cast %parallel_loop3A_677 : i32 to index
      %parallel_loop3A_679 = tpu.vector_load %arg14[%parallel_loop3A_678] {strides = array<i32>} : memref<38400xf32, #tpu.memory_space<vmem>>, vector<16xf32>,
      tpu.vector_store %arg14[%parallel_loop3A_678], %parallel_loop3A_675 {strides = array<i32>} : memref<38400xf32, #tpu.memory_space<vmem>>, vector<16xf32>,
      %parallel_loop3A_680 = arith.constant 512 : i32
      %parallel_loop3A_681 = vector.broadcast %parallel_loop3A_680 : i32 to vector<16xi32>
      %parallel_loop3A_682 = arith.addi %parallel_loop3A_645, %parallel_loop3A_681 : vector<16xi32>
      %parallel_loop3A_683 = tpu.vector_load_idx %arg8[%parallel_loop3A_682] : memref<1024xf32, #tpu.memory_space<vmem>>[vector<16xi32>], vector<16xf32>,
      %parallel_loop3A_684 = arith.constant 25600 : i32
      %parallel_loop3A_685 = arith.addi %parallel_loop3A_684, %parallel_loop3A_642 : i32
      %parallel_loop3A_686 = arith.index_cast %parallel_loop3A_685 : i32 to index
      %parallel_loop3A_687 = tpu.vector_load %arg14[%parallel_loop3A_686] {strides = array<i32>} : memref<38400xf32, #tpu.memory_space<vmem>>, vector<16xf32>,
      tpu.vector_store %arg14[%parallel_loop3A_686], %parallel_loop3A_683 {strides = array<i32>} : memref<38400xf32, #tpu.memory_space<vmem>>, vector<16xf32>,
      %parallel_loop3A_688 = arith.constant 640 : i32
      %parallel_loop3A_689 = vector.broadcast %parallel_loop3A_688 : i32 to vector<16xi32>
      %parallel_loop3A_690 = arith.addi %parallel_loop3A_645, %parallel_loop3A_689 : vector<16xi32>
      %parallel_loop3A_691 = tpu.vector_load_idx %arg8[%parallel_loop3A_690] : memref<1024xf32, #tpu.memory_space<vmem>>[vector<16xi32>], vector<16xf32>,
      %parallel_loop3A_692 = arith.constant 32000 : i32
      %parallel_loop3A_693 = arith.addi %parallel_loop3A_692, %parallel_loop3A_642 : i32
      %parallel_loop3A_694 = arith.index_cast %parallel_loop3A_693 : i32 to index
      %parallel_loop3A_695 = tpu.vector_load %arg14[%parallel_loop3A_694] {strides = array<i32>} : memref<38400xf32, #tpu.memory_space<vmem>>, vector<16xf32>,
      tpu.vector_store %arg14[%parallel_loop3A_694], %parallel_loop3A_691 {strides = array<i32>} : memref<38400xf32, #tpu.memory_space<vmem>>, vector<16xf32>,
      %parallel_loop3A_696 = arith.constant 128 : i32
      %parallel_loop3A_697 = vector.broadcast %parallel_loop3A_696 : i32 to vector<16xi32>
      %parallel_loop3A_698 = arith.muli %parallel_loop3A_647, %parallel_loop3A_697 : vector<16xi32>
      %parallel_loop3A_699 = arith.addi %parallel_loop3A_698, %parallel_loop3A_645 : vector<16xi32>
      %parallel_loop3A_700 = tpu.vector_load_idx %arg9[%parallel_loop3A_699] : memref<2048xf32, #tpu.memory_space<vmem>>[vector<16xi32>], vector<16xf32>,
      %parallel_loop3A_701 = arith.addf %parallel_loop3A_643, %parallel_loop3A_700 : vector<16xf32>
      scf.yield %parallel_loop3A_701 : vector<16xf32>
    } {sc.loop_unroll_factor = 4 : i64, sc.parallel_access}
    %add3A_269 = arith.constant 0 : i32
    %add3A_270 = arith.addi %add3A_269, %mul3A_2 : i32
    %add3A_271 = arith.constant 9600 : i32
    %add3A_272 = arith.addi %add3A_270, %add3A_271 : i32
    %dma_start3A_273 = arith.constant 0 : i32
    %dma_start3A_274 = tpu.memref_slice %arg14[%dma_start3A_273] : memref<38400xf32, #tpu.memory_space<vmem>> -> memref<6400xf32, #tpu.memory_space<vmem>>
    %dma_start3A_275 = tpu.memref_slice %arg6[%add3A_272] : memref<4915200xf32, #tpu.memory_space<hbm>> -> memref<6400xf32, #tpu.memory_space<hbm>>
    %dma_start3A_276 = tpu.memref_slice %arg6[%add3A_272] : memref<4915200xf32, #tpu.memory_space<hbm>> -> memref<6400xf32, #tpu.memory_space<hbm>>
    %dma_start3A_277 = arith.constant 0 : i32
    %dma_start3A_278 = tpu.memref_slice %arg14[%dma_start3A_277] : memref<38400xf32, #tpu.memory_space<vmem>> -> memref<6400xf32, #tpu.memory_space<vmem>>
    tpu.enqueue_dma source(%dma_start3A_278 : memref<6400xf32, #tpu.memory_space<vmem>>) target(%dma_start3A_276 : memref<6400xf32, #tpu.memory_space<hbm>>) target_semaphore(%arg19 : memref<!tpu.dma_semaphore, #tpu.memory_space<semaphore_mem>>)
    %add3A_279 = arith.constant 819200 : i32
    %add3A_280 = arith.addi %add3A_279, %mul3A_2 : i32
    %add3A_281 = arith.constant 9600 : i32
    %add3A_282 = arith.addi %add3A_280, %add3A_281 : i32
    %dma_start3A_283 = arith.constant 6400 : i32
    %dma_start3A_284 = tpu.memref_slice %arg14[%dma_start3A_283] : memref<38400xf32, #tpu.memory_space<vmem>> -> memref<6400xf32, #tpu.memory_space<vmem>>
    %dma_start3A_285 = tpu.memref_slice %arg6[%add3A_282] : memref<4915200xf32, #tpu.memory_space<hbm>> -> memref<6400xf32, #tpu.memory_space<hbm>>
    %dma_start3A_286 = tpu.memref_slice %arg6[%add3A_282] : memref<4915200xf32, #tpu.memory_space<hbm>> -> memref<6400xf32, #tpu.memory_space<hbm>>
    %dma_start3A_287 = arith.constant 6400 : i32
    %dma_start3A_288 = tpu.memref_slice %arg14[%dma_start3A_287] : memref<38400xf32, #tpu.memory_space<vmem>> -> memref<6400xf32, #tpu.memory_space<vmem>>
    tpu.enqueue_dma source(%dma_start3A_288 : memref<6400xf32, #tpu.memory_space<vmem>>) target(%dma_start3A_286 : memref<6400xf32, #tpu.memory_space<hbm>>) target_semaphore(%arg19 : memref<!tpu.dma_semaphore, #tpu.memory_space<semaphore_mem>>)
    %add3A_289 = arith.constant 1638400 : i32
    %add3A_290 = arith.addi %add3A_289, %mul3A_2 : i32
    %add3A_291 = arith.constant 9600 : i32
    %add3A_292 = arith.addi %add3A_290, %add3A_291 : i32
    %dma_start3A_293 = arith.constant 12800 : i32
    %dma_start3A_294 = tpu.memref_slice %arg14[%dma_start3A_293] : memref<38400xf32, #tpu.memory_space<vmem>> -> memref<6400xf32, #tpu.memory_space<vmem>>
    %dma_start3A_295 = tpu.memref_slice %arg6[%add3A_292] : memref<4915200xf32, #tpu.memory_space<hbm>> -> memref<6400xf32, #tpu.memory_space<hbm>>
    %dma_start3A_296 = tpu.memref_slice %arg6[%add3A_292] : memref<4915200xf32, #tpu.memory_space<hbm>> -> memref<6400xf32, #tpu.memory_space<hbm>>
    %dma_start3A_297 = arith.constant 12800 : i32
    %dma_start3A_298 = tpu.memref_slice %arg14[%dma_start3A_297] : memref<38400xf32, #tpu.memory_space<vmem>> -> memref<6400xf32, #tpu.memory_space<vmem>>
    tpu.enqueue_dma source(%dma_start3A_298 : memref<6400xf32, #tpu.memory_space<vmem>>) target(%dma_start3A_296 : memref<6400xf32, #tpu.memory_space<hbm>>) target_semaphore(%arg19 : memref<!tpu.dma_semaphore, #tpu.memory_space<semaphore_mem>>)
    %add3A_299 = arith.constant 2457600 : i32
    %add3A_300 = arith.addi %add3A_299, %mul3A_2 : i32
    %add3A_301 = arith.constant 9600 : i32
    %add3A_302 = arith.addi %add3A_300, %add3A_301 : i32
    %dma_start3A_303 = arith.constant 19200 : i32
    %dma_start3A_304 = tpu.memref_slice %arg14[%dma_start3A_303] : memref<38400xf32, #tpu.memory_space<vmem>> -> memref<6400xf32, #tpu.memory_space<vmem>>
    %dma_start3A_305 = tpu.memref_slice %arg6[%add3A_302] : memref<4915200xf32, #tpu.memory_space<hbm>> -> memref<6400xf32, #tpu.memory_space<hbm>>
    %dma_start3A_306 = tpu.memref_slice %arg6[%add3A_302] : memref<4915200xf32, #tpu.memory_space<hbm>> -> memref<6400xf32, #tpu.memory_space<hbm>>
    %dma_start3A_307 = arith.constant 19200 : i32
    %dma_start3A_308 = tpu.memref_slice %arg14[%dma_start3A_307] : memref<38400xf32, #tpu.memory_space<vmem>> -> memref<6400xf32, #tpu.memory_space<vmem>>
    tpu.enqueue_dma source(%dma_start3A_308 : memref<6400xf32, #tpu.memory_space<vmem>>) target(%dma_start3A_306 : memref<6400xf32, #tpu.memory_space<hbm>>) target_semaphore(%arg19 : memref<!tpu.dma_semaphore, #tpu.memory_space<semaphore_mem>>)
    %add3A_309 = arith.constant 3276800 : i32
    %add3A_310 = arith.addi %add3A_309, %mul3A_2 : i32
    %add3A_311 = arith.constant 9600 : i32
    %add3A_312 = arith.addi %add3A_310, %add3A_311 : i32
    %dma_start3A_313 = arith.constant 25600 : i32
    %dma_start3A_314 = tpu.memref_slice %arg14[%dma_start3A_313] : memref<38400xf32, #tpu.memory_space<vmem>> -> memref<6400xf32, #tpu.memory_space<vmem>>
    %dma_start3A_315 = tpu.memref_slice %arg6[%add3A_312] : memref<4915200xf32, #tpu.memory_space<hbm>> -> memref<6400xf32, #tpu.memory_space<hbm>>
    %dma_start3A_316 = tpu.memref_slice %arg6[%add3A_312] : memref<4915200xf32, #tpu.memory_space<hbm>> -> memref<6400xf32, #tpu.memory_space<hbm>>
    %dma_start3A_317 = arith.constant 25600 : i32
    %dma_start3A_318 = tpu.memref_slice %arg14[%dma_start3A_317] : memref<38400xf32, #tpu.memory_space<vmem>> -> memref<6400xf32, #tpu.memory_space<vmem>>
    tpu.enqueue_dma source(%dma_start3A_318 : memref<6400xf32, #tpu.memory_space<vmem>>) target(%dma_start3A_316 : memref<6400xf32, #tpu.memory_space<hbm>>) target_semaphore(%arg19 : memref<!tpu.dma_semaphore, #tpu.memory_space<semaphore_mem>>)
    %add3A_319 = arith.constant 4096000 : i32
    %add3A_320 = arith.addi %add3A_319, %mul3A_2 : i32
    %add3A_321 = arith.constant 9600 : i32
    %add3A_322 = arith.addi %add3A_320, %add3A_321 : i32
    %dma_start3A_323 = arith.constant 32000 : i32
    %dma_start3A_324 = tpu.memref_slice %arg14[%dma_start3A_323] : memref<38400xf32, #tpu.memory_space<vmem>> -> memref<6400xf32, #tpu.memory_space<vmem>>
    %dma_start3A_325 = tpu.memref_slice %arg6[%add3A_322] : memref<4915200xf32, #tpu.memory_space<hbm>> -> memref<6400xf32, #tpu.memory_space<hbm>>
    %dma_start3A_326 = tpu.memref_slice %arg6[%add3A_322] : memref<4915200xf32, #tpu.memory_space<hbm>> -> memref<6400xf32, #tpu.memory_space<hbm>>
    %dma_start3A_327 = arith.constant 32000 : i32
    %dma_start3A_328 = tpu.memref_slice %arg14[%dma_start3A_327] : memref<38400xf32, #tpu.memory_space<vmem>> -> memref<6400xf32, #tpu.memory_space<vmem>>
    tpu.enqueue_dma source(%dma_start3A_328 : memref<6400xf32, #tpu.memory_space<vmem>>) target(%dma_start3A_326 : memref<6400xf32, #tpu.memory_space<hbm>>) target_semaphore(%arg19 : memref<!tpu.dma_semaphore, #tpu.memory_space<semaphore_mem>>)
    %dma_wait3A_329 = arith.constant 0 : i32
    %dma_wait3A_330 = tpu.memref_slice %arg11[%dma_wait3A_329] : memref<6400xi32, #tpu.memory_space<vmem>> -> memref<6400xi32, #tpu.memory_space<vmem>>
    %dma_wait3A_331 = tpu.memref_slice %arg2[%add3A_214] : memref<819200xi32, #tpu.memory_space<hbm>> -> memref<6400xi32, #tpu.memory_space<hbm>>
    %dma_wait3A_332 = arith.constant 0 : i32
    %dma_wait3A_333 = tpu.memref_slice %arg11[%dma_wait3A_332] : memref<6400xi32, #tpu.memory_space<vmem>> -> memref<6400xi32, #tpu.memory_space<vmem>>
    %dma_wait3A_334 = tpu.memref_slice %arg2[%add3A_214] : memref<819200xi32, #tpu.memory_space<hbm>> -> memref<6400xi32, #tpu.memory_space<hbm>>
    tpu.wait_dma2 semaphore(%arg17 : memref<!tpu.dma_semaphore, #tpu.memory_space<semaphore_mem>>) src(%dma_wait3A_334 : memref<6400xi32, #tpu.memory_space<hbm>>) dst(%dma_wait3A_333 : memref<6400xi32, #tpu.memory_space<vmem>>)
    %dma_wait3A_335 = arith.constant 0 : i32
    %dma_wait3A_336 = tpu.memref_slice %arg13[%dma_wait3A_335] : memref<6400xi32, #tpu.memory_space<vmem>> -> memref<6400xi32, #tpu.memory_space<vmem>>
    %dma_wait3A_337 = tpu.memref_slice %arg3[%add3A_222] : memref<819200xi32, #tpu.memory_space<hbm>> -> memref<6400xi32, #tpu.memory_space<hbm>>
    %dma_wait3A_338 = arith.constant 0 : i32
    %dma_wait3A_339 = tpu.memref_slice %arg13[%dma_wait3A_338] : memref<6400xi32, #tpu.memory_space<vmem>> -> memref<6400xi32, #tpu.memory_space<vmem>>
    %dma_wait3A_340 = tpu.memref_slice %arg3[%add3A_222] : memref<819200xi32, #tpu.memory_space<hbm>> -> memref<6400xi32, #tpu.memory_space<hbm>>
    tpu.wait_dma2 semaphore(%arg18 : memref<!tpu.dma_semaphore, #tpu.memory_space<semaphore_mem>>) src(%dma_wait3A_340 : memref<6400xi32, #tpu.memory_space<hbm>>) dst(%dma_wait3A_339 : memref<6400xi32, #tpu.memory_space<vmem>>)
    %add3A_341 = arith.constant 22400 : i32
    %add3A_342 = arith.addi %mul3A_2, %add3A_341 : i32
    %dma_start3A_343 = arith.constant 0 : i32
    %dma_start3A_344 = tpu.memref_slice %arg10[%dma_start3A_343] : memref<6400xi32, #tpu.memory_space<vmem>> -> memref<3200xi32, #tpu.memory_space<vmem>>
    %dma_start3A_345 = tpu.memref_slice %arg2[%add3A_342] : memref<819200xi32, #tpu.memory_space<hbm>> -> memref<3200xi32, #tpu.memory_space<hbm>>
    %dma_start3A_346 = arith.constant 0 : i32
    %dma_start3A_347 = tpu.memref_slice %arg10[%dma_start3A_346] : memref<6400xi32, #tpu.memory_space<vmem>> -> memref<3200xi32, #tpu.memory_space<vmem>>
    %dma_start3A_348 = tpu.memref_slice %arg2[%add3A_342] : memref<819200xi32, #tpu.memory_space<hbm>> -> memref<3200xi32, #tpu.memory_space<hbm>>
    tpu.enqueue_dma source(%dma_start3A_348 : memref<3200xi32, #tpu.memory_space<hbm>>) target(%dma_start3A_347 : memref<3200xi32, #tpu.memory_space<vmem>>) target_semaphore(%arg17 : memref<!tpu.dma_semaphore, #tpu.memory_space<semaphore_mem>>)
    %add3A_349 = arith.constant 22400 : i32
    %add3A_350 = arith.addi %mul3A_2, %add3A_349 : i32
    %dma_start3A_351 = arith.constant 0 : i32
    %dma_start3A_352 = tpu.memref_slice %arg12[%dma_start3A_351] : memref<6400xi32, #tpu.memory_space<vmem>> -> memref<3200xi32, #tpu.memory_space<vmem>>
    %dma_start3A_353 = tpu.memref_slice %arg3[%add3A_350] : memref<819200xi32, #tpu.memory_space<hbm>> -> memref<3200xi32, #tpu.memory_space<hbm>>
    %dma_start3A_354 = arith.constant 0 : i32
    %dma_start3A_355 = tpu.memref_slice %arg12[%dma_start3A_354] : memref<6400xi32, #tpu.memory_space<vmem>> -> memref<3200xi32, #tpu.memory_space<vmem>>
    %dma_start3A_356 = tpu.memref_slice %arg3[%add3A_350] : memref<819200xi32, #tpu.memory_space<hbm>> -> memref<3200xi32, #tpu.memory_space<hbm>>
    tpu.enqueue_dma source(%dma_start3A_356 : memref<3200xi32, #tpu.memory_space<hbm>>) target(%dma_start3A_355 : memref<3200xi32, #tpu.memory_space<vmem>>) target_semaphore(%arg18 : memref<!tpu.dma_semaphore, #tpu.memory_space<semaphore_mem>>)
    %dma_wait3A_357 = arith.constant 0 : i32
    %dma_wait3A_358 = tpu.memref_slice %arg15[%dma_wait3A_357] : memref<38400xf32, #tpu.memory_space<vmem>> -> memref<6400xf32, #tpu.memory_space<vmem>>
    %dma_wait3A_359 = tpu.memref_slice %arg6[%add3A_144] : memref<4915200xf32, #tpu.memory_space<hbm>> -> memref<6400xf32, #tpu.memory_space<hbm>>
    %dma_wait3A_360 = tpu.memref_slice %arg6[%add3A_144] : memref<4915200xf32, #tpu.memory_space<hbm>> -> memref<6400xf32, #tpu.memory_space<hbm>>
    %dma_wait3A_361 = arith.constant 0 : i32
    %dma_wait3A_362 = tpu.memref_slice %arg15[%dma_wait3A_361] : memref<38400xf32, #tpu.memory_space<vmem>> -> memref<6400xf32, #tpu.memory_space<vmem>>
    tpu.wait_dma2 semaphore(%arg20 : memref<!tpu.dma_semaphore, #tpu.memory_space<semaphore_mem>>) src(%dma_wait3A_362 : memref<6400xf32, #tpu.memory_space<vmem>>) dst(%dma_wait3A_360 : memref<6400xf32, #tpu.memory_space<hbm>>)
    %dma_wait3A_363 = arith.constant 6400 : i32
    %dma_wait3A_364 = tpu.memref_slice %arg15[%dma_wait3A_363] : memref<38400xf32, #tpu.memory_space<vmem>> -> memref<6400xf32, #tpu.memory_space<vmem>>
    %dma_wait3A_365 = tpu.memref_slice %arg6[%add3A_154] : memref<4915200xf32, #tpu.memory_space<hbm>> -> memref<6400xf32, #tpu.memory_space<hbm>>
    %dma_wait3A_366 = tpu.memref_slice %arg6[%add3A_154] : memref<4915200xf32, #tpu.memory_space<hbm>> -> memref<6400xf32, #tpu.memory_space<hbm>>
    %dma_wait3A_367 = arith.constant 6400 : i32
    %dma_wait3A_368 = tpu.memref_slice %arg15[%dma_wait3A_367] : memref<38400xf32, #tpu.memory_space<vmem>> -> memref<6400xf32, #tpu.memory_space<vmem>>
    tpu.wait_dma2 semaphore(%arg20 : memref<!tpu.dma_semaphore, #tpu.memory_space<semaphore_mem>>) src(%dma_wait3A_368 : memref<6400xf32, #tpu.memory_space<vmem>>) dst(%dma_wait3A_366 : memref<6400xf32, #tpu.memory_space<hbm>>)
    %dma_wait3A_369 = arith.constant 12800 : i32
    %dma_wait3A_370 = tpu.memref_slice %arg15[%dma_wait3A_369] : memref<38400xf32, #tpu.memory_space<vmem>> -> memref<6400xf32, #tpu.memory_space<vmem>>
    %dma_wait3A_371 = tpu.memref_slice %arg6[%add3A_164] : memref<4915200xf32, #tpu.memory_space<hbm>> -> memref<6400xf32, #tpu.memory_space<hbm>>
    %dma_wait3A_372 = tpu.memref_slice %arg6[%add3A_164] : memref<4915200xf32, #tpu.memory_space<hbm>> -> memref<6400xf32, #tpu.memory_space<hbm>>
    %dma_wait3A_373 = arith.constant 12800 : i32
    %dma_wait3A_374 = tpu.memref_slice %arg15[%dma_wait3A_373] : memref<38400xf32, #tpu.memory_space<vmem>> -> memref<6400xf32, #tpu.memory_space<vmem>>
    tpu.wait_dma2 semaphore(%arg20 : memref<!tpu.dma_semaphore, #tpu.memory_space<semaphore_mem>>) src(%dma_wait3A_374 : memref<6400xf32, #tpu.memory_space<vmem>>) dst(%dma_wait3A_372 : memref<6400xf32, #tpu.memory_space<hbm>>)
    %dma_wait3A_375 = arith.constant 19200 : i32
    %dma_wait3A_376 = tpu.memref_slice %arg15[%dma_wait3A_375] : memref<38400xf32, #tpu.memory_space<vmem>> -> memref<6400xf32, #tpu.memory_space<vmem>>
    %dma_wait3A_377 = tpu.memref_slice %arg6[%add3A_174] : memref<4915200xf32, #tpu.memory_space<hbm>> -> memref<6400xf32, #tpu.memory_space<hbm>>
    %dma_wait3A_378 = tpu.memref_slice %arg6[%add3A_174] : memref<4915200xf32, #tpu.memory_space<hbm>> -> memref<6400xf32, #tpu.memory_space<hbm>>
    %dma_wait3A_379 = arith.constant 19200 : i32
    %dma_wait3A_380 = tpu.memref_slice %arg15[%dma_wait3A_379] : memref<38400xf32, #tpu.memory_space<vmem>> -> memref<6400xf32, #tpu.memory_space<vmem>>
    tpu.wait_dma2 semaphore(%arg20 : memref<!tpu.dma_semaphore, #tpu.memory_space<semaphore_mem>>) src(%dma_wait3A_380 : memref<6400xf32, #tpu.memory_space<vmem>>) dst(%dma_wait3A_378 : memref<6400xf32, #tpu.memory_space<hbm>>)
    %dma_wait3A_381 = arith.constant 25600 : i32
    %dma_wait3A_382 = tpu.memref_slice %arg15[%dma_wait3A_381] : memref<38400xf32, #tpu.memory_space<vmem>> -> memref<6400xf32, #tpu.memory_space<vmem>>
    %dma_wait3A_383 = tpu.memref_slice %arg6[%add3A_184] : memref<4915200xf32, #tpu.memory_space<hbm>> -> memref<6400xf32, #tpu.memory_space<hbm>>
    %dma_wait3A_384 = tpu.memref_slice %arg6[%add3A_184] : memref<4915200xf32, #tpu.memory_space<hbm>> -> memref<6400xf32, #tpu.memory_space<hbm>>
    %dma_wait3A_385 = arith.constant 25600 : i32
    %dma_wait3A_386 = tpu.memref_slice %arg15[%dma_wait3A_385] : memref<38400xf32, #tpu.memory_space<vmem>> -> memref<6400xf32, #tpu.memory_space<vmem>>
    tpu.wait_dma2 semaphore(%arg20 : memref<!tpu.dma_semaphore, #tpu.memory_space<semaphore_mem>>) src(%dma_wait3A_386 : memref<6400xf32, #tpu.memory_space<vmem>>) dst(%dma_wait3A_384 : memref<6400xf32, #tpu.memory_space<hbm>>)
    %dma_wait3A_387 = arith.constant 32000 : i32
    %dma_wait3A_388 = tpu.memref_slice %arg15[%dma_wait3A_387] : memref<38400xf32, #tpu.memory_space<vmem>> -> memref<6400xf32, #tpu.memory_space<vmem>>
    %dma_wait3A_389 = tpu.memref_slice %arg6[%add3A_194] : memref<4915200xf32, #tpu.memory_space<hbm>> -> memref<6400xf32, #tpu.memory_space<hbm>>
    %dma_wait3A_390 = tpu.memref_slice %arg6[%add3A_194] : memref<4915200xf32, #tpu.memory_space<hbm>> -> memref<6400xf32, #tpu.memory_space<hbm>>
    %dma_wait3A_391 = arith.constant 32000 : i32
    %dma_wait3A_392 = tpu.memref_slice %arg15[%dma_wait3A_391] : memref<38400xf32, #tpu.memory_space<vmem>> -> memref<6400xf32, #tpu.memory_space<vmem>>
    tpu.wait_dma2 semaphore(%arg20 : memref<!tpu.dma_semaphore, #tpu.memory_space<semaphore_mem>>) src(%dma_wait3A_392 : memref<6400xf32, #tpu.memory_space<vmem>>) dst(%dma_wait3A_390 : memref<6400xf32, #tpu.memory_space<hbm>>)
    %parallel_loop3A_393 = arith.constant 0 : i32
    %parallel_loop3A_394 = arith.constant 6400 : i32
    %parallel_loop3A_395 = arith.constant 16 : i32
    %parallel_loop3A_396 = scf.for %parallel_loop3A_642 = %parallel_loop3A_393 to %parallel_loop3A_394 step %parallel_loop3A_395 iter_args(%parallel_loop3A_643 = %parallel_loop3A_268) -> (vector<16xf32>)  : i32 {
      %parallel_loop3A_644 = arith.index_cast %parallel_loop3A_642 : i32 to index
      %parallel_loop3A_645 = tpu.vector_load %arg11[%parallel_loop3A_644] {strides = array<i32>} : memref<6400xi32, #tpu.memory_space<vmem>>, vector<16xi32>,
      %parallel_loop3A_646 = arith.index_cast %parallel_loop3A_642 : i32 to index
      %parallel_loop3A_647 = tpu.vector_load %arg13[%parallel_loop3A_646] {strides = array<i32>} : memref<6400xi32, #tpu.memory_space<vmem>>, vector<16xi32>,
      %parallel_loop3A_648 = arith.constant 0 : i32
      %parallel_loop3A_649 = vector.broadcast %parallel_loop3A_648 : i32 to vector<16xi32>
      %parallel_loop3A_650 = arith.addi %parallel_loop3A_645, %parallel_loop3A_649 : vector<16xi32>
      %parallel_loop3A_651 = tpu.vector_load_idx %arg8[%parallel_loop3A_650] : memref<1024xf32, #tpu.memory_space<vmem>>[vector<16xi32>], vector<16xf32>,
      %parallel_loop3A_652 = arith.constant 0 : i32
      %parallel_loop3A_653 = arith.addi %parallel_loop3A_652, %parallel_loop3A_642 : i32
      %parallel_loop3A_654 = arith.index_cast %parallel_loop3A_653 : i32 to index
      %parallel_loop3A_655 = tpu.vector_load %arg15[%parallel_loop3A_654] {strides = array<i32>} : memref<38400xf32, #tpu.memory_space<vmem>>, vector<16xf32>,
      tpu.vector_store %arg15[%parallel_loop3A_654], %parallel_loop3A_651 {strides = array<i32>} : memref<38400xf32, #tpu.memory_space<vmem>>, vector<16xf32>,
      %parallel_loop3A_656 = arith.constant 128 : i32
      %parallel_loop3A_657 = vector.broadcast %parallel_loop3A_656 : i32 to vector<16xi32>
      %parallel_loop3A_658 = arith.addi %parallel_loop3A_645, %parallel_loop3A_657 : vector<16xi32>
      %parallel_loop3A_659 = tpu.vector_load_idx %arg8[%parallel_loop3A_658] : memref<1024xf32, #tpu.memory_space<vmem>>[vector<16xi32>], vector<16xf32>,
      %parallel_loop3A_660 = arith.constant 6400 : i32
      %parallel_loop3A_661 = arith.addi %parallel_loop3A_660, %parallel_loop3A_642 : i32
      %parallel_loop3A_662 = arith.index_cast %parallel_loop3A_661 : i32 to index
      %parallel_loop3A_663 = tpu.vector_load %arg15[%parallel_loop3A_662] {strides = array<i32>} : memref<38400xf32, #tpu.memory_space<vmem>>, vector<16xf32>,
      tpu.vector_store %arg15[%parallel_loop3A_662], %parallel_loop3A_659 {strides = array<i32>} : memref<38400xf32, #tpu.memory_space<vmem>>, vector<16xf32>,
      %parallel_loop3A_664 = arith.constant 256 : i32
      %parallel_loop3A_665 = vector.broadcast %parallel_loop3A_664 : i32 to vector<16xi32>
      %parallel_loop3A_666 = arith.addi %parallel_loop3A_645, %parallel_loop3A_665 : vector<16xi32>
      %parallel_loop3A_667 = tpu.vector_load_idx %arg8[%parallel_loop3A_666] : memref<1024xf32, #tpu.memory_space<vmem>>[vector<16xi32>], vector<16xf32>,
      %parallel_loop3A_668 = arith.constant 12800 : i32
      %parallel_loop3A_669 = arith.addi %parallel_loop3A_668, %parallel_loop3A_642 : i32
      %parallel_loop3A_670 = arith.index_cast %parallel_loop3A_669 : i32 to index
      %parallel_loop3A_671 = tpu.vector_load %arg15[%parallel_loop3A_670] {strides = array<i32>} : memref<38400xf32, #tpu.memory_space<vmem>>, vector<16xf32>,
      tpu.vector_store %arg15[%parallel_loop3A_670], %parallel_loop3A_667 {strides = array<i32>} : memref<38400xf32, #tpu.memory_space<vmem>>, vector<16xf32>,
      %parallel_loop3A_672 = arith.constant 384 : i32
      %parallel_loop3A_673 = vector.broadcast %parallel_loop3A_672 : i32 to vector<16xi32>
      %parallel_loop3A_674 = arith.addi %parallel_loop3A_645, %parallel_loop3A_673 : vector<16xi32>
      %parallel_loop3A_675 = tpu.vector_load_idx %arg8[%parallel_loop3A_674] : memref<1024xf32, #tpu.memory_space<vmem>>[vector<16xi32>], vector<16xf32>,
      %parallel_loop3A_676 = arith.constant 19200 : i32
      %parallel_loop3A_677 = arith.addi %parallel_loop3A_676, %parallel_loop3A_642 : i32
      %parallel_loop3A_678 = arith.index_cast %parallel_loop3A_677 : i32 to index
      %parallel_loop3A_679 = tpu.vector_load %arg15[%parallel_loop3A_678] {strides = array<i32>} : memref<38400xf32, #tpu.memory_space<vmem>>, vector<16xf32>,
      tpu.vector_store %arg15[%parallel_loop3A_678], %parallel_loop3A_675 {strides = array<i32>} : memref<38400xf32, #tpu.memory_space<vmem>>, vector<16xf32>,
      %parallel_loop3A_680 = arith.constant 512 : i32
      %parallel_loop3A_681 = vector.broadcast %parallel_loop3A_680 : i32 to vector<16xi32>
      %parallel_loop3A_682 = arith.addi %parallel_loop3A_645, %parallel_loop3A_681 : vector<16xi32>
      %parallel_loop3A_683 = tpu.vector_load_idx %arg8[%parallel_loop3A_682] : memref<1024xf32, #tpu.memory_space<vmem>>[vector<16xi32>], vector<16xf32>,
      %parallel_loop3A_684 = arith.constant 25600 : i32
      %parallel_loop3A_685 = arith.addi %parallel_loop3A_684, %parallel_loop3A_642 : i32
      %parallel_loop3A_686 = arith.index_cast %parallel_loop3A_685 : i32 to index
      %parallel_loop3A_687 = tpu.vector_load %arg15[%parallel_loop3A_686] {strides = array<i32>} : memref<38400xf32, #tpu.memory_space<vmem>>, vector<16xf32>,
      tpu.vector_store %arg15[%parallel_loop3A_686], %parallel_loop3A_683 {strides = array<i32>} : memref<38400xf32, #tpu.memory_space<vmem>>, vector<16xf32>,
      %parallel_loop3A_688 = arith.constant 640 : i32
      %parallel_loop3A_689 = vector.broadcast %parallel_loop3A_688 : i32 to vector<16xi32>
      %parallel_loop3A_690 = arith.addi %parallel_loop3A_645, %parallel_loop3A_689 : vector<16xi32>
      %parallel_loop3A_691 = tpu.vector_load_idx %arg8[%parallel_loop3A_690] : memref<1024xf32, #tpu.memory_space<vmem>>[vector<16xi32>], vector<16xf32>,
      %parallel_loop3A_692 = arith.constant 32000 : i32
      %parallel_loop3A_693 = arith.addi %parallel_loop3A_692, %parallel_loop3A_642 : i32
      %parallel_loop3A_694 = arith.index_cast %parallel_loop3A_693 : i32 to index
      %parallel_loop3A_695 = tpu.vector_load %arg15[%parallel_loop3A_694] {strides = array<i32>} : memref<38400xf32, #tpu.memory_space<vmem>>, vector<16xf32>,
      tpu.vector_store %arg15[%parallel_loop3A_694], %parallel_loop3A_691 {strides = array<i32>} : memref<38400xf32, #tpu.memory_space<vmem>>, vector<16xf32>,
      %parallel_loop3A_696 = arith.constant 128 : i32
      %parallel_loop3A_697 = vector.broadcast %parallel_loop3A_696 : i32 to vector<16xi32>
      %parallel_loop3A_698 = arith.muli %parallel_loop3A_647, %parallel_loop3A_697 : vector<16xi32>
      %parallel_loop3A_699 = arith.addi %parallel_loop3A_698, %parallel_loop3A_645 : vector<16xi32>
      %parallel_loop3A_700 = tpu.vector_load_idx %arg9[%parallel_loop3A_699] : memref<2048xf32, #tpu.memory_space<vmem>>[vector<16xi32>], vector<16xf32>,
      %parallel_loop3A_701 = arith.addf %parallel_loop3A_643, %parallel_loop3A_700 : vector<16xf32>
      scf.yield %parallel_loop3A_701 : vector<16xf32>
    } {sc.loop_unroll_factor = 4 : i64, sc.parallel_access}
    %add3A_397 = arith.constant 0 : i32
    %add3A_398 = arith.addi %add3A_397, %mul3A_2 : i32
    %add3A_399 = arith.constant 16000 : i32
    %add3A_400 = arith.addi %add3A_398, %add3A_399 : i32
    %dma_start3A_401 = arith.constant 0 : i32
    %dma_start3A_402 = tpu.memref_slice %arg15[%dma_start3A_401] : memref<38400xf32, #tpu.memory_space<vmem>> -> memref<6400xf32, #tpu.memory_space<vmem>>
    %dma_start3A_403 = tpu.memref_slice %arg6[%add3A_400] : memref<4915200xf32, #tpu.memory_space<hbm>> -> memref<6400xf32, #tpu.memory_space<hbm>>
    %dma_start3A_404 = tpu.memref_slice %arg6[%add3A_400] : memref<4915200xf32, #tpu.memory_space<hbm>> -> memref<6400xf32, #tpu.memory_space<hbm>>
    %dma_start3A_405 = arith.constant 0 : i32
    %dma_start3A_406 = tpu.memref_slice %arg15[%dma_start3A_405] : memref<38400xf32, #tpu.memory_space<vmem>> -> memref<6400xf32, #tpu.memory_space<vmem>>
    tpu.enqueue_dma source(%dma_start3A_406 : memref<6400xf32, #tpu.memory_space<vmem>>) target(%dma_start3A_404 : memref<6400xf32, #tpu.memory_space<hbm>>) target_semaphore(%arg20 : memref<!tpu.dma_semaphore, #tpu.memory_space<semaphore_mem>>)
    %add3A_407 = arith.constant 819200 : i32
    %add3A_408 = arith.addi %add3A_407, %mul3A_2 : i32
    %add3A_409 = arith.constant 16000 : i32
    %add3A_410 = arith.addi %add3A_408, %add3A_409 : i32
    %dma_start3A_411 = arith.constant 6400 : i32
    %dma_start3A_412 = tpu.memref_slice %arg15[%dma_start3A_411] : memref<38400xf32, #tpu.memory_space<vmem>> -> memref<6400xf32, #tpu.memory_space<vmem>>
    %dma_start3A_413 = tpu.memref_slice %arg6[%add3A_410] : memref<4915200xf32, #tpu.memory_space<hbm>> -> memref<6400xf32, #tpu.memory_space<hbm>>
    %dma_start3A_414 = tpu.memref_slice %arg6[%add3A_410] : memref<4915200xf32, #tpu.memory_space<hbm>> -> memref<6400xf32, #tpu.memory_space<hbm>>
    %dma_start3A_415 = arith.constant 6400 : i32
    %dma_start3A_416 = tpu.memref_slice %arg15[%dma_start3A_415] : memref<38400xf32, #tpu.memory_space<vmem>> -> memref<6400xf32, #tpu.memory_space<vmem>>
    tpu.enqueue_dma source(%dma_start3A_416 : memref<6400xf32, #tpu.memory_space<vmem>>) target(%dma_start3A_414 : memref<6400xf32, #tpu.memory_space<hbm>>) target_semaphore(%arg20 : memref<!tpu.dma_semaphore, #tpu.memory_space<semaphore_mem>>)
    %add3A_417 = arith.constant 1638400 : i32
    %add3A_418 = arith.addi %add3A_417, %mul3A_2 : i32
    %add3A_419 = arith.constant 16000 : i32
    %add3A_420 = arith.addi %add3A_418, %add3A_419 : i32
    %dma_start3A_421 = arith.constant 12800 : i32
    %dma_start3A_422 = tpu.memref_slice %arg15[%dma_start3A_421] : memref<38400xf32, #tpu.memory_space<vmem>> -> memref<6400xf32, #tpu.memory_space<vmem>>
    %dma_start3A_423 = tpu.memref_slice %arg6[%add3A_420] : memref<4915200xf32, #tpu.memory_space<hbm>> -> memref<6400xf32, #tpu.memory_space<hbm>>
    %dma_start3A_424 = tpu.memref_slice %arg6[%add3A_420] : memref<4915200xf32, #tpu.memory_space<hbm>> -> memref<6400xf32, #tpu.memory_space<hbm>>
    %dma_start3A_425 = arith.constant 12800 : i32
    %dma_start3A_426 = tpu.memref_slice %arg15[%dma_start3A_425] : memref<38400xf32, #tpu.memory_space<vmem>> -> memref<6400xf32, #tpu.memory_space<vmem>>
    tpu.enqueue_dma source(%dma_start3A_426 : memref<6400xf32, #tpu.memory_space<vmem>>) target(%dma_start3A_424 : memref<6400xf32, #tpu.memory_space<hbm>>) target_semaphore(%arg20 : memref<!tpu.dma_semaphore, #tpu.memory_space<semaphore_mem>>)
    %add3A_427 = arith.constant 2457600 : i32
    %add3A_428 = arith.addi %add3A_427, %mul3A_2 : i32
    %add3A_429 = arith.constant 16000 : i32
    %add3A_430 = arith.addi %add3A_428, %add3A_429 : i32
    %dma_start3A_431 = arith.constant 19200 : i32
    %dma_start3A_432 = tpu.memref_slice %arg15[%dma_start3A_431] : memref<38400xf32, #tpu.memory_space<vmem>> -> memref<6400xf32, #tpu.memory_space<vmem>>
    %dma_start3A_433 = tpu.memref_slice %arg6[%add3A_430] : memref<4915200xf32, #tpu.memory_space<hbm>> -> memref<6400xf32, #tpu.memory_space<hbm>>
    %dma_start3A_434 = tpu.memref_slice %arg6[%add3A_430] : memref<4915200xf32, #tpu.memory_space<hbm>> -> memref<6400xf32, #tpu.memory_space<hbm>>
    %dma_start3A_435 = arith.constant 19200 : i32
    %dma_start3A_436 = tpu.memref_slice %arg15[%dma_start3A_435] : memref<38400xf32, #tpu.memory_space<vmem>> -> memref<6400xf32, #tpu.memory_space<vmem>>
    tpu.enqueue_dma source(%dma_start3A_436 : memref<6400xf32, #tpu.memory_space<vmem>>) target(%dma_start3A_434 : memref<6400xf32, #tpu.memory_space<hbm>>) target_semaphore(%arg20 : memref<!tpu.dma_semaphore, #tpu.memory_space<semaphore_mem>>)
    %add3A_437 = arith.constant 3276800 : i32
    %add3A_438 = arith.addi %add3A_437, %mul3A_2 : i32
    %add3A_439 = arith.constant 16000 : i32
    %add3A_440 = arith.addi %add3A_438, %add3A_439 : i32
    %dma_start3A_441 = arith.constant 25600 : i32
    %dma_start3A_442 = tpu.memref_slice %arg15[%dma_start3A_441] : memref<38400xf32, #tpu.memory_space<vmem>> -> memref<6400xf32, #tpu.memory_space<vmem>>
    %dma_start3A_443 = tpu.memref_slice %arg6[%add3A_440] : memref<4915200xf32, #tpu.memory_space<hbm>> -> memref<6400xf32, #tpu.memory_space<hbm>>
    %dma_start3A_444 = tpu.memref_slice %arg6[%add3A_440] : memref<4915200xf32, #tpu.memory_space<hbm>> -> memref<6400xf32, #tpu.memory_space<hbm>>
    %dma_start3A_445 = arith.constant 25600 : i32
    %dma_start3A_446 = tpu.memref_slice %arg15[%dma_start3A_445] : memref<38400xf32, #tpu.memory_space<vmem>> -> memref<6400xf32, #tpu.memory_space<vmem>>
    tpu.enqueue_dma source(%dma_start3A_446 : memref<6400xf32, #tpu.memory_space<vmem>>) target(%dma_start3A_444 : memref<6400xf32, #tpu.memory_space<hbm>>) target_semaphore(%arg20 : memref<!tpu.dma_semaphore, #tpu.memory_space<semaphore_mem>>)
    %add3A_447 = arith.constant 4096000 : i32
    %add3A_448 = arith.addi %add3A_447, %mul3A_2 : i32
    %add3A_449 = arith.constant 16000 : i32
    %add3A_450 = arith.addi %add3A_448, %add3A_449 : i32
    %dma_start3A_451 = arith.constant 32000 : i32
    %dma_start3A_452 = tpu.memref_slice %arg15[%dma_start3A_451] : memref<38400xf32, #tpu.memory_space<vmem>> -> memref<6400xf32, #tpu.memory_space<vmem>>
    %dma_start3A_453 = tpu.memref_slice %arg6[%add3A_450] : memref<4915200xf32, #tpu.memory_space<hbm>> -> memref<6400xf32, #tpu.memory_space<hbm>>
    %dma_start3A_454 = tpu.memref_slice %arg6[%add3A_450] : memref<4915200xf32, #tpu.memory_space<hbm>> -> memref<6400xf32, #tpu.memory_space<hbm>>
    %dma_start3A_455 = arith.constant 32000 : i32
    %dma_start3A_456 = tpu.memref_slice %arg15[%dma_start3A_455] : memref<38400xf32, #tpu.memory_space<vmem>> -> memref<6400xf32, #tpu.memory_space<vmem>>
    tpu.enqueue_dma source(%dma_start3A_456 : memref<6400xf32, #tpu.memory_space<vmem>>) target(%dma_start3A_454 : memref<6400xf32, #tpu.memory_space<hbm>>) target_semaphore(%arg20 : memref<!tpu.dma_semaphore, #tpu.memory_space<semaphore_mem>>)
    %dma_wait3A_457 = arith.constant 0 : i32
    %dma_wait3A_458 = tpu.memref_slice %arg10[%dma_wait3A_457] : memref<6400xi32, #tpu.memory_space<vmem>> -> memref<3200xi32, #tpu.memory_space<vmem>>
    %dma_wait3A_459 = tpu.memref_slice %arg2[%add3A_342] : memref<819200xi32, #tpu.memory_space<hbm>> -> memref<3200xi32, #tpu.memory_space<hbm>>
    %dma_wait3A_460 = arith.constant 0 : i32
    %dma_wait3A_461 = tpu.memref_slice %arg10[%dma_wait3A_460] : memref<6400xi32, #tpu.memory_space<vmem>> -> memref<3200xi32, #tpu.memory_space<vmem>>
    %dma_wait3A_462 = tpu.memref_slice %arg2[%add3A_342] : memref<819200xi32, #tpu.memory_space<hbm>> -> memref<3200xi32, #tpu.memory_space<hbm>>
    tpu.wait_dma2 semaphore(%arg17 : memref<!tpu.dma_semaphore, #tpu.memory_space<semaphore_mem>>) src(%dma_wait3A_462 : memref<3200xi32, #tpu.memory_space<hbm>>) dst(%dma_wait3A_461 : memref<3200xi32, #tpu.memory_space<vmem>>)
    %dma_wait3A_463 = arith.constant 0 : i32
    %dma_wait3A_464 = tpu.memref_slice %arg12[%dma_wait3A_463] : memref<6400xi32, #tpu.memory_space<vmem>> -> memref<3200xi32, #tpu.memory_space<vmem>>
    %dma_wait3A_465 = tpu.memref_slice %arg3[%add3A_350] : memref<819200xi32, #tpu.memory_space<hbm>> -> memref<3200xi32, #tpu.memory_space<hbm>>
    %dma_wait3A_466 = arith.constant 0 : i32
    %dma_wait3A_467 = tpu.memref_slice %arg12[%dma_wait3A_466] : memref<6400xi32, #tpu.memory_space<vmem>> -> memref<3200xi32, #tpu.memory_space<vmem>>
    %dma_wait3A_468 = tpu.memref_slice %arg3[%add3A_350] : memref<819200xi32, #tpu.memory_space<hbm>> -> memref<3200xi32, #tpu.memory_space<hbm>>
    tpu.wait_dma2 semaphore(%arg18 : memref<!tpu.dma_semaphore, #tpu.memory_space<semaphore_mem>>) src(%dma_wait3A_468 : memref<3200xi32, #tpu.memory_space<hbm>>) dst(%dma_wait3A_467 : memref<3200xi32, #tpu.memory_space<vmem>>)
    %dma_wait3A_469 = arith.constant 0 : i32
    %dma_wait3A_470 = tpu.memref_slice %arg14[%dma_wait3A_469] : memref<38400xf32, #tpu.memory_space<vmem>> -> memref<6400xf32, #tpu.memory_space<vmem>>
    %dma_wait3A_471 = tpu.memref_slice %arg6[%add3A_272] : memref<4915200xf32, #tpu.memory_space<hbm>> -> memref<6400xf32, #tpu.memory_space<hbm>>
    %dma_wait3A_472 = tpu.memref_slice %arg6[%add3A_272] : memref<4915200xf32, #tpu.memory_space<hbm>> -> memref<6400xf32, #tpu.memory_space<hbm>>
    %dma_wait3A_473 = arith.constant 0 : i32
    %dma_wait3A_474 = tpu.memref_slice %arg14[%dma_wait3A_473] : memref<38400xf32, #tpu.memory_space<vmem>> -> memref<6400xf32, #tpu.memory_space<vmem>>
    tpu.wait_dma2 semaphore(%arg19 : memref<!tpu.dma_semaphore, #tpu.memory_space<semaphore_mem>>) src(%dma_wait3A_474 : memref<6400xf32, #tpu.memory_space<vmem>>) dst(%dma_wait3A_472 : memref<6400xf32, #tpu.memory_space<hbm>>)
    %dma_wait3A_475 = arith.constant 6400 : i32
    %dma_wait3A_476 = tpu.memref_slice %arg14[%dma_wait3A_475] : memref<38400xf32, #tpu.memory_space<vmem>> -> memref<6400xf32, #tpu.memory_space<vmem>>
    %dma_wait3A_477 = tpu.memref_slice %arg6[%add3A_282] : memref<4915200xf32, #tpu.memory_space<hbm>> -> memref<6400xf32, #tpu.memory_space<hbm>>
    %dma_wait3A_478 = tpu.memref_slice %arg6[%add3A_282] : memref<4915200xf32, #tpu.memory_space<hbm>> -> memref<6400xf32, #tpu.memory_space<hbm>>
    %dma_wait3A_479 = arith.constant 6400 : i32
    %dma_wait3A_480 = tpu.memref_slice %arg14[%dma_wait3A_479] : memref<38400xf32, #tpu.memory_space<vmem>> -> memref<6400xf32, #tpu.memory_space<vmem>>
    tpu.wait_dma2 semaphore(%arg19 : memref<!tpu.dma_semaphore, #tpu.memory_space<semaphore_mem>>) src(%dma_wait3A_480 : memref<6400xf32, #tpu.memory_space<vmem>>) dst(%dma_wait3A_478 : memref<6400xf32, #tpu.memory_space<hbm>>)
    %dma_wait3A_481 = arith.constant 12800 : i32
    %dma_wait3A_482 = tpu.memref_slice %arg14[%dma_wait3A_481] : memref<38400xf32, #tpu.memory_space<vmem>> -> memref<6400xf32, #tpu.memory_space<vmem>>
    %dma_wait3A_483 = tpu.memref_slice %arg6[%add3A_292] : memref<4915200xf32, #tpu.memory_space<hbm>> -> memref<6400xf32, #tpu.memory_space<hbm>>
    %dma_wait3A_484 = tpu.memref_slice %arg6[%add3A_292] : memref<4915200xf32, #tpu.memory_space<hbm>> -> memref<6400xf32, #tpu.memory_space<hbm>>
    %dma_wait3A_485 = arith.constant 12800 : i32
    %dma_wait3A_486 = tpu.memref_slice %arg14[%dma_wait3A_485] : memref<38400xf32, #tpu.memory_space<vmem>> -> memref<6400xf32, #tpu.memory_space<vmem>>
    tpu.wait_dma2 semaphore(%arg19 : memref<!tpu.dma_semaphore, #tpu.memory_space<semaphore_mem>>) src(%dma_wait3A_486 : memref<6400xf32, #tpu.memory_space<vmem>>) dst(%dma_wait3A_484 : memref<6400xf32, #tpu.memory_space<hbm>>)
    %dma_wait3A_487 = arith.constant 19200 : i32
    %dma_wait3A_488 = tpu.memref_slice %arg14[%dma_wait3A_487] : memref<38400xf32, #tpu.memory_space<vmem>> -> memref<6400xf32, #tpu.memory_space<vmem>>
    %dma_wait3A_489 = tpu.memref_slice %arg6[%add3A_302] : memref<4915200xf32, #tpu.memory_space<hbm>> -> memref<6400xf32, #tpu.memory_space<hbm>>
    %dma_wait3A_490 = tpu.memref_slice %arg6[%add3A_302] : memref<4915200xf32, #tpu.memory_space<hbm>> -> memref<6400xf32, #tpu.memory_space<hbm>>
    %dma_wait3A_491 = arith.constant 19200 : i32
    %dma_wait3A_492 = tpu.memref_slice %arg14[%dma_wait3A_491] : memref<38400xf32, #tpu.memory_space<vmem>> -> memref<6400xf32, #tpu.memory_space<vmem>>
    tpu.wait_dma2 semaphore(%arg19 : memref<!tpu.dma_semaphore, #tpu.memory_space<semaphore_mem>>) src(%dma_wait3A_492 : memref<6400xf32, #tpu.memory_space<vmem>>) dst(%dma_wait3A_490 : memref<6400xf32, #tpu.memory_space<hbm>>)
    %dma_wait3A_493 = arith.constant 25600 : i32
    %dma_wait3A_494 = tpu.memref_slice %arg14[%dma_wait3A_493] : memref<38400xf32, #tpu.memory_space<vmem>> -> memref<6400xf32, #tpu.memory_space<vmem>>
    %dma_wait3A_495 = tpu.memref_slice %arg6[%add3A_312] : memref<4915200xf32, #tpu.memory_space<hbm>> -> memref<6400xf32, #tpu.memory_space<hbm>>
    %dma_wait3A_496 = tpu.memref_slice %arg6[%add3A_312] : memref<4915200xf32, #tpu.memory_space<hbm>> -> memref<6400xf32, #tpu.memory_space<hbm>>
    %dma_wait3A_497 = arith.constant 25600 : i32
    %dma_wait3A_498 = tpu.memref_slice %arg14[%dma_wait3A_497] : memref<38400xf32, #tpu.memory_space<vmem>> -> memref<6400xf32, #tpu.memory_space<vmem>>
    tpu.wait_dma2 semaphore(%arg19 : memref<!tpu.dma_semaphore, #tpu.memory_space<semaphore_mem>>) src(%dma_wait3A_498 : memref<6400xf32, #tpu.memory_space<vmem>>) dst(%dma_wait3A_496 : memref<6400xf32, #tpu.memory_space<hbm>>)
    %dma_wait3A_499 = arith.constant 32000 : i32
    %dma_wait3A_500 = tpu.memref_slice %arg14[%dma_wait3A_499] : memref<38400xf32, #tpu.memory_space<vmem>> -> memref<6400xf32, #tpu.memory_space<vmem>>
    %dma_wait3A_501 = tpu.memref_slice %arg6[%add3A_322] : memref<4915200xf32, #tpu.memory_space<hbm>> -> memref<6400xf32, #tpu.memory_space<hbm>>
    %dma_wait3A_502 = tpu.memref_slice %arg6[%add3A_322] : memref<4915200xf32, #tpu.memory_space<hbm>> -> memref<6400xf32, #tpu.memory_space<hbm>>
    %dma_wait3A_503 = arith.constant 32000 : i32
    %dma_wait3A_504 = tpu.memref_slice %arg14[%dma_wait3A_503] : memref<38400xf32, #tpu.memory_space<vmem>> -> memref<6400xf32, #tpu.memory_space<vmem>>
    tpu.wait_dma2 semaphore(%arg19 : memref<!tpu.dma_semaphore, #tpu.memory_space<semaphore_mem>>) src(%dma_wait3A_504 : memref<6400xf32, #tpu.memory_space<vmem>>) dst(%dma_wait3A_502 : memref<6400xf32, #tpu.memory_space<hbm>>)
    %parallel_loop3A_505 = arith.constant 0 : i32
    %parallel_loop3A_506 = arith.constant 3200 : i32
    %parallel_loop3A_507 = arith.constant 16 : i32
    %parallel_loop3A_508 = scf.for %parallel_loop3A_642 = %parallel_loop3A_505 to %parallel_loop3A_506 step %parallel_loop3A_507 iter_args(%parallel_loop3A_643 = %parallel_loop3A_396) -> (vector<16xf32>)  : i32 {
      %parallel_loop3A_644 = arith.index_cast %parallel_loop3A_642 : i32 to index
      %parallel_loop3A_645 = tpu.vector_load %arg10[%parallel_loop3A_644] {strides = array<i32>} : memref<6400xi32, #tpu.memory_space<vmem>>, vector<16xi32>,
      %parallel_loop3A_646 = arith.index_cast %parallel_loop3A_642 : i32 to index
      %parallel_loop3A_647 = tpu.vector_load %arg12[%parallel_loop3A_646] {strides = array<i32>} : memref<6400xi32, #tpu.memory_space<vmem>>, vector<16xi32>,
      %parallel_loop3A_648 = arith.constant 0 : i32
      %parallel_loop3A_649 = vector.broadcast %parallel_loop3A_648 : i32 to vector<16xi32>
      %parallel_loop3A_650 = arith.addi %parallel_loop3A_645, %parallel_loop3A_649 : vector<16xi32>
      %parallel_loop3A_651 = tpu.vector_load_idx %arg8[%parallel_loop3A_650] : memref<1024xf32, #tpu.memory_space<vmem>>[vector<16xi32>], vector<16xf32>,
      %parallel_loop3A_652 = arith.constant 0 : i32
      %parallel_loop3A_653 = arith.addi %parallel_loop3A_652, %parallel_loop3A_642 : i32
      %parallel_loop3A_654 = arith.index_cast %parallel_loop3A_653 : i32 to index
      %parallel_loop3A_655 = tpu.vector_load %arg14[%parallel_loop3A_654] {strides = array<i32>} : memref<38400xf32, #tpu.memory_space<vmem>>, vector<16xf32>,
      tpu.vector_store %arg14[%parallel_loop3A_654], %parallel_loop3A_651 {strides = array<i32>} : memref<38400xf32, #tpu.memory_space<vmem>>, vector<16xf32>,
      %parallel_loop3A_656 = arith.constant 128 : i32
      %parallel_loop3A_657 = vector.broadcast %parallel_loop3A_656 : i32 to vector<16xi32>
      %parallel_loop3A_658 = arith.addi %parallel_loop3A_645, %parallel_loop3A_657 : vector<16xi32>
      %parallel_loop3A_659 = tpu.vector_load_idx %arg8[%parallel_loop3A_658] : memref<1024xf32, #tpu.memory_space<vmem>>[vector<16xi32>], vector<16xf32>,
      %parallel_loop3A_660 = arith.constant 6400 : i32
      %parallel_loop3A_661 = arith.addi %parallel_loop3A_660, %parallel_loop3A_642 : i32
      %parallel_loop3A_662 = arith.index_cast %parallel_loop3A_661 : i32 to index
      %parallel_loop3A_663 = tpu.vector_load %arg14[%parallel_loop3A_662] {strides = array<i32>} : memref<38400xf32, #tpu.memory_space<vmem>>, vector<16xf32>,
      tpu.vector_store %arg14[%parallel_loop3A_662], %parallel_loop3A_659 {strides = array<i32>} : memref<38400xf32, #tpu.memory_space<vmem>>, vector<16xf32>,
      %parallel_loop3A_664 = arith.constant 256 : i32
      %parallel_loop3A_665 = vector.broadcast %parallel_loop3A_664 : i32 to vector<16xi32>
      %parallel_loop3A_666 = arith.addi %parallel_loop3A_645, %parallel_loop3A_665 : vector<16xi32>
      %parallel_loop3A_667 = tpu.vector_load_idx %arg8[%parallel_loop3A_666] : memref<1024xf32, #tpu.memory_space<vmem>>[vector<16xi32>], vector<16xf32>,
      %parallel_loop3A_668 = arith.constant 12800 : i32
      %parallel_loop3A_669 = arith.addi %parallel_loop3A_668, %parallel_loop3A_642 : i32
      %parallel_loop3A_670 = arith.index_cast %parallel_loop3A_669 : i32 to index
      %parallel_loop3A_671 = tpu.vector_load %arg14[%parallel_loop3A_670] {strides = array<i32>} : memref<38400xf32, #tpu.memory_space<vmem>>, vector<16xf32>,
      tpu.vector_store %arg14[%parallel_loop3A_670], %parallel_loop3A_667 {strides = array<i32>} : memref<38400xf32, #tpu.memory_space<vmem>>, vector<16xf32>,
      %parallel_loop3A_672 = arith.constant 384 : i32
      %parallel_loop3A_673 = vector.broadcast %parallel_loop3A_672 : i32 to vector<16xi32>
      %parallel_loop3A_674 = arith.addi %parallel_loop3A_645, %parallel_loop3A_673 : vector<16xi32>
      %parallel_loop3A_675 = tpu.vector_load_idx %arg8[%parallel_loop3A_674] : memref<1024xf32, #tpu.memory_space<vmem>>[vector<16xi32>], vector<16xf32>,
      %parallel_loop3A_676 = arith.constant 19200 : i32
      %parallel_loop3A_677 = arith.addi %parallel_loop3A_676, %parallel_loop3A_642 : i32
      %parallel_loop3A_678 = arith.index_cast %parallel_loop3A_677 : i32 to index
      %parallel_loop3A_679 = tpu.vector_load %arg14[%parallel_loop3A_678] {strides = array<i32>} : memref<38400xf32, #tpu.memory_space<vmem>>, vector<16xf32>,
      tpu.vector_store %arg14[%parallel_loop3A_678], %parallel_loop3A_675 {strides = array<i32>} : memref<38400xf32, #tpu.memory_space<vmem>>, vector<16xf32>,
      %parallel_loop3A_680 = arith.constant 512 : i32
      %parallel_loop3A_681 = vector.broadcast %parallel_loop3A_680 : i32 to vector<16xi32>
      %parallel_loop3A_682 = arith.addi %parallel_loop3A_645, %parallel_loop3A_681 : vector<16xi32>
      %parallel_loop3A_683 = tpu.vector_load_idx %arg8[%parallel_loop3A_682] : memref<1024xf32, #tpu.memory_space<vmem>>[vector<16xi32>], vector<16xf32>,
      %parallel_loop3A_684 = arith.constant 25600 : i32
      %parallel_loop3A_685 = arith.addi %parallel_loop3A_684, %parallel_loop3A_642 : i32
      %parallel_loop3A_686 = arith.index_cast %parallel_loop3A_685 : i32 to index
      %parallel_loop3A_687 = tpu.vector_load %arg14[%parallel_loop3A_686] {strides = array<i32>} : memref<38400xf32, #tpu.memory_space<vmem>>, vector<16xf32>,
      tpu.vector_store %arg14[%parallel_loop3A_686], %parallel_loop3A_683 {strides = array<i32>} : memref<38400xf32, #tpu.memory_space<vmem>>, vector<16xf32>,
      %parallel_loop3A_688 = arith.constant 640 : i32
      %parallel_loop3A_689 = vector.broadcast %parallel_loop3A_688 : i32 to vector<16xi32>
      %parallel_loop3A_690 = arith.addi %parallel_loop3A_645, %parallel_loop3A_689 : vector<16xi32>
      %parallel_loop3A_691 = tpu.vector_load_idx %arg8[%parallel_loop3A_690] : memref<1024xf32, #tpu.memory_space<vmem>>[vector<16xi32>], vector<16xf32>,
      %parallel_loop3A_692 = arith.constant 32000 : i32
      %parallel_loop3A_693 = arith.addi %parallel_loop3A_692, %parallel_loop3A_642 : i32
      %parallel_loop3A_694 = arith.index_cast %parallel_loop3A_693 : i32 to index
      %parallel_loop3A_695 = tpu.vector_load %arg14[%parallel_loop3A_694] {strides = array<i32>} : memref<38400xf32, #tpu.memory_space<vmem>>, vector<16xf32>,
      tpu.vector_store %arg14[%parallel_loop3A_694], %parallel_loop3A_691 {strides = array<i32>} : memref<38400xf32, #tpu.memory_space<vmem>>, vector<16xf32>,
      %parallel_loop3A_696 = arith.constant 128 : i32
      %parallel_loop3A_697 = vector.broadcast %parallel_loop3A_696 : i32 to vector<16xi32>
      %parallel_loop3A_698 = arith.muli %parallel_loop3A_647, %parallel_loop3A_697 : vector<16xi32>
      %parallel_loop3A_699 = arith.addi %parallel_loop3A_698, %parallel_loop3A_645 : vector<16xi32>
      %parallel_loop3A_700 = tpu.vector_load_idx %arg9[%parallel_loop3A_699] : memref<2048xf32, #tpu.memory_space<vmem>>[vector<16xi32>], vector<16xf32>,
      %parallel_loop3A_701 = arith.addf %parallel_loop3A_643, %parallel_loop3A_700 : vector<16xf32>
      scf.yield %parallel_loop3A_701 : vector<16xf32>
    } {sc.loop_unroll_factor = 4 : i64, sc.parallel_access}
    %add3A_509 = arith.constant 0 : i32
    %add3A_510 = arith.addi %add3A_509, %mul3A_2 : i32
    %add3A_511 = arith.constant 22400 : i32
    %add3A_512 = arith.addi %add3A_510, %add3A_511 : i32
    %dma_start3A_513 = arith.constant 0 : i32
    %dma_start3A_514 = tpu.memref_slice %arg14[%dma_start3A_513] : memref<38400xf32, #tpu.memory_space<vmem>> -> memref<3200xf32, #tpu.memory_space<vmem>>
    %dma_start3A_515 = tpu.memref_slice %arg6[%add3A_512] : memref<4915200xf32, #tpu.memory_space<hbm>> -> memref<3200xf32, #tpu.memory_space<hbm>>
    %dma_start3A_516 = tpu.memref_slice %arg6[%add3A_512] : memref<4915200xf32, #tpu.memory_space<hbm>> -> memref<3200xf32, #tpu.memory_space<hbm>>
    %dma_start3A_517 = arith.constant 0 : i32
    %dma_start3A_518 = tpu.memref_slice %arg14[%dma_start3A_517] : memref<38400xf32, #tpu.memory_space<vmem>> -> memref<3200xf32, #tpu.memory_space<vmem>>
    tpu.enqueue_dma source(%dma_start3A_518 : memref<3200xf32, #tpu.memory_space<vmem>>) target(%dma_start3A_516 : memref<3200xf32, #tpu.memory_space<hbm>>) target_semaphore(%arg19 : memref<!tpu.dma_semaphore, #tpu.memory_space<semaphore_mem>>)
    %add3A_519 = arith.constant 819200 : i32
    %add3A_520 = arith.addi %add3A_519, %mul3A_2 : i32
    %add3A_521 = arith.constant 22400 : i32
    %add3A_522 = arith.addi %add3A_520, %add3A_521 : i32
    %dma_start3A_523 = arith.constant 6400 : i32
    %dma_start3A_524 = tpu.memref_slice %arg14[%dma_start3A_523] : memref<38400xf32, #tpu.memory_space<vmem>> -> memref<3200xf32, #tpu.memory_space<vmem>>
    %dma_start3A_525 = tpu.memref_slice %arg6[%add3A_522] : memref<4915200xf32, #tpu.memory_space<hbm>> -> memref<3200xf32, #tpu.memory_space<hbm>>
    %dma_start3A_526 = tpu.memref_slice %arg6[%add3A_522] : memref<4915200xf32, #tpu.memory_space<hbm>> -> memref<3200xf32, #tpu.memory_space<hbm>>
    %dma_start3A_527 = arith.constant 6400 : i32
    %dma_start3A_528 = tpu.memref_slice %arg14[%dma_start3A_527] : memref<38400xf32, #tpu.memory_space<vmem>> -> memref<3200xf32, #tpu.memory_space<vmem>>
    tpu.enqueue_dma source(%dma_start3A_528 : memref<3200xf32, #tpu.memory_space<vmem>>) target(%dma_start3A_526 : memref<3200xf32, #tpu.memory_space<hbm>>) target_semaphore(%arg19 : memref<!tpu.dma_semaphore, #tpu.memory_space<semaphore_mem>>)
    %add3A_529 = arith.constant 1638400 : i32
    %add3A_530 = arith.addi %add3A_529, %mul3A_2 : i32
    %add3A_531 = arith.constant 22400 : i32
    %add3A_532 = arith.addi %add3A_530, %add3A_531 : i32
    %dma_start3A_533 = arith.constant 12800 : i32
    %dma_start3A_534 = tpu.memref_slice %arg14[%dma_start3A_533] : memref<38400xf32, #tpu.memory_space<vmem>> -> memref<3200xf32, #tpu.memory_space<vmem>>
    %dma_start3A_535 = tpu.memref_slice %arg6[%add3A_532] : memref<4915200xf32, #tpu.memory_space<hbm>> -> memref<3200xf32, #tpu.memory_space<hbm>>
    %dma_start3A_536 = tpu.memref_slice %arg6[%add3A_532] : memref<4915200xf32, #tpu.memory_space<hbm>> -> memref<3200xf32, #tpu.memory_space<hbm>>
    %dma_start3A_537 = arith.constant 12800 : i32
    %dma_start3A_538 = tpu.memref_slice %arg14[%dma_start3A_537] : memref<38400xf32, #tpu.memory_space<vmem>> -> memref<3200xf32, #tpu.memory_space<vmem>>
    tpu.enqueue_dma source(%dma_start3A_538 : memref<3200xf32, #tpu.memory_space<vmem>>) target(%dma_start3A_536 : memref<3200xf32, #tpu.memory_space<hbm>>) target_semaphore(%arg19 : memref<!tpu.dma_semaphore, #tpu.memory_space<semaphore_mem>>)
    %add3A_539 = arith.constant 2457600 : i32
    %add3A_540 = arith.addi %add3A_539, %mul3A_2 : i32
    %add3A_541 = arith.constant 22400 : i32
    %add3A_542 = arith.addi %add3A_540, %add3A_541 : i32
    %dma_start3A_543 = arith.constant 19200 : i32
    %dma_start3A_544 = tpu.memref_slice %arg14[%dma_start3A_543] : memref<38400xf32, #tpu.memory_space<vmem>> -> memref<3200xf32, #tpu.memory_space<vmem>>
    %dma_start3A_545 = tpu.memref_slice %arg6[%add3A_542] : memref<4915200xf32, #tpu.memory_space<hbm>> -> memref<3200xf32, #tpu.memory_space<hbm>>
    %dma_start3A_546 = tpu.memref_slice %arg6[%add3A_542] : memref<4915200xf32, #tpu.memory_space<hbm>> -> memref<3200xf32, #tpu.memory_space<hbm>>
    %dma_start3A_547 = arith.constant 19200 : i32
    %dma_start3A_548 = tpu.memref_slice %arg14[%dma_start3A_547] : memref<38400xf32, #tpu.memory_space<vmem>> -> memref<3200xf32, #tpu.memory_space<vmem>>
    tpu.enqueue_dma source(%dma_start3A_548 : memref<3200xf32, #tpu.memory_space<vmem>>) target(%dma_start3A_546 : memref<3200xf32, #tpu.memory_space<hbm>>) target_semaphore(%arg19 : memref<!tpu.dma_semaphore, #tpu.memory_space<semaphore_mem>>)
    %add3A_549 = arith.constant 3276800 : i32
    %add3A_550 = arith.addi %add3A_549, %mul3A_2 : i32
    %add3A_551 = arith.constant 22400 : i32
    %add3A_552 = arith.addi %add3A_550, %add3A_551 : i32
    %dma_start3A_553 = arith.constant 25600 : i32
    %dma_start3A_554 = tpu.memref_slice %arg14[%dma_start3A_553] : memref<38400xf32, #tpu.memory_space<vmem>> -> memref<3200xf32, #tpu.memory_space<vmem>>
    %dma_start3A_555 = tpu.memref_slice %arg6[%add3A_552] : memref<4915200xf32, #tpu.memory_space<hbm>> -> memref<3200xf32, #tpu.memory_space<hbm>>
    %dma_start3A_556 = tpu.memref_slice %arg6[%add3A_552] : memref<4915200xf32, #tpu.memory_space<hbm>> -> memref<3200xf32, #tpu.memory_space<hbm>>
    %dma_start3A_557 = arith.constant 25600 : i32
    %dma_start3A_558 = tpu.memref_slice %arg14[%dma_start3A_557] : memref<38400xf32, #tpu.memory_space<vmem>> -> memref<3200xf32, #tpu.memory_space<vmem>>
    tpu.enqueue_dma source(%dma_start3A_558 : memref<3200xf32, #tpu.memory_space<vmem>>) target(%dma_start3A_556 : memref<3200xf32, #tpu.memory_space<hbm>>) target_semaphore(%arg19 : memref<!tpu.dma_semaphore, #tpu.memory_space<semaphore_mem>>)
    %add3A_559 = arith.constant 4096000 : i32
    %add3A_560 = arith.addi %add3A_559, %mul3A_2 : i32
    %add3A_561 = arith.constant 22400 : i32
    %add3A_562 = arith.addi %add3A_560, %add3A_561 : i32
    %dma_start3A_563 = arith.constant 32000 : i32
    %dma_start3A_564 = tpu.memref_slice %arg14[%dma_start3A_563] : memref<38400xf32, #tpu.memory_space<vmem>> -> memref<3200xf32, #tpu.memory_space<vmem>>
    %dma_start3A_565 = tpu.memref_slice %arg6[%add3A_562] : memref<4915200xf32, #tpu.memory_space<hbm>> -> memref<3200xf32, #tpu.memory_space<hbm>>
    %dma_start3A_566 = tpu.memref_slice %arg6[%add3A_562] : memref<4915200xf32, #tpu.memory_space<hbm>> -> memref<3200xf32, #tpu.memory_space<hbm>>
    %dma_start3A_567 = arith.constant 32000 : i32
    %dma_start3A_568 = tpu.memref_slice %arg14[%dma_start3A_567] : memref<38400xf32, #tpu.memory_space<vmem>> -> memref<3200xf32, #tpu.memory_space<vmem>>
    tpu.enqueue_dma source(%dma_start3A_568 : memref<3200xf32, #tpu.memory_space<vmem>>) target(%dma_start3A_566 : memref<3200xf32, #tpu.memory_space<hbm>>) target_semaphore(%arg19 : memref<!tpu.dma_semaphore, #tpu.memory_space<semaphore_mem>>)
    %dma_wait3A_569 = arith.constant 0 : i32
    %dma_wait3A_570 = tpu.memref_slice %arg14[%dma_wait3A_569] : memref<38400xf32, #tpu.memory_space<vmem>> -> memref<3200xf32, #tpu.memory_space<vmem>>
    %dma_wait3A_571 = tpu.memref_slice %arg6[%add3A_512] : memref<4915200xf32, #tpu.memory_space<hbm>> -> memref<3200xf32, #tpu.memory_space<hbm>>
    %dma_wait3A_572 = tpu.memref_slice %arg6[%add3A_512] : memref<4915200xf32, #tpu.memory_space<hbm>> -> memref<3200xf32, #tpu.memory_space<hbm>>
    %dma_wait3A_573 = arith.constant 0 : i32
    %dma_wait3A_574 = tpu.memref_slice %arg14[%dma_wait3A_573] : memref<38400xf32, #tpu.memory_space<vmem>> -> memref<3200xf32, #tpu.memory_space<vmem>>
    tpu.wait_dma2 semaphore(%arg19 : memref<!tpu.dma_semaphore, #tpu.memory_space<semaphore_mem>>) src(%dma_wait3A_574 : memref<3200xf32, #tpu.memory_space<vmem>>) dst(%dma_wait3A_572 : memref<3200xf32, #tpu.memory_space<hbm>>)
    %dma_wait3A_575 = arith.constant 6400 : i32
    %dma_wait3A_576 = tpu.memref_slice %arg14[%dma_wait3A_575] : memref<38400xf32, #tpu.memory_space<vmem>> -> memref<3200xf32, #tpu.memory_space<vmem>>
    %dma_wait3A_577 = tpu.memref_slice %arg6[%add3A_522] : memref<4915200xf32, #tpu.memory_space<hbm>> -> memref<3200xf32, #tpu.memory_space<hbm>>
    %dma_wait3A_578 = tpu.memref_slice %arg6[%add3A_522] : memref<4915200xf32, #tpu.memory_space<hbm>> -> memref<3200xf32, #tpu.memory_space<hbm>>
    %dma_wait3A_579 = arith.constant 6400 : i32
    %dma_wait3A_580 = tpu.memref_slice %arg14[%dma_wait3A_579] : memref<38400xf32, #tpu.memory_space<vmem>> -> memref<3200xf32, #tpu.memory_space<vmem>>
    tpu.wait_dma2 semaphore(%arg19 : memref<!tpu.dma_semaphore, #tpu.memory_space<semaphore_mem>>) src(%dma_wait3A_580 : memref<3200xf32, #tpu.memory_space<vmem>>) dst(%dma_wait3A_578 : memref<3200xf32, #tpu.memory_space<hbm>>)
    %dma_wait3A_581 = arith.constant 12800 : i32
    %dma_wait3A_582 = tpu.memref_slice %arg14[%dma_wait3A_581] : memref<38400xf32, #tpu.memory_space<vmem>> -> memref<3200xf32, #tpu.memory_space<vmem>>
    %dma_wait3A_583 = tpu.memref_slice %arg6[%add3A_532] : memref<4915200xf32, #tpu.memory_space<hbm>> -> memref<3200xf32, #tpu.memory_space<hbm>>
    %dma_wait3A_584 = tpu.memref_slice %arg6[%add3A_532] : memref<4915200xf32, #tpu.memory_space<hbm>> -> memref<3200xf32, #tpu.memory_space<hbm>>
    %dma_wait3A_585 = arith.constant 12800 : i32
    %dma_wait3A_586 = tpu.memref_slice %arg14[%dma_wait3A_585] : memref<38400xf32, #tpu.memory_space<vmem>> -> memref<3200xf32, #tpu.memory_space<vmem>>
    tpu.wait_dma2 semaphore(%arg19 : memref<!tpu.dma_semaphore, #tpu.memory_space<semaphore_mem>>) src(%dma_wait3A_586 : memref<3200xf32, #tpu.memory_space<vmem>>) dst(%dma_wait3A_584 : memref<3200xf32, #tpu.memory_space<hbm>>)
    %dma_wait3A_587 = arith.constant 19200 : i32
    %dma_wait3A_588 = tpu.memref_slice %arg14[%dma_wait3A_587] : memref<38400xf32, #tpu.memory_space<vmem>> -> memref<3200xf32, #tpu.memory_space<vmem>>
    %dma_wait3A_589 = tpu.memref_slice %arg6[%add3A_542] : memref<4915200xf32, #tpu.memory_space<hbm>> -> memref<3200xf32, #tpu.memory_space<hbm>>
    %dma_wait3A_590 = tpu.memref_slice %arg6[%add3A_542] : memref<4915200xf32, #tpu.memory_space<hbm>> -> memref<3200xf32, #tpu.memory_space<hbm>>
    %dma_wait3A_591 = arith.constant 19200 : i32
    %dma_wait3A_592 = tpu.memref_slice %arg14[%dma_wait3A_591] : memref<38400xf32, #tpu.memory_space<vmem>> -> memref<3200xf32, #tpu.memory_space<vmem>>
    tpu.wait_dma2 semaphore(%arg19 : memref<!tpu.dma_semaphore, #tpu.memory_space<semaphore_mem>>) src(%dma_wait3A_592 : memref<3200xf32, #tpu.memory_space<vmem>>) dst(%dma_wait3A_590 : memref<3200xf32, #tpu.memory_space<hbm>>)
    %dma_wait3A_593 = arith.constant 25600 : i32
    %dma_wait3A_594 = tpu.memref_slice %arg14[%dma_wait3A_593] : memref<38400xf32, #tpu.memory_space<vmem>> -> memref<3200xf32, #tpu.memory_space<vmem>>
    %dma_wait3A_595 = tpu.memref_slice %arg6[%add3A_552] : memref<4915200xf32, #tpu.memory_space<hbm>> -> memref<3200xf32, #tpu.memory_space<hbm>>
    %dma_wait3A_596 = tpu.memref_slice %arg6[%add3A_552] : memref<4915200xf32, #tpu.memory_space<hbm>> -> memref<3200xf32, #tpu.memory_space<hbm>>
    %dma_wait3A_597 = arith.constant 25600 : i32
    %dma_wait3A_598 = tpu.memref_slice %arg14[%dma_wait3A_597] : memref<38400xf32, #tpu.memory_space<vmem>> -> memref<3200xf32, #tpu.memory_space<vmem>>
    tpu.wait_dma2 semaphore(%arg19 : memref<!tpu.dma_semaphore, #tpu.memory_space<semaphore_mem>>) src(%dma_wait3A_598 : memref<3200xf32, #tpu.memory_space<vmem>>) dst(%dma_wait3A_596 : memref<3200xf32, #tpu.memory_space<hbm>>)
    %dma_wait3A_599 = arith.constant 32000 : i32
    %dma_wait3A_600 = tpu.memref_slice %arg14[%dma_wait3A_599] : memref<38400xf32, #tpu.memory_space<vmem>> -> memref<3200xf32, #tpu.memory_space<vmem>>
    %dma_wait3A_601 = tpu.memref_slice %arg6[%add3A_562] : memref<4915200xf32, #tpu.memory_space<hbm>> -> memref<3200xf32, #tpu.memory_space<hbm>>
    %dma_wait3A_602 = tpu.memref_slice %arg6[%add3A_562] : memref<4915200xf32, #tpu.memory_space<hbm>> -> memref<3200xf32, #tpu.memory_space<hbm>>
    %dma_wait3A_603 = arith.constant 32000 : i32
    %dma_wait3A_604 = tpu.memref_slice %arg14[%dma_wait3A_603] : memref<38400xf32, #tpu.memory_space<vmem>> -> memref<3200xf32, #tpu.memory_space<vmem>>
    tpu.wait_dma2 semaphore(%arg19 : memref<!tpu.dma_semaphore, #tpu.memory_space<semaphore_mem>>) src(%dma_wait3A_604 : memref<3200xf32, #tpu.memory_space<vmem>>) dst(%dma_wait3A_602 : memref<3200xf32, #tpu.memory_space<hbm>>)
    %dma_wait3A_605 = arith.constant 0 : i32
    %dma_wait3A_606 = tpu.memref_slice %arg15[%dma_wait3A_605] : memref<38400xf32, #tpu.memory_space<vmem>> -> memref<6400xf32, #tpu.memory_space<vmem>>
    %dma_wait3A_607 = tpu.memref_slice %arg6[%add3A_400] : memref<4915200xf32, #tpu.memory_space<hbm>> -> memref<6400xf32, #tpu.memory_space<hbm>>
    %dma_wait3A_608 = tpu.memref_slice %arg6[%add3A_400] : memref<4915200xf32, #tpu.memory_space<hbm>> -> memref<6400xf32, #tpu.memory_space<hbm>>
    %dma_wait3A_609 = arith.constant 0 : i32
    %dma_wait3A_610 = tpu.memref_slice %arg15[%dma_wait3A_609] : memref<38400xf32, #tpu.memory_space<vmem>> -> memref<6400xf32, #tpu.memory_space<vmem>>
    tpu.wait_dma2 semaphore(%arg20 : memref<!tpu.dma_semaphore, #tpu.memory_space<semaphore_mem>>) src(%dma_wait3A_610 : memref<6400xf32, #tpu.memory_space<vmem>>) dst(%dma_wait3A_608 : memref<6400xf32, #tpu.memory_space<hbm>>)
    %dma_wait3A_611 = arith.constant 6400 : i32
    %dma_wait3A_612 = tpu.memref_slice %arg15[%dma_wait3A_611] : memref<38400xf32, #tpu.memory_space<vmem>> -> memref<6400xf32, #tpu.memory_space<vmem>>
    %dma_wait3A_613 = tpu.memref_slice %arg6[%add3A_410] : memref<4915200xf32, #tpu.memory_space<hbm>> -> memref<6400xf32, #tpu.memory_space<hbm>>
    %dma_wait3A_614 = tpu.memref_slice %arg6[%add3A_410] : memref<4915200xf32, #tpu.memory_space<hbm>> -> memref<6400xf32, #tpu.memory_space<hbm>>
    %dma_wait3A_615 = arith.constant 6400 : i32
    %dma_wait3A_616 = tpu.memref_slice %arg15[%dma_wait3A_615] : memref<38400xf32, #tpu.memory_space<vmem>> -> memref<6400xf32, #tpu.memory_space<vmem>>
    tpu.wait_dma2 semaphore(%arg20 : memref<!tpu.dma_semaphore, #tpu.memory_space<semaphore_mem>>) src(%dma_wait3A_616 : memref<6400xf32, #tpu.memory_space<vmem>>) dst(%dma_wait3A_614 : memref<6400xf32, #tpu.memory_space<hbm>>)
    %dma_wait3A_617 = arith.constant 12800 : i32
    %dma_wait3A_618 = tpu.memref_slice %arg15[%dma_wait3A_617] : memref<38400xf32, #tpu.memory_space<vmem>> -> memref<6400xf32, #tpu.memory_space<vmem>>
    %dma_wait3A_619 = tpu.memref_slice %arg6[%add3A_420] : memref<4915200xf32, #tpu.memory_space<hbm>> -> memref<6400xf32, #tpu.memory_space<hbm>>
    %dma_wait3A_620 = tpu.memref_slice %arg6[%add3A_420] : memref<4915200xf32, #tpu.memory_space<hbm>> -> memref<6400xf32, #tpu.memory_space<hbm>>
    %dma_wait3A_621 = arith.constant 12800 : i32
    %dma_wait3A_622 = tpu.memref_slice %arg15[%dma_wait3A_621] : memref<38400xf32, #tpu.memory_space<vmem>> -> memref<6400xf32, #tpu.memory_space<vmem>>
    tpu.wait_dma2 semaphore(%arg20 : memref<!tpu.dma_semaphore, #tpu.memory_space<semaphore_mem>>) src(%dma_wait3A_622 : memref<6400xf32, #tpu.memory_space<vmem>>) dst(%dma_wait3A_620 : memref<6400xf32, #tpu.memory_space<hbm>>)
    %dma_wait3A_623 = arith.constant 19200 : i32
    %dma_wait3A_624 = tpu.memref_slice %arg15[%dma_wait3A_623] : memref<38400xf32, #tpu.memory_space<vmem>> -> memref<6400xf32, #tpu.memory_space<vmem>>
    %dma_wait3A_625 = tpu.memref_slice %arg6[%add3A_430] : memref<4915200xf32, #tpu.memory_space<hbm>> -> memref<6400xf32, #tpu.memory_space<hbm>>
    %dma_wait3A_626 = tpu.memref_slice %arg6[%add3A_430] : memref<4915200xf32, #tpu.memory_space<hbm>> -> memref<6400xf32, #tpu.memory_space<hbm>>
    %dma_wait3A_627 = arith.constant 19200 : i32
    %dma_wait3A_628 = tpu.memref_slice %arg15[%dma_wait3A_627] : memref<38400xf32, #tpu.memory_space<vmem>> -> memref<6400xf32, #tpu.memory_space<vmem>>
    tpu.wait_dma2 semaphore(%arg20 : memref<!tpu.dma_semaphore, #tpu.memory_space<semaphore_mem>>) src(%dma_wait3A_628 : memref<6400xf32, #tpu.memory_space<vmem>>) dst(%dma_wait3A_626 : memref<6400xf32, #tpu.memory_space<hbm>>)
    %dma_wait3A_629 = arith.constant 25600 : i32
    %dma_wait3A_630 = tpu.memref_slice %arg15[%dma_wait3A_629] : memref<38400xf32, #tpu.memory_space<vmem>> -> memref<6400xf32, #tpu.memory_space<vmem>>
    %dma_wait3A_631 = tpu.memref_slice %arg6[%add3A_440] : memref<4915200xf32, #tpu.memory_space<hbm>> -> memref<6400xf32, #tpu.memory_space<hbm>>
    %dma_wait3A_632 = tpu.memref_slice %arg6[%add3A_440] : memref<4915200xf32, #tpu.memory_space<hbm>> -> memref<6400xf32, #tpu.memory_space<hbm>>
    %dma_wait3A_633 = arith.constant 25600 : i32
    %dma_wait3A_634 = tpu.memref_slice %arg15[%dma_wait3A_633] : memref<38400xf32, #tpu.memory_space<vmem>> -> memref<6400xf32, #tpu.memory_space<vmem>>
    tpu.wait_dma2 semaphore(%arg20 : memref<!tpu.dma_semaphore, #tpu.memory_space<semaphore_mem>>) src(%dma_wait3A_634 : memref<6400xf32, #tpu.memory_space<vmem>>) dst(%dma_wait3A_632 : memref<6400xf32, #tpu.memory_space<hbm>>)
    %dma_wait3A_635 = arith.constant 32000 : i32
    %dma_wait3A_636 = tpu.memref_slice %arg15[%dma_wait3A_635] : memref<38400xf32, #tpu.memory_space<vmem>> -> memref<6400xf32, #tpu.memory_space<vmem>>
    %dma_wait3A_637 = tpu.memref_slice %arg6[%add3A_450] : memref<4915200xf32, #tpu.memory_space<hbm>> -> memref<6400xf32, #tpu.memory_space<hbm>>
    %dma_wait3A_638 = tpu.memref_slice %arg6[%add3A_450] : memref<4915200xf32, #tpu.memory_space<hbm>> -> memref<6400xf32, #tpu.memory_space<hbm>>
    %dma_wait3A_639 = arith.constant 32000 : i32
    %dma_wait3A_640 = tpu.memref_slice %arg15[%dma_wait3A_639] : memref<38400xf32, #tpu.memory_space<vmem>> -> memref<6400xf32, #tpu.memory_space<vmem>>
    tpu.wait_dma2 semaphore(%arg20 : memref<!tpu.dma_semaphore, #tpu.memory_space<semaphore_mem>>) src(%dma_wait3A_640 : memref<6400xf32, #tpu.memory_space<vmem>>) dst(%dma_wait3A_638 : memref<6400xf32, #tpu.memory_space<hbm>>)
    %swap3A = arith.constant 0 : index
    %swap3A_641 = tpu.vector_load %arg16[%swap3A] {strides = array<i32>} : memref<16xf32, #tpu.memory_space<vmem>>, vector<16xf32>,
    tpu.vector_store %arg16[%swap3A], %parallel_loop3A_508 {strides = array<i32>} : memref<16xf32, #tpu.memory_space<vmem>>, vector<16xf32>,
    "tpu.region"() ({
      %run_scoped3A = tpu.sem_alloc : memref<!tpu.dma_semaphore, #tpu.memory_space<semaphore_mem>>
      %dma_start3A_642 = arith.constant 0 : i32
      %dma_start3A_643 = tpu.memref_slice %arg7[%add3A, %dma_start3A_642] : memref<32x16xf32, #tpu.memory_space<hbm>> -> memref<1x16xf32, #tpu.memory_space<hbm>>
      %dma_start3A_644 = tpu.memref_squeeze %dma_start3A_643 : memref<1x16xf32, #tpu.memory_space<hbm>> -> memref<16xf32, #tpu.memory_space<hbm>>
      %dma_start3A_645 = arith.constant 0 : i32
      %dma_start3A_646 = tpu.memref_slice %arg7[%add3A, %dma_start3A_645] : memref<32x16xf32, #tpu.memory_space<hbm>> -> memref<1x16xf32, #tpu.memory_space<hbm>>
      %dma_start3A_647 = tpu.memref_squeeze %dma_start3A_646 : memref<1x16xf32, #tpu.memory_space<hbm>> -> memref<16xf32, #tpu.memory_space<hbm>>
      tpu.enqueue_dma source(%arg16 : memref<16xf32, #tpu.memory_space<vmem>>) target(%dma_start3A_647 : memref<16xf32, #tpu.memory_space<hbm>>) target_semaphore(%run_scoped3A : memref<!tpu.dma_semaphore, #tpu.memory_space<semaphore_mem>>)
      %dma_wait3A_648 = arith.constant 0 : i32
      %dma_wait3A_649 = tpu.memref_slice %arg7[%add3A, %dma_wait3A_648] : memref<32x16xf32, #tpu.memory_space<hbm>> -> memref<1x16xf32, #tpu.memory_space<hbm>>
      %dma_wait3A_650 = tpu.memref_squeeze %dma_wait3A_649 : memref<1x16xf32, #tpu.memory_space<hbm>> -> memref<16xf32, #tpu.memory_space<hbm>>
      %dma_wait3A_651 = arith.constant 0 : i32
      %dma_wait3A_652 = tpu.memref_slice %arg7[%add3A, %dma_wait3A_651] : memref<32x16xf32, #tpu.memory_space<hbm>> -> memref<1x16xf32, #tpu.memory_space<hbm>>
      %dma_wait3A_653 = tpu.memref_squeeze %dma_wait3A_652 : memref<1x16xf32, #tpu.memory_space<hbm>> -> memref<16xf32, #tpu.memory_space<hbm>>
      tpu.wait_dma2 semaphore(%run_scoped3A : memref<!tpu.dma_semaphore, #tpu.memory_space<semaphore_mem>>) src(%arg16 : memref<16xf32, #tpu.memory_space<vmem>>) dst(%dma_wait3A_653 : memref<16xf32, #tpu.memory_space<hbm>>)
      tpu.yield
    }) : () -> ()
    return
  }
}

module attributes {stable_mosaic.version = 14 : i64} {
  func.func @_prep_body(%arg0: memref<6x12xf32, #tpu.memory_space<vmem>>, %arg1: memref<16x128xf32, #tpu.memory_space<vmem>>, %arg2: memref<8x128xf32, #tpu.memory_space<vmem>>) attributes {dimension_semantics = [], scalar_prefetch = 0 : i64, scratch_operands = 0 : i64, tpu.core_type = #tpu.core_type<tc>} {
    %get3A = arith.constant 0 : index
    %get3A_0 = arith.constant 0 : index
    %get3A_1 = vector.load %arg0[%get3A, %get3A_0] : memref<6x12xf32, #tpu.memory_space<vmem>>, vector<6x12xf32>
    %reduce_max3A = arith.constant dense<0xFF800000> : vector<12xf32>
    %reduce_max3A_2 = vector.multi_reduction <maximumf>, %get3A_1, %reduce_max3A [0] : vector<6x12xf32> to vector<12xf32>
    %broadcast_in_dim3A = vector.shape_cast %reduce_max3A_2 : vector<12xf32> to vector<1x12xf32>
    %sub3A = vector.broadcast %broadcast_in_dim3A : vector<1x12xf32> to vector<6x12xf32>
    %sub3A_3 = arith.subf %get3A_1, %sub3A : vector<6x12xf32>
    %exp3A = math.exp %sub3A_3 : vector<6x12xf32>
    %reduce_sum3A = arith.constant dense<0.000000e+00> : vector<12xf32>
    %reduce_sum3A_4 = vector.multi_reduction <add>, %exp3A, %reduce_sum3A [0] : vector<6x12xf32> to vector<12xf32>
    %broadcast_in_dim3A_5 = vector.shape_cast %reduce_sum3A_4 : vector<12xf32> to vector<1x12xf32>
    %log3A = math.log %broadcast_in_dim3A_5 : vector<1x12xf32>
    %add3A = arith.addf %broadcast_in_dim3A, %log3A : vector<1x12xf32>
    %broadcast_in_dim3A_6 = arith.constant 0x7FC00000 : f32
    %broadcast_in_dim3A_7 = vector.broadcast %broadcast_in_dim3A_6 : f32 to vector<6x12xf32>
    %concatenate3A = tpu.concatenate %get3A_1, %broadcast_in_dim3A_7 in 0 : vector<6x12xf32>, vector<6x12xf32> -> vector<12x12xf32>
    %sub3A_8 = vector.broadcast %add3A : vector<1x12xf32> to vector<12x12xf32>
    %sub3A_9 = arith.subf %sub3A_8, %concatenate3A : vector<12x12xf32>
    %swap3A = arith.constant 0 : index
    %swap3A_10 = arith.constant 0 : index
    %swap3A_11 = vector.load %arg1[%swap3A, %swap3A_10] : memref<16x128xf32, #tpu.memory_space<vmem>>, vector<12x12xf32>
    tpu.vector_store %arg1[%swap3A, %swap3A_10], %sub3A_9 {strides = array<i32>} : memref<16x128xf32, #tpu.memory_space<vmem>>, vector<12x12xf32>,
    %swap3A_12 = arith.constant 0 : index
    %swap3A_13 = arith.constant 0 : index
    %swap3A_14 = vector.load %arg2[%swap3A_12, %swap3A_13] : memref<8x128xf32, #tpu.memory_space<vmem>>, vector<6x12xf32>
    tpu.vector_store %arg2[%swap3A_12, %swap3A_13], %get3A_1 {strides = array<i32>} : memref<8x128xf32, #tpu.memory_space<vmem>>, vector<6x12xf32>,
    return
  }
}

module attributes {stable_mosaic.version = 14 : i64} {
  func.func @_fin_body(%arg0: memref<32x16xf32, #tpu.memory_space<vmem>>, %arg1: memref<1x1xf32, #tpu.memory_space<smem>>) attributes {dimension_semantics = [], scalar_prefetch = 0 : i64, scratch_operands = 0 : i64, tpu.core_type = #tpu.core_type<tc>} {
    %get3A = arith.constant 0 : index
    %get3A_0 = arith.constant 0 : index
    %get3A_1 = vector.load %arg0[%get3A, %get3A_0] : memref<32x16xf32, #tpu.memory_space<vmem>>, vector<32x16xf32>
    %reduce_sum3A = vector.shape_cast %get3A_1 : vector<32x16xf32> to vector<1x32x16xf32>
    %reduce_sum3A_2 = arith.constant dense<0.000000e+00> : vector<1xf32>
    %reduce_sum3A_3 = vector.multi_reduction <add>, %reduce_sum3A, %reduce_sum3A_2 [1, 2] : vector<1x32x16xf32> to vector<1xf32>
    %reduce_sum3A_4 = vector.shape_cast %reduce_sum3A_3 : vector<1xf32> to vector<1x1x1xf32>
    %reduce_sum3A_5 = vector.extract %reduce_sum3A_4[0, 0, 0] : f32 from vector<1x1x1xf32>
    %mul3A = arith.constant 1.2207031E-6 : f32
    %mul3A_6 = arith.mulf %reduce_sum3A_5, %mul3A : f32
    %swap3A = arith.constant 0 : index
    %swap3A_7 = arith.constant 0 : index
    %swap3A_8 = memref.load %arg1[%swap3A, %swap3A_7] : memref<1x1xf32, #tpu.memory_space<smem>>
    memref.store %mul3A_6, %arg1[%swap3A, %swap3A_7] : memref<1x1xf32, #tpu.memory_space<smem>>
    return
  }
}

</mosaic_0001>

<sc_bundles>
// kernel: kernel.5.cloned.1.call-start
scs
__scs_entry_jumppad:
0x0: {  	(pc) =	sbr.rel $0x88, $3  }
0x1: {  	(tag) =	ssettag $0x0;
	lr =	simm.s32 $0x1  }
0x2: {  	[smem:$0x3F9E] =	sst lr;
	_ =	strace $0xD0000000  }
0x3: {  	_ = 	snop  }
0x4: {  	_ = 	snop  }
0x5: {  	_ = 	snop  }
0x6: {  	_ = 	snop  }
0x7: {  	_ = 	snop  }
__scs_overlays_trampoline_lowered:
0x8: {  	[smem:$0x3FAD] =	sst s0  }
0x9: {  	[smem:$0x3FAE] =	sst s1  }
0xa: {  	[smem:$0x3FAF] =	sst s2  }
0xb: {  	[smem:$0x3FB0] =	sst s3  }
0xc: {  	[smem:$0x3FB1] =	sst s4  }
0xd: {  	[smem:$0x3FB2] =	sst s5  }
0xe: {  	[smem:$0x3FB3] =	sst s6  }
0xf: {  	[smem:$0x3FB4] =	sst s7  }
0x10: {  	[smem:$0x3FB5] =	sst s8  }
0x11: {  	[smem:$0x3FB6] =	sst s9;
	s0 =	simm.s32 @!p0 $0x0  }
0x12: {  	s1 =	sld [smem:$0x3F9C];
	s0 =	simm.s32 @p0 $0x1  }
0x13: {  	[smem:$0x3FB7] =	sst s0;
	s0 =	simm.s32 @!p1 $0x0  }
0x14: {  	s2 =	sld [smem:$0x3F9B];
	s0 =	simm.s32 @p1 $0x1  }
0x15: {  	[smem:$0x3FB8] =	sst s0;
	s0 =	simm.s32 @!p2 $0x0  }
0x16: {  	s3 =	sld [smem:$0x3FDB];
	s0 =	simm.s32 @p2 $0x1  }
0x17: {  	s4 =	simm.s32 $0x1BF5;
	[smem:$0x3FBA] =	sst s0  }
0x18: {  	s0 =	sld [smem:$0x3F9D];
	_ =	swait.ge [sflag:s4], $0x0  }
0x19: {  	s7 =	sld [smem:$0x3F9E]  }
0x1a: {  	s8 =	sadd.s32 $0xFFFFE003, lr  }
0x1b: {  	s9 =	sadd.s32 $0xFFFFFEF7, lr;
	s5 =	simm.s32 $0xFFFFFFFF;
	p2 =	slt.u32 s8, $0xFFFFF086  }
0x1c: {  	p1 =	slt.u32 s9, $0xF7A;
	s5 =	simm.s32 @!p2 $0x0  }
0x1d: {  	s5 =	simm.s32 @p1 $0x1;
	p0 =	seq.s32 s7, s2  }
0x1e: {  	s7 =	smul.u32 @!p0 $0xF7A, s2;
	p2 =	seq.s32 @!p0 s5, $0x0  }
0x1f: {  	s9 =	smul.u32 $0xF7A, s1;
	s8 =	simm.s32 @!p0 $0x1BF5;
	p2 =	por !p2, p0  }
0x20: {  	[sflag:s8] =	ssyncset.s32 @!p0 $0xFFFFF086;
	s6 =	sadd.s32 @!p0 s3, s7;
	s7 =	simm.s32 @!p0 $0x108  }
0x21: {  	s3 =	sadd.s32 s3, s9;
	s6 =	sadd.s32 @!p0 $0x88, s6;
	s7 =	simm.s32 @p2 $0x1082  }
0x22: {  	[simem:s7], [sflag:s8] =	dma.local @!p0 [hbm:s6], $0xF7A  }
0x23: {  	s9 =	sor.u32 $0xD0000000, s2;
	s6 =	simm.s32 $0x108;
	_ =	swait.ge @!p0 [sflag:s8], $0x0  }
0x24: {  	s3 =	sadd.s32 $0x88, s3;
	s6 =	simm.s32 @!p1 $0x1082;
	[sflag:s4] =	ssyncset.s32 $0xFFFFF086  }
0x25: {  	[simem:s6], [sflag:s4] =	dma.local [hbm:s3], $0xF7A  }
0x26: {  	[smem:$0x3F9E] =	sst s1;
	(tag) =	ssettag s2;
	_ =	strace s9  }
0x27: {  	s1 =	sld [smem:$0x3FAE]  }
0x28: {  	s2 =	sld [smem:$0x3FAF]  }
0x29: {  	s4 =	sld [smem:$0x3FB1]  }
0x2a: {  	p0 =	seq.s32 s5, $0x0;
	s5 =	sld [smem:$0x3FB2]  }
0x2b: {  	s6 =	sld [smem:$0x3FB3]  }
0x2c: {  	s7 =	sld [smem:$0x3FB4]  }
0x2d: {  	s3 =	simm.s32 $0x108;
	s8 =	sld [smem:$0x3FB5]  }
0x2e: {  	s3 =	simm.s32 @!p0 $0x1082;
	s9 =	sld [smem:$0x3FB6]  }
0x2f: {  	lr =	sadd.s32 s0, s3;
	s0 =	sld [smem:$0x3FAD]  }
0x30: {  	s3 =	sld [smem:$0x3FB0]  }
0x31: {  	[smem:$0x3FB9] =	sst s10  }
0x32: {  	s10 =	sld [smem:$0x3FB7];
	_ =	sdelay $0x3  }
0x33: {  	p0 =	seq.s32 s10, $0x1;
	s10 =	sld [smem:$0x3FB9];
	_ =	sdelay $0x3  }
0x34: {  	[smem:$0x3FB9] =	sst s10  }
0x35: {  	s10 =	sld [smem:$0x3FB8];
	_ =	sdelay $0x3  }
0x36: {  	p1 =	seq.s32 s10, $0x1;
	s10 =	sld [smem:$0x3FB9];
	_ =	sdelay $0x3  }
0x37: {  	[smem:$0x3FB9] =	sst s10  }
0x38: {  	s10 =	sld [smem:$0x3FBA]  }
0x39: {  	_ = 	snop;
	(pc) =	sbr.ind lr, $3  }
0x3a: {  	_ = 	snop  }
0x3b: {  	_ = 	snop  }
0x3c: {  	p2 =	seq.s32 s10, $0x1;
	s10 =	sld [smem:$0x3FB9]  }
0x3d: {  	_ =	shalt  }
0x3e: {  	_ =	shalt  }
0x3f: {  	_ =	shalt  }
0x40: {  	_ =	shalt  }
0x41: {  	_ =	shalt  }
0x42: {  	_ =	shalt  }
0x43: {  	_ =	shalt  }
0x44: {  	_ =	shalt  }
0x45: {  	_ =	shalt  }
0x46: {  	_ =	shalt  }
0x47: {  	_ =	shalt  }
0x48: {  	_ =	shalt  }
0x49: {  	_ =	shalt  }
0x4a: {  	_ =	shalt  }
0x4b: {  	_ =	shalt  }
0x4c: {  	_ =	shalt  }
0x4d: {  	_ =	shalt  }
0x4e: {  	_ =	shalt  }
0x4f: {  	_ =	shalt  }
0x50: {  	_ =	shalt  }
0x51: {  	_ =	shalt  }
0x52: {  	_ =	shalt  }
0x53: {  	_ =	shalt  }
0x54: {  	_ =	shalt  }
0x55: {  	_ =	shalt  }
0x56: {  	_ =	shalt  }
0x57: {  	_ =	shalt  }
0x58: {  	_ =	shalt  }
0x59: {  	_ =	shalt  }
0x5a: {  	_ =	shalt  }
0x5b: {  	_ =	shalt  }
0x5c: {  	_ =	shalt  }
0x5d: {  	_ =	shalt  }
0x5e: {  	_ =	shalt  }
0x5f: {  	_ =	shalt  }
0x60: {  	_ =	shalt  }
0x61: {  	_ =	shalt  }
0x62: {  	_ =	shalt  }
0x63: {  	_ =	shalt  }
0x64: {  	_ =	shalt  }
0x65: {  	_ =	shalt  }
0x66: {  	_ =	shalt  }
0x67: {  	_ =	shalt  }
0x68: {  	_ =	shalt  }
0x69: {  	_ =	shalt  }
0x6a: {  	_ =	shalt  }
0x6b: {  	_ =	shalt  }
0x6c: {  	_ =	shalt  }
0x6d: {  	_ =	shalt  }
0x6e: {  	_ =	shalt  }
0x6f: {  	_ =	shalt  }
0x70: {  	_ =	shalt  }
0x71: {  	_ =	shalt  }
0x72: {  	_ =	shalt  }
0x73: {  	_ =	shalt  }
0x74: {  	_ =	shalt  }
0x75: {  	_ =	shalt  }
0x76: {  	_ =	shalt  }
0x77: {  	_ =	shalt  }
0x78: {  	_ =	shalt  }
0x79: {  	_ =	shalt  }
0x7a: {  	_ =	shalt  }
0x7b: {  	_ =	shalt  }
0x7c: {  	_ =	shalt  }
0x7d: {  	_ =	shalt  }
0x7e: {  	_ =	shalt  }
0x7f: {  	_ =	shalt  }
0x80: {  	_ =	shalt  }
0x81: {  	_ =	shalt  }
0x82: {  	_ =	shalt  }
0x83: {  	_ =	shalt  }
0x84: {  	_ =	shalt  }
0x85: {  	_ =	shalt  }
0x86: {  	_ =	shalt  }
0x87: {  	_ =	shalt  }
.Lfunc_end0:
.L_simem_size_0:
called_computation_lowered:
.L_overlay_start_0:
0x88: {  	s2 =	sld [smem:$0x3FD9]  }
0x89: {  	s3 =	sld [smem:$0x3FFE];
	_ =	sdelay $0x1  }
0x8a: {  	s1 =	srdreg.scid  }
0x8b: {  	s0 =	sand.u32 $0x1, s1  }
0x8c: {  	s14 =	sshll.u32 s0, $0xA;
	s2 =	sadd.s32 s3, s2  }
0x8d: {  	s2 =	sadd.s32 s2, s14  }
0x8e: {  	[smem:$0x3FC5] =	sst s2  }
0x8f: {  	_ = 	snop  }
0x90: {  	s2 =	sld [smem:$0x3FD0];
	_ =	sdelay $0x1  }
0x91: {  	s15 =	sld [smem:$0x3FC9]  }
0x92: {  	s5 =	simm.s32 $0xA;
	s6 =	simm.s32 $0x10;
	s4 =	sld [smem:$0x3FC8]  }
0x93: {  	[smem:s6], [sflag:s5] =	dma.local [hbm:s2], $0x1  }
0x94: {  	_ =	swait.eq [sflag:s5], $0x1  }
0x95: {  	[sflag:s5] =	ssyncset.done $0x0  }
0x96: {  	[sflag:s5] =	ssyncadd.s32 $0xFFFFFFFF  }
0x97: {  	s16 =	sld [smem:$0x10];
	(tm) =	ssettm $0x1  }
0x98: {  	s17 =	sld [smem:$0x3FFB];
	_ =	sdelay $0x3  }
0x99: {  	_ =	strace s17  }
0x9a: {  	s5 =	sld [smem:$0x3FFC];
	_ =	sdelay $0x3  }
0x9b: {  	_ =	strace s5  }
0x9c: {  	s5 =	sld [smem:$0x3FFD];
	_ =	sdelay $0x3  }
0x9d: {  	_ =	strace s5  }
0x9e: {  	_ =	strace $0x8FFFFFFF  }
0x9f: {  	s18 =	sld [smem:$0x3FDB];
	_ =	sdelay $0x1  }
0xa0: {  	s19 =	simm.s32 $_scs_section_size  }
0xa1: {  	s7 =	simm.s32 $_size__tile_overlayer_lowered;
	s8 =	simm.s32 $_tile_overlayer_lowered  }
0xa2: {  	s22 =	simm.s32 $0x1BFF;
	s21 =	sshll.u32 s8, $0x1;
	s5 =	sadd.s32 s19, s18  }
0xa3: {  	s9 =	simm.s32 $0x0;
	s20 =	sshll.u32 s7, $0x1;
	s7 =	sadd.s32 s21, s5  }
0xa4: {  	[timem:s9], [sflag:s22] =	dma.local [hbm:s7], s20  }
0xa5: {  	_ =	swait.ge [sflag:s22], s20  }
0xa6: {  	s6 =	ssub.s32 $0x0, s20;
	[sflag:s22] =	ssyncset.done $0x0  }
0xa7: {  	[sflag:s22] =	ssyncadd.s32 s6;
	_ =	sdelay $0x1  }
0xa8: {  	s23 =	simm.s32 $0x1B8B  }
0xa9: {  	_ =	swait.ge [sflag:s23], $0x1  }
0xaa: {  	[sflag:s23] =	ssyncset.done $0x0  }
0xab: {  	s25 =	simm.s32 $0x1B8E;
	s24 =	sld [smem:$0x3FFE];
	[sflag:s23] =	ssyncadd.s32 $0xFFFFFFFF  }
0xac: {  	s26 =	simm.s32 $execute0_lowered;
	[smem:$0x3FD2] =	sst s25  }
0xad: {  	s7 =	sshll.u32 s26, $0x1;
	_ =	strace $0x80000046;
	[dreg:$0x1] =	wrdreg $0xFFFFFFFF  }
0xae: {  	s28 =	simm.s32 $_size_execute0_lowered;
	s5 =	sadd.s32 s5, s7;
	[dreg:$0x0] =	wrdreg $0x0  }
0xaf: {  	s7 =	sshll.u32 s28, $0x1;
	[dreg:$0x2] =	wrdreg s5  }
0xb0: {  	[dreg:$0x3] =	wrdreg s7  }
0xb1: {  	[dreg:$0x4] =	wrdreg $0xC0  }
0xb2: {  	_ =	task [dreg:s9], $0x5FFFF  }
0xb3: {  	[dreg:$0x1] =	wrdreg $0xFFFFFFFF  }
0xb4: {  	[dreg:$0x0] =	wrdreg $0x60  }
0xb5: {  	[dreg:$0x2] =	wrdreg s15  }
0xb6: {  	[dreg:$0x3] =	wrdreg s4  }
0xb7: {  	[dreg:$0x4] =	wrdreg s24  }
0xb8: {  	[dreg:$0x5] =	wrdreg s16  }
0xb9: {  	[dreg:$0x6] =	wrdreg $0x9  }
0xba: {  	_ =	task.clear_ibuf [dreg:s9], $0x7FFFF;
	_ =	strace $0x90000046  }
0xbb: {  	s29 =	simm.s32 $0x9;
	_ =	strace $0x80000048  }
0xbc: {  	_ =	swait.ge [sflag:s29], $0x1  }
0xbd: {  	[sflag:s29] =	ssyncadd.s32 $0xFFFFFFFF  }
0xbe: {  	_ =	strace $0x90000048  }
0xbf: {  	_ =	sfence  }
0xc0: {  	s30 =	sld [smem:$0x0];
	_ =	sdelay $0x2  }
0xc1: {  	s31 =	sshll.u32 s1, $0xD;
	s1 =	sshrl.u32 s1, $0x2  }
0xc2: {  	s3 =	sand.u32 $0x4000, s31;
	s1 =	sadd.s32 s1, s30  }
0xc3: {  	s0 =	sor.u32 s3, s0;
	s1 =	sshll.u32 s1, $0x11  }
0xc4: {  	s0 =	sor.u32 s1, s0  }
0xc5: {  	s0 =	sadd.s32 $0x8F2B, s0  }
0xc6: {  	[sflag:s0] =	ssyncadd.remote.s32 $0x1  }
0xc7: {  	_ =	sfence.sel $0xFFFF  }
0xc8: {  	[dreg:$0x0] =	wrdreg $0xFFFFFFFF;
	(pc) =	sbr.abs _section_cstart, $3  }
0xc9: {  	[dreg:$0x1] =	wrdreg $0xFFFFFFFF  }
0xca: {  	_ =	task.clear_ibuf [dreg:s9], $0x2FFFF;
	_ =	strace $0x9FFFFFFF  }
0xcb: {  	(tm) =	ssettm $0x7FFFFFFF  }
tec
execute0_lowered:
.L_overlay_start_1:
0x0: {  	(tag) =	ssettag $0x1  }
0x1: {  	s0 =	rddreg [dreg:$0x0]  }
0x2: {  	s1 =	rddreg [dreg:$0x1]  }
0x3: {  	s5 =	srdreg.scid;
	s6 =	stileid.u32  }
0x4: {  	s3 =	rddreg [dreg:$0x2];
	s5 =	sand.u32 $0x1, s5;
	s6 =	sshll.u32 s6, $0x1  }
0x5: {  	s4 =	rddreg [dreg:$0x3];
	s2 =	simm.s32 $0x0;
	s6 =	sor.u32 s5, s6  }
0x6: {  	[smem:$0x7FF] =	sst s2;
	s7 =	smul.u32 $0x6400, s6  }
0x7: {  	s8 =	sadd.s32 $0x1200, s3;
	s10 =	sadd.s32 $0x1400, s3;
	_ =	strace $0x80000047  }
0x8: {  	[dreg:$0x5] =	wrdreg s8;
	s6 =	sshll.u32 s6, $0x4;
	s9 =	sshrl.u32 s7, $0x3  }
0x9: {  	[dreg:$0x6] =	wrdreg s10;
	s3 =	sadd.s32 s6, s3;
	s12 =	sadd.s32 s0, s9  }
0xa: {  	s13 =	sadd.s32 s1, s9;
	s14 =	sadd.s32 $0x190, s9;
	s7 =	sadd.s32 s4, s9  }
0xb: {  	s20 =	sadd.s32 $0x4B0, s9;
	s22 =	sadd.s32 $0x7D0, s9;
	[dreg:$0x7] =	wrdreg s12  }
0xc: {  	s24 =	sadd.s32 $0xAF0, s9;
	s9 =	sadd.s32 $0x1600, s3;
	[dreg:$0x8] =	wrdreg s13  }
0xd: {  	s15 =	sadd.s32 s0, s14;
	[dreg:$0x19] =	wrdreg s9  }
0xe: {  	s16 =	sadd.s32 s1, s14;
	[dreg:$0x9] =	wrdreg s15  }
0xf: {  	s17 =	sadd.s32 $0x19000, s7;
	[dreg:$0xa] =	wrdreg s16  }
0x10: {  	s18 =	sadd.s32 $0x32000, s7;
	[dreg:$0xb] =	wrdreg s17  }
0x11: {  	s19 =	sadd.s32 $0x4B000, s7;
	[dreg:$0xc] =	wrdreg s18  }
0x12: {  	s10 =	sadd.s32 s0, s20;
	[dreg:$0xd] =	wrdreg s19  }
0x13: {  	s21 =	sadd.s32 s1, s20;
	[dreg:$0xe] =	wrdreg s10  }
0x14: {  	s6 =	sadd.s32 s4, s14;
	[dreg:$0xf] =	wrdreg s21  }
0x15: {  	s23 =	sadd.s32 s0, s22;
	[dreg:$0x10] =	wrdreg s6  }
0x16: {  	s25 =	sadd.s32 s1, s22;
	[dreg:$0x11] =	wrdreg s23  }
0x17: {  	s8 =	sadd.s32 s4, s20;
	[dreg:$0x12] =	wrdreg s25  }
0x18: {  	s0 =	sadd.s32 s0, s24;
	[dreg:$0x13] =	wrdreg s8  }
0x19: {  	s5 =	ssub.s32 $0x2, s5;
	s26 =	sadd.s32 s1, s24;
	[dreg:$0x14] =	wrdreg s0  }
0x1a: {  	s11 =	sshrl.u32 s5, $0x1;
	s1 =	sadd.s32 s4, s22;
	[dreg:$0x15] =	wrdreg s26  }
0x1b: {  	s5 =	ssub.s32 s5, s11;
	s11 =	sadd.s32 $0x7D000, s7;
	[dreg:$0x16] =	wrdreg s1  }
0x1c: {  	s12 =	sadd.s32 $0x19190, s7;
	[dreg:$0x1b] =	wrdreg s11  }
0x1d: {  	s13 =	sadd.s32 $0x32190, s7;
	[dreg:$0x1c] =	wrdreg s12  }
0x1e: {  	s14 =	sadd.s32 $0x4B190, s7;
	[dreg:$0x1d] =	wrdreg s13  }
0x1f: {  	s20 =	sadd.s32 $0x644B0, s7;
	[dreg:$0x1e] =	wrdreg s14  }
0x20: {  	s22 =	sadd.s32 $0x197D0, s7;
	[smem:$0x7F7] =	sst s20  }
0x21: {  	s28 =	simm.s32 $0x8900;
	s6 =	sadd.s32 s4, s24;
	[smem:$0x7F9] =	sst s22  }
0x22: {  	s29 =	simm.s32 $0xA200;
	s8 =	sadd.s32 $0x64000, s7;
	[dreg:$0x17] =	wrdreg s6  }
0x23: {  	s30 =	simm.s32 $0xBB00;
	s10 =	smax.u32 s5, $0x1;
	[dreg:$0x18] =	wrdreg s8  }
0x24: {  	s31 =	simm.s32 $0xD400;
	s15 =	sadd.s32 $0x64190, s7;
	[dreg:$0x1a] =	wrdreg s10  }
0x25: {  	s3 =	simm.s32 $0x15100;
	s16 =	sadd.s32 $0x7D190, s7;
	[dreg:$0x1f] =	wrdreg s15  }
0x26: {  	s9 =	simm.s32 $0x0;
	s17 =	sadd.s32 $0x194B0, s7;
	[smem:$0x7F3] =	sst s16  }
0x27: {  	s18 =	sadd.s32 $0x324B0, s7;
	s19 =	sadd.s32 $0x4B4B0, s7;
	[smem:$0x7F4] =	sst s17  }
0x28: {  	s21 =	sadd.s32 $0x7D4B0, s7;
	s23 =	sadd.s32 $0x327D0, s7;
	[smem:$0x7F5] =	sst s18  }
0x29: {  	s24 =	sadd.s32 $0x4B7D0, s7;
	s25 =	sadd.s32 $0x647D0, s7;
	[smem:$0x7F6] =	sst s19  }
0x2a: {  	s26 =	sadd.s32 $0x7D7D0, s7;
	s13 =	sadd.s32 $0x19AF0, s7;
	[smem:$0x7F8] =	sst s21  }
0x2b: {  	s14 =	sadd.s32 $0x32AF0, s7;
	s20 =	simm.s32 $0x5;
	[smem:$0x7FA] =	sst s23  }
0x2c: {  	s22 =	simm.s32 $0x1;
	s0 =	simm.s32 $0xED00;
	[smem:$0x7FB] =	sst s24  }
0x2d: {  	s4 =	simm.s32 $0x16A00;
	s5 =	simm.s32 $0x18300;
	[smem:$0x7FC] =	sst s25  }
0x2e: {  	[smem:$0x7FD] =	sst s26;
	s15 =	sadd.s32 $0x4BAF0, s7;
	s16 =	sadd.s32 $0x64AF0, s7  }
0x2f: {  	s17 =	sadd.s32 $0x7DAF0, s7;
	s18 =	simm.s32 $0xC00;
	s19 =	simm.s32 $0x3E00  }
0x30: {  	s21 =	simm.s32 $0x400;
	s23 =	simm.s32 $0x2;
	s26 =	simm.s32 $0x7000  }
0x31: {  	s25 =	simm.s32 $0x13800;
	s6 =	simm.s32 $0x3;
	s8 =	simm.s32 $0x4  }
.LBB2_1:
0x32: {  	s1 =	rddreg [dreg:$0x7]  }
0x33: {  	[tilespmem:s18], [sflag:$0x1] =	stream.linear.gather [hbm4b:s1+s2], $0xC80, $0x38;
	[tilespmem:$0x19C80] =	vst v63  }
0x34: {  	s12 =	rddreg [dreg:$0x8]  }
0x35: {  	[tilespmem:s19], [sflag:$0x2] =	stream.linear.gather [hbm4b:s12+s2], $0xC80, $0x38;
	[tilespmem:$0x19C80] =	vst v63  }
0x36: {  	s24 =	rddreg [dreg:$0x5]  }
0x37: {  	[tilespmem:s2], [sflag:$0x5] =	stream.linear.gather [hbm4b:s24+s2], $0x400, $0x38;
	[tilespmem:$0x19C80] =	vst v63  }
0x38: {  	_ =	swait.ge [sflag:s20], $0x400  }
0x39: {  	[sflag:s20] =	ssyncset.done $0x0  }
0x3a: {  	s10 =	rddreg [dreg:$0x6];
	[sflag:s20] =	ssyncadd.s32 $0xFFFFFC00  }
0x3b: {  	[tilespmem:s21], [sflag:$0x5] =	stream.linear.gather [hbm4b:s10+s2], $0x800, $0x38;
	[tilespmem:$0x19C80] =	vst v63  }
0x3c: {  	_ =	swait.ge [sflag:s20], $0x800  }
0x3d: {  	[sflag:s20] =	ssyncset.done $0x0  }
0x3e: {  	[sflag:s20] =	ssyncadd.s32 $0xFFFFF800  }
0x3f: {  	_ =	swait.ge [sflag:s22], $0xC80  }
0x40: {  	[sflag:s22] =	ssyncset.done $0x0  }
0x41: {  	[sflag:s22] =	ssyncadd.s32 $0xFFFFF380  }
0x42: {  	_ =	swait.ge [sflag:s23], $0xC80  }
0x43: {  	[sflag:s23] =	ssyncset.done $0x0  }
0x44: {  	s10 =	simm.s32 $0x2500;
	s11 =	rddreg [dreg:$0x9];
	[sflag:s23] =	ssyncadd.s32 $0xFFFFF380  }
0x45: {  	[tilespmem:s10], [sflag:$0x1] =	stream.linear.gather [hbm4b:s11+s2], $0x1900, $0x38;
	[tilespmem:$0x19C80] =	vst v63  }
0x46: {  	s24 =	simm.s32 $0x5700;
	s12 =	rddreg [dreg:$0xa];
	s10 =	simm.s32 $0x0  }
0x47: {  	[tilespmem:s24], [sflag:$0x2] =	stream.linear.gather [hbm4b:s12+s2], $0x1900, $0x38;
	[tilespmem:$0x19C80] =	vst v63  }
0x48: {  	v3 =	vld [tilespmem:s10+$0xC00];
	_ =	sdelay $0x1  }
0x49: {  	v2 =	vld [tilespmem:s10+$0xC10]  }
0x4a: {  	v0 =	vld [tilespmem:s10+$0xC30]  }
0x4b: {  	v1 =	vld [tilespmem:s10+$0xC20];
	_ =	sdelay $0x3  }
0x4c: {  	v4 =	vld.idx.msk [tilespmem:v3+s2+$0x0], $0xffff  }
0x4d: {  	v6 =	vadd.s32 $0x80, v3  }
0x4e: {  	v7 =	vld.idx.msk [tilespmem:v2+s2+$0x0], $0xffff  }
0x4f: {  	v8 =	vadd.s32 $0x80, v2;
	v10 =	vld.idx.msk [tilespmem:v0+s2+$0x0], $0xffff  }
0x50: {  	v11 =	vadd.s32 $0x80, v0;
	v9 =	vld.idx.msk [tilespmem:v1+s2+$0x0], $0xffff  }
0x51: {  	[tilespmem:s10+$0x7000] =	vst v4;
	v4 =	vadd.s32 $0x80, v1  }
0x52: {  	v6 =	vld.idx.msk [tilespmem:v6+s2+$0x0], $0xffff  }
0x53: {  	v5 =	vld [tilespmem:s10+$0x3E00];
	v12 =	vadd.s32 $0x100, v3;
	[tilespmem:s10+$0x7010] =	vst v7  }
0x54: {  	[tilespmem:s10+$0x7030] =	vst v10;
	v7 =	vld.idx.msk [tilespmem:v8+s2+$0x0], $0xffff  }
0x55: {  	s11 =	simm.s32 $0x0;
	[tilespmem:s10+$0x7020] =	vst v9;
	v8 =	vadd.s32 $0x100, v2;
	v11 =	vld.idx.msk [tilespmem:v11+s2+$0x0], $0xffff  }
0x56: {  	s24 =	sand.u32 $0xFC0, s11;
	v4 =	vld.idx.msk [tilespmem:v4+s2+$0x0], $0xffff  }
0x57: {  	v9 =	vadd.s32 $0x100, v1;
	[tilespmem:s24+$0x8900] =	vst v6;
	v6 =	vld [tilespmem:s10+$0x3E30]  }
0x58: {  	v15 =	vadd.s32 $0x100, v0;
	v13 =	vld.idx.msk [tilespmem:v12+s2+$0x0], $0xffff  }
0x59: {  	v14 =	vadd.s32 $0x180, v3;
	[tilespmem:s10+$0x8910] =	vst v7;
	v7 =	vld [tilespmem:s10+$0x3E20]  }
0x5a: {  	v10 =	vld.idx.msk [tilespmem:v8+s2+$0x0], $0xffff  }
0x5b: {  	v8 =	vld [tilespmem:s10+$0x3E10];
	v12 =	vadd.s32 $0x180, v2;
	[tilespmem:s10+$0x8920] =	vst v4  }
0x5c: {  	[tilespmem:s10+$0x8930] =	vst v11;
	v9 =	vld.idx.msk [tilespmem:v9+s2+$0x0], $0xffff  }
0x5d: {  	s1 =	simm.s32 $0x100;
	v11 =	vld.idx.msk [tilespmem:v15+s2+$0x0], $0xffff;
	v4 =	vimm.f32 $0.0e+00;
	[tilespmem:s24+$0xA200] =	vst v13;
	v13 =	vadd.s32 $0x180, v1  }
.LBB2_2:
0x5e: {  	s12 =	sshra.s32 s1, $0x2;
	v14 =	vld.idx.msk [tilespmem:v14+s2+$0x0], $0xffff  }
0x5f: {  	v15 =	vld [tilespmem:s12+$0x3E00];
	[tilespmem:s10+$0xA210] =	vst v10;
	v10 =	vadd.s32 $0x180, v0  }
0x60: {  	v16 =	vadd.s32 $0x200, v3;
	v12 =	vld.idx.msk [tilespmem:v12+s2+$0x0], $0xffff  }
0x61: {  	v17 =	vld [tilespmem:s12+$0xC30];
	[tilespmem:s10+$0xA220] =	vst v9  }
0x62: {  	v9 =	vadd.s32 $0x200, v2;
	v13 =	vld.idx.msk [tilespmem:v13+s2+$0x0], $0xffff  }
0x63: {  	v18 =	vld [tilespmem:s12+$0xC00];
	[tilespmem:s10+$0xA230] =	vst v11  }
0x64: {  	v11 =	vadd.s32 $0x200, v1;
	[tilespmem:s24+$0xBB00] =	vst v14;
	v10 =	vld.idx.msk [tilespmem:v10+s2+$0x0], $0xffff  }
0x65: {  	v14 =	vld.idx.msk [tilespmem:v16+s2+$0x0], $0xffff  }
0x66: {  	v16 =	vld [tilespmem:s12+$0xC10];
	[tilespmem:s10+$0xBB10] =	vst v12;
	v12 =	vadd.s32 $0x200, v0  }
0x67: {  	v19 =	vadd.s32 $0x280, v3;
	v9 =	vld.idx.msk [tilespmem:v9+s2+$0x0], $0xffff  }
0x68: {  	v20 =	vld [tilespmem:s12+$0xC20];
	[tilespmem:s10+$0xBB20] =	vst v13  }
0x69: {  	v13 =	vadd.s32 $0x280, v2;
	v11 =	vld.idx.msk [tilespmem:v11+s2+$0x0], $0xffff  }
0x6a: {  	v21 =	vld.idx.msk [tilespmem:v17+s2+$0x0], $0xffff;
	[tilespmem:s10+$0xBB30] =	vst v10  }
0x6b: {  	v10 =	vadd.s32 $0x280, v1;
	[tilespmem:s24+$0xD400] =	vst v14;
	v12 =	vld.idx.msk [tilespmem:v12+s2+$0x0], $0xffff  }
0x6c: {  	v14 =	vld.idx.msk [tilespmem:v19+s2+$0x0], $0xffff  }
0x6d: {  	v22 =	vshll.u32 v5, $0x7;
	v5 =	vmov v15;
	v19 =	vld.idx.msk [tilespmem:v18+s2+$0x0], $0xffff;
	[tilespmem:s10+$0xD410] =	vst v9;
	v9 =	vadd.s32 $0x280, v0  }
0x6e: {  	v15 =	vadd.s32 v3, v22;
	v3 =	vmov v18;
	v13 =	vld.idx.msk [tilespmem:v13+s2+$0x0], $0xffff  }
0x6f: {  	v8 =	vshll.u32 v8, $0x7;
	v18 =	vadd.s32 $0x80, v3;
	v22 =	vld.idx.msk [tilespmem:v16+s2+$0x0], $0xffff;
	[tilespmem:s10+$0xD420] =	vst v11  }
0x70: {  	v8 =	vadd.s32 v2, v8;
	v2 =	vmov v16;
	v10 =	vld.idx.msk [tilespmem:v10+s2+$0x0], $0xffff  }
0x71: {  	v7 =	vshll.u32 v7, $0x7;
	v11 =	vadd.s32 $0x80, v2;
	v16 =	vld.idx.msk [tilespmem:v20+s2+$0x0], $0xffff;
	[tilespmem:s10+$0xD430] =	vst v12  }
0x72: {  	v7 =	vadd.s32 v1, v7;
	v1 =	vmov v20;
	[tilespmem:s24+$0xED00] =	vst v14;
	v9 =	vld.idx.msk [tilespmem:v9+s2+$0x0], $0xffff  }
0x73: {  	v6 =	vshll.u32 v6, $0x7;
	v12 =	vadd.s32 $0x80, v1;
	[tilespmem:s12+$0x7000] =	vst v19;
	v14 =	vld.idx.msk [tilespmem:v15+s21+$0x0], $0xffff  }
0x74: {  	v6 =	vadd.s32 v0, v6;
	v0 =	vmov v17;
	v15 =	vld.idx.msk [tilespmem:v18+s2+$0x0], $0xffff;
	[tilespmem:s10+$0xED10] =	vst v13  }
0x75: {  	v13 =	vadd.s32 $0x80, v0;
	[tilespmem:s12+$0x7010] =	vst v22;
	v8 =	vld.idx.msk [tilespmem:v8+s21+$0x0], $0xffff  }
0x76: {  	v17 =	vadd.s32 $0x100, v3;
	v11 =	vld.idx.msk [tilespmem:v11+s2+$0x0], $0xffff;
	[tilespmem:s10+$0xED20] =	vst v10  }
0x77: {  	[tilespmem:s12+$0x7020] =	vst v16;
	v7 =	vld.idx.msk [tilespmem:v7+s21+$0x0], $0xffff  }
0x78: {  	s11 =	sadd.s32 $0x40, s11;
	v10 =	vadd.s32 $0x100, v2;
	v12 =	vld.idx.msk [tilespmem:v12+s2+$0x0], $0xffff;
	[tilespmem:s10+$0xED30] =	vst v9;
	s10 =	smov.u32 s12  }
0x79: {  	p0 =	slt.u32 s11, $0xC40;
	s24 =	sand.u32 $0xFC0, s11;
	v4 =	vadd.f32 v14, v4;
	[tilespmem:s10+$0x7030] =	vst v21;
	v16 =	vld.idx.msk [tilespmem:v6+s21+$0x0], $0xffff  }
0x7a: {  	v9 =	vadd.s32 $0x100, v1;
	[tilespmem:s24+$0x8900] =	vst v15;
	v13 =	vld.idx.msk [tilespmem:v13+s2+$0x0], $0xffff  }
0x7b: {  	v4 =	vadd.f32 v8, v4;
	v15 =	vld.idx.msk [tilespmem:v17+s2+$0x0], $0xffff  }
0x7c: {  	[tilespmem:s10+$0x8910] =	vst v11;
	v6 =	vld [tilespmem:s10+$0x3E30];
	v11 =	vadd.s32 $0x100, v0  }
.Ltmp0:
0x7d: {  	v14 =	vadd.s32 $0x180, v3;
	v4 =	vadd.f32 v7, v4;
	v10 =	vld.idx.msk [tilespmem:v10+s2+$0x0], $0xffff;
	(pc) =	sbr.rel @p0 .LBB2_2-.Ltmp0, $4  }
0x7e: {  	v7 =	vld [tilespmem:s10+$0x3E20];
	[tilespmem:s10+$0x8920] =	vst v12  }
0x7f: {  	v12 =	vadd.s32 $0x180, v2;
	v4 =	vadd.f32 v16, v4;
	v9 =	vld.idx.msk [tilespmem:v9+s2+$0x0], $0xffff  }
0x80: {  	v8 =	vld [tilespmem:s10+$0x3E10];
	[tilespmem:s10+$0x8930] =	vst v13  }
0x81: {  	s1 =	sadd.s32 $0x100, s1;
	v13 =	vadd.s32 $0x180, v1;
	[tilespmem:s24+$0xA200] =	vst v15;
	v11 =	vld.idx.msk [tilespmem:v11+s2+$0x0], $0xffff  }
0x82: {  	_ =	sdelay $0x1  }
0x83: {  	v15 =	vadd.s32 $0x180, v0;
	_ =	sdelay $0x1  }
0x84: {  	v14 =	vld.idx.msk [tilespmem:v14+s2+$0x0], $0xffff;
	[tilespmem:s10+$0xA210] =	vst v10  }
0x85: {  	v10 =	vadd.s32 $0x200, v3;
	v12 =	vld.idx.msk [tilespmem:v12+s2+$0x0], $0xffff;
	[tilespmem:s10+$0xA220] =	vst v9  }
0x86: {  	v9 =	vadd.s32 $0x200, v2;
	v13 =	vld.idx.msk [tilespmem:v13+s2+$0x0], $0xffff;
	[tilespmem:s10+$0xA230] =	vst v11  }
0x87: {  	v11 =	vadd.s32 $0x200, v1;
	v15 =	vld.idx.msk [tilespmem:v15+s2+$0x0], $0xffff  }
0x88: {  	v16 =	vadd.s32 $0x200, v0  }
0x89: {  	[tilespmem:s24+$0xBB00] =	vst v14  }
0x8a: {  	v10 =	vld.idx.msk [tilespmem:v10+s2+$0x0], $0xffff;
	[tilespmem:s10+$0xBB10] =	vst v12  }
0x8b: {  	v12 =	vadd.s32 $0x280, v3;
	v9 =	vld.idx.msk [tilespmem:v9+s2+$0x0], $0xffff;
	[tilespmem:s10+$0xBB20] =	vst v13  }
0x8c: {  	v13 =	vadd.s32 $0x280, v2;
	v11 =	vld.idx.msk [tilespmem:v11+s2+$0x0], $0xffff;
	[tilespmem:s10+$0xBB30] =	vst v15  }
0x8d: {  	v14 =	vadd.s32 $0x280, v1;
	v15 =	vld.idx.msk [tilespmem:v16+s2+$0x0], $0xffff  }
0x8e: {  	v61 =	vadd.s32 $0x280, v0  }
0x8f: {  	[tilespmem:s24+$0xD400] =	vst v10  }
0x90: {  	v5 =	vshll.u32 v5, $0x7;
	v10 =	vld.idx.msk [tilespmem:v12+s2+$0x0], $0xffff;
	[tilespmem:s10+$0xD410] =	vst v9  }
0x91: {  	v8 =	vshll.u32 v8, $0x7;
	v3 =	vadd.s32 v3, v5;
	v5 =	vld.idx.msk [tilespmem:v13+s2+$0x0], $0xffff;
	[tilespmem:s10+$0xD420] =	vst v11  }
0x92: {  	v7 =	vshll.u32 v7, $0x7;
	v2 =	vadd.s32 v2, v8;
	v8 =	vld.idx.msk [tilespmem:v14+s2+$0x0], $0xffff;
	[tilespmem:s10+$0xD430] =	vst v15  }
0x93: {  	v6 =	vshll.u32 v6, $0x7;
	v1 =	vadd.s32 v1, v7;
	v7 =	vld.idx.msk [tilespmem:v61+s2+$0x0], $0xffff  }
0x94: {  	v0 =	vadd.s32 v0, v6  }
0x95: {  	[tilespmem:s24+$0xED00] =	vst v10  }
0x96: {  	v9 =	vld.idx.msk [tilespmem:v3+s21+$0x0], $0xffff;
	[tilespmem:s10+$0xED10] =	vst v5  }
0x97: {  	v10 =	vld.idx.msk [tilespmem:v2+s21+$0x0], $0xffff;
	[tilespmem:s10+$0xED20] =	vst v8  }
0x98: {  	s1 =	simm.s32 $0x0;
	v8 =	vld.idx.msk [tilespmem:v1+s21+$0x0], $0xffff;
	[tilespmem:s10+$0xED30] =	vst v7  }
0x99: {  	v0 =	vld.idx.msk [tilespmem:v0+s21+$0x0], $0xffff;
	[hbm4b:s7+s1] =	stream.linear.scatter [tilespmem:s26], [sflag:$0x3], $0xC80, $0x38  }
0x9a: {  	s10 =	rddreg [dreg:$0xb]  }
0x9b: {  	[hbm4b:s10+s1] =	stream.linear.scatter [tilespmem:s28], [sflag:$0x3], $0xC80, $0x38;
	[tilespmem:$0x19C80] =	vst v63  }
0x9c: {  	s11 =	rddreg [dreg:$0xc]  }
0x9d: {  	[hbm4b:s11+s1] =	stream.linear.scatter [tilespmem:s29], [sflag:$0x3], $0xC80, $0x38;
	[tilespmem:$0x19C80] =	vst v63  }
0x9e: {  	s12 =	rddreg [dreg:$0xd]  }
0x9f: {  	[hbm4b:s12+s1] =	stream.linear.scatter [tilespmem:s30], [sflag:$0x3], $0xC80, $0x38;
	[tilespmem:$0x19C80] =	vst v63  }
0xa0: {  	s24 =	rddreg [dreg:$0x18]  }
0xa1: {  	[hbm4b:s24+s1] =	stream.linear.scatter [tilespmem:s31], [sflag:$0x3], $0xC80, $0x38;
	[tilespmem:$0x19C80] =	vst v63  }
0xa2: {  	s11 =	rddreg [dreg:$0x1b]  }
0xa3: {  	[hbm4b:s11+s1] =	stream.linear.scatter [tilespmem:s0], [sflag:$0x3], $0xC80, $0x38;
	[tilespmem:$0x19C80] =	vst v63  }
0xa4: {  	_ =	swait.ge [sflag:s22], $0x1900  }
0xa5: {  	[sflag:s22] =	ssyncset.done $0x0  }
0xa6: {  	[sflag:s22] =	ssyncadd.s32 $0xFFFFE700  }
0xa7: {  	_ =	swait.ge [sflag:s23], $0x1900  }
0xa8: {  	[sflag:s23] =	ssyncset.done $0x0  }
0xa9: {  	s12 =	rddreg [dreg:$0xe];
	[sflag:s23] =	ssyncadd.s32 $0xFFFFE700  }
0xaa: {  	[tilespmem:s18], [sflag:$0x1] =	stream.linear.gather [hbm4b:s12+s1], $0x1900, $0x38;
	[tilespmem:$0x19C80] =	vst v63  }
0xab: {  	s10 =	simm.s32 $0x0;
	s24 =	rddreg [dreg:$0xf]  }
0xac: {  	[tilespmem:s19], [sflag:$0x2] =	stream.linear.gather [hbm4b:s24+s1], $0x1900, $0x38;
	[tilespmem:$0x19C80] =	vst v63  }
0xad: {  	v5 =	vld [tilespmem:s10+$0x2500];
	_ =	sdelay $0x2  }
0xae: {  	v3 =	vld [tilespmem:s10+$0x2510]  }
0xaf: {  	v2 =	vld [tilespmem:s10+$0x2520];
	_ =	sdelay $0x2  }
0xb0: {  	v1 =	vld [tilespmem:s10+$0x2530]  }
0xb1: {  	v7 =	vld.idx.msk [tilespmem:v5+s2+$0x0], $0xffff;
	_ =	sdelay $0x2  }
0xb2: {  	v11 =	vadd.s32 $0x80, v5;
	v12 =	vld.idx.msk [tilespmem:v3+s2+$0x0], $0xffff  }
0xb3: {  	v13 =	vadd.s32 $0x80, v3;
	v14 =	vld.idx.msk [tilespmem:v2+s2+$0x0], $0xffff  }
0xb4: {  	[tilespmem:s10+$0x10600] =	vst v7;
	v7 =	vadd.s32 $0x80, v2;
	_ =	sdelay $0x1  }
0xb5: {  	v15 =	vld.idx.msk [tilespmem:v1+s2+$0x0], $0xffff  }
0xb6: {  	v62 =	vadd.s32 $0x80, v1;
	[tilespmem:s10+$0x10610] =	vst v12;
	v11 =	vld.idx.msk [tilespmem:v11+s2+$0x0], $0xffff  }
0xb7: {  	v4 =	vadd.f32 v9, v4;
	v17 =	vadd.s32 $0x100, v5;
	[tilespmem:s10+$0x10620] =	vst v14;
	v12 =	vld.idx.msk [tilespmem:v13+s2+$0x0], $0xffff  }
0xb8: {  	v14 =	vld.idx.msk [tilespmem:v7+s2+$0x0], $0xffff  }
0xb9: {  	v10 =	vadd.f32 v10, v4;
	s11 =	simm.s32 $0x0;
	v6 =	vld [tilespmem:s10+$0x5700];
	v13 =	vadd.s32 $0x100, v3  }
0xba: {  	s24 =	sand.u32 $0x1FC0, s11;
	v4 =	vld [tilespmem:s10+$0x5730];
	[tilespmem:s10+$0x10630] =	vst v15  }
0xbb: {  	v8 =	vadd.f32 v8, v10;
	v9 =	vadd.s32 $0x100, v2;
	[tilespmem:s24+$0x11F00] =	vst v11;
	v11 =	vld.idx.msk [tilespmem:v62+s2+$0x0], $0xffff  }
0xbc: {  	v63 =	vadd.s32 $0x100, v1;
	[tilespmem:s10+$0x11F10] =	vst v12;
	v15 =	vld.idx.msk [tilespmem:v17+s2+$0x0], $0xffff  }
0xbd: {  	v0 =	vadd.f32 v0, v8;
	v8 =	vld [tilespmem:s10+$0x5710];
	[tilespmem:s10+$0x11F20] =	vst v14;
	v14 =	vadd.s32 $0x180, v5  }
0xbe: {  	v10 =	vld.idx.msk [tilespmem:v13+s2+$0x0], $0xffff  }
0xbf: {  	v7 =	vld [tilespmem:s10+$0x5720];
	v12 =	vadd.s32 $0x180, v3  }
0xc0: {  	v9 =	vld.idx.msk [tilespmem:v9+s2+$0x0], $0xffff;
	[tilespmem:s10+$0x11F30] =	vst v11  }
0xc1: {  	s1 =	simm.s32 $0x100;
	v13 =	vadd.s32 $0x180, v2;
	[tilespmem:s24+$0x13800] =	vst v15;
	v11 =	vld.idx.msk [tilespmem:v63+s2+$0x0], $0xffff  }
.LBB2_4:
0xc2: {  	s12 =	sshra.s32 s1, $0x2;
	v14 =	vld.idx.msk [tilespmem:v14+s2+$0x0], $0xffff  }
0xc3: {  	v15 =	vld [tilespmem:s12+$0x5700];
	[tilespmem:s10+$0x13810] =	vst v10;
	v10 =	vadd.s32 $0x180, v1  }
0xc4: {  	v16 =	vadd.s32 $0x200, v5;
	v12 =	vld.idx.msk [tilespmem:v12+s2+$0x0], $0xffff  }
0xc5: {  	v17 =	vld [tilespmem:s12+$0x2530];
	[tilespmem:s10+$0x13820] =	vst v9  }
0xc6: {  	v9 =	vadd.s32 $0x200, v3;
	v13 =	vld.idx.msk [tilespmem:v13+s2+$0x0], $0xffff  }
0xc7: {  	v18 =	vld [tilespmem:s12+$0x2500];
	[tilespmem:s10+$0x13830] =	vst v11  }
0xc8: {  	v11 =	vadd.s32 $0x200, v2;
	[tilespmem:s24+$0x15100] =	vst v14;
	v10 =	vld.idx.msk [tilespmem:v10+s2+$0x0], $0xffff  }
0xc9: {  	v14 =	vld.idx.msk [tilespmem:v16+s2+$0x0], $0xffff  }
0xca: {  	v16 =	vld [tilespmem:s12+$0x2510];
	[tilespmem:s10+$0x15110] =	vst v12;
	v12 =	vadd.s32 $0x200, v1  }
0xcb: {  	v19 =	vadd.s32 $0x280, v5;
	v9 =	vld.idx.msk [tilespmem:v9+s2+$0x0], $0xffff  }
0xcc: {  	v20 =	vld [tilespmem:s12+$0x2520];
	[tilespmem:s10+$0x15120] =	vst v13  }
0xcd: {  	v13 =	vadd.s32 $0x280, v3;
	v11 =	vld.idx.msk [tilespmem:v11+s2+$0x0], $0xffff  }
0xce: {  	v21 =	vld.idx.msk [tilespmem:v17+s2+$0x0], $0xffff;
	[tilespmem:s10+$0x15130] =	vst v10  }
0xcf: {  	v10 =	vadd.s32 $0x280, v2;
	[tilespmem:s24+$0x16A00] =	vst v14;
	v12 =	vld.idx.msk [tilespmem:v12+s2+$0x0], $0xffff  }
0xd0: {  	v14 =	vld.idx.msk [tilespmem:v19+s2+$0x0], $0xffff  }
0xd1: {  	v22 =	vshll.u32 v6, $0x7;
	v6 =	vmov v15;
	v19 =	vld.idx.msk [tilespmem:v18+s2+$0x0], $0xffff;
	[tilespmem:s10+$0x16A10] =	vst v9;
	v9 =	vadd.s32 $0x280, v1  }
0xd2: {  	v15 =	vadd.s32 v5, v22;
	v5 =	vmov v18;
	v13 =	vld.idx.msk [tilespmem:v13+s2+$0x0], $0xffff  }
0xd3: {  	v8 =	vshll.u32 v8, $0x7;
	v18 =	vadd.s32 $0x80, v5;
	v22 =	vld.idx.msk [tilespmem:v16+s2+$0x0], $0xffff;
	[tilespmem:s10+$0x16A20] =	vst v11  }
0xd4: {  	v8 =	vadd.s32 v3, v8;
	v3 =	vmov v16;
	v10 =	vld.idx.msk [tilespmem:v10+s2+$0x0], $0xffff  }
0xd5: {  	v7 =	vshll.u32 v7, $0x7;
	v11 =	vadd.s32 $0x80, v3;
	v16 =	vld.idx.msk [tilespmem:v20+s2+$0x0], $0xffff;
	[tilespmem:s10+$0x16A30] =	vst v12  }
0xd6: {  	v7 =	vadd.s32 v2, v7;
	v2 =	vmov v20;
	[tilespmem:s24+$0x18300] =	vst v14;
	v9 =	vld.idx.msk [tilespmem:v9+s2+$0x0], $0xffff  }
0xd7: {  	v4 =	vshll.u32 v4, $0x7;
	v12 =	vadd.s32 $0x80, v2;
	[tilespmem:s12+$0x10600] =	vst v19;
	v14 =	vld.idx.msk [tilespmem:v15+s21+$0x0], $0xffff  }
0xd8: {  	v4 =	vadd.s32 v1, v4;
	v1 =	vmov v17;
	v15 =	vld.idx.msk [tilespmem:v18+s2+$0x0], $0xffff;
	[tilespmem:s10+$0x18310] =	vst v13  }
0xd9: {  	v13 =	vadd.s32 $0x80, v1;
	[tilespmem:s12+$0x10610] =	vst v22;
	v8 =	vld.idx.msk [tilespmem:v8+s21+$0x0], $0xffff  }
0xda: {  	v17 =	vadd.s32 $0x100, v5;
	v11 =	vld.idx.msk [tilespmem:v11+s2+$0x0], $0xffff;
	[tilespmem:s10+$0x18320] =	vst v10  }
0xdb: {  	[tilespmem:s12+$0x10620] =	vst v16;
	v7 =	vld.idx.msk [tilespmem:v7+s21+$0x0], $0xffff  }
0xdc: {  	s11 =	sadd.s32 $0x40, s11;
	v10 =	vadd.s32 $0x100, v3;
	v12 =	vld.idx.msk [tilespmem:v12+s2+$0x0], $0xffff;
	[tilespmem:s10+$0x18330] =	vst v9;
	s10 =	smov.u32 s12  }
0xdd: {  	p0 =	slt.u32 s11, $0x18C0;
	s24 =	sand.u32 $0x1FC0, s11;
	v0 =	vadd.f32 v14, v0;
	[tilespmem:s10+$0x10630] =	vst v21;
	v16 =	vld.idx.msk [tilespmem:v4+s21+$0x0], $0xffff  }
0xde: {  	v9 =	vadd.s32 $0x100, v2;
	[tilespmem:s24+$0x11F00] =	vst v15;
	v13 =	vld.idx.msk [tilespmem:v13+s2+$0x0], $0xffff  }
0xdf: {  	v0 =	vadd.f32 v8, v0;
	v15 =	vld.idx.msk [tilespmem:v17+s2+$0x0], $0xffff  }
0xe0: {  	[tilespmem:s10+$0x11F10] =	vst v11;
	v4 =	vld [tilespmem:s10+$0x5730];
	v11 =	vadd.s32 $0x100, v1  }
.Ltmp1:
0xe1: {  	v14 =	vadd.s32 $0x180, v5;
	v0 =	vadd.f32 v7, v0;
	v10 =	vld.idx.msk [tilespmem:v10+s2+$0x0], $0xffff;
	(pc) =	sbr.rel @p0 .LBB2_4-.Ltmp1, $4  }
0xe2: {  	v7 =	vld [tilespmem:s10+$0x5720];
	[tilespmem:s10+$0x11F20] =	vst v12  }
0xe3: {  	v12 =	vadd.s32 $0x180, v3;
	v0 =	vadd.f32 v16, v0;
	v9 =	vld.idx.msk [tilespmem:v9+s2+$0x0], $0xffff  }
0xe4: {  	v8 =	vld [tilespmem:s10+$0x5710];
	[tilespmem:s10+$0x11F30] =	vst v13  }
0xe5: {  	s1 =	sadd.s32 $0x100, s1;
	v13 =	vadd.s32 $0x180, v2;
	[tilespmem:s24+$0x13800] =	vst v15;
	v11 =	vld.idx.msk [tilespmem:v11+s2+$0x0], $0xffff  }
0xe6: {  	_ =	sdelay $0x1  }
0xe7: {  	v15 =	vadd.s32 $0x180, v1;
	_ =	sdelay $0x1  }
0xe8: {  	v14 =	vld.idx.msk [tilespmem:v14+s2+$0x0], $0xffff;
	[tilespmem:s10+$0x13810] =	vst v10  }
0xe9: {  	v10 =	vadd.s32 $0x200, v5;
	v12 =	vld.idx.msk [tilespmem:v12+s2+$0x0], $0xffff;
	[tilespmem:s10+$0x13820] =	vst v9  }
0xea: {  	v9 =	vadd.s32 $0x200, v3;
	v13 =	vld.idx.msk [tilespmem:v13+s2+$0x0], $0xffff;
	[tilespmem:s10+$0x13830] =	vst v11  }
0xeb: {  	v11 =	vadd.s32 $0x200, v2;
	v15 =	vld.idx.msk [tilespmem:v15+s2+$0x0], $0xffff  }
0xec: {  	v16 =	vadd.s32 $0x200, v1  }
0xed: {  	[tilespmem:s24+$0x15100] =	vst v14  }
0xee: {  	v10 =	vld.idx.msk [tilespmem:v10+s2+$0x0], $0xffff;
	[tilespmem:s10+$0x15110] =	vst v12  }
0xef: {  	v12 =	vadd.s32 $0x280, v5;
	v9 =	vld.idx.msk [tilespmem:v9+s2+$0x0], $0xffff;
	[tilespmem:s10+$0x15120] =	vst v13  }
0xf0: {  	v13 =	vadd.s32 $0x280, v3;
	v11 =	vld.idx.msk [tilespmem:v11+s2+$0x0], $0xffff;
	[tilespmem:s10+$0x15130] =	vst v15  }
0xf1: {  	v14 =	vadd.s32 $0x280, v2;
	v15 =	vld.idx.msk [tilespmem:v16+s2+$0x0], $0xffff  }
0xf2: {  	v60 =	vadd.s32 $0x280, v1  }
0xf3: {  	[tilespmem:s24+$0x16A00] =	vst v10  }
0xf4: {  	v6 =	vshll.u32 v6, $0x7;
	v10 =	vld.idx.msk [tilespmem:v12+s2+$0x0], $0xffff;
	[tilespmem:s10+$0x16A10] =	vst v9  }
0xf5: {  	v8 =	vshll.u32 v8, $0x7;
	v5 =	vadd.s32 v5, v6;
	v6 =	vld.idx.msk [tilespmem:v13+s2+$0x0], $0xffff;
	[tilespmem:s10+$0x16A20] =	vst v11  }
0xf6: {  	v7 =	vshll.u32 v7, $0x7;
	v3 =	vadd.s32 v3, v8;
	v8 =	vld.idx.msk [tilespmem:v14+s2+$0x0], $0xffff;
	[tilespmem:s10+$0x16A30] =	vst v15  }
0xf7: {  	v2 =	vadd.s32 v2, v7;
	v7 =	vld.idx.msk [tilespmem:v60+s2+$0x0], $0xffff;
	_ =	sdelay $0x1  }
0xf8: {  	v4 =	vshll.u32 v4, $0x7;
	[tilespmem:s24+$0x18300] =	vst v10  }
0xf9: {  	v1 =	vadd.s32 v1, v4;
	[tilespmem:s10+$0x18310] =	vst v6  }
0xfa: {  	[tilespmem:s10+$0x18320] =	vst v8  }
0xfb: {  	v9 =	vld.idx.msk [tilespmem:v5+s21+$0x0], $0xffff;
	[tilespmem:s10+$0x18330] =	vst v7  }
0xfc: {  	v6 =	vld.idx.msk [tilespmem:v3+s21+$0x0], $0xffff;
	s10 =	rddreg [dreg:$0x10]  }
0xfd: {  	s1 =	simm.s32 $0x0;
	s11 =	simm.s32 $0x10600;
	v8 =	vld.idx.msk [tilespmem:v2+s21+$0x0], $0xffff;
	s12 =	rddreg [dreg:$0x1c]  }
0xfe: {  	v11 =	vld.idx.msk [tilespmem:v1+s21+$0x0], $0xffff;
	[hbm4b:s10+s1] =	stream.linear.scatter [tilespmem:s11], [sflag:$0x4], $0x1900, $0x38  }
0xff: {  	s24 =	simm.s32 $0x11F00;
	s11 =	rddreg [dreg:$0x1d]  }
0x100: {  	[hbm4b:s12+s1] =	stream.linear.scatter [tilespmem:s24], [sflag:$0x4], $0x1900, $0x38;
	[tilespmem:$0x19C80] =	vst v63  }
0x101: {  	s12 =	rddreg [dreg:$0x1e]  }
0x102: {  	[hbm4b:s11+s1] =	stream.linear.scatter [tilespmem:s25], [sflag:$0x4], $0x1900, $0x38;
	[tilespmem:$0x19C80] =	vst v63  }
0x103: {  	s24 =	rddreg [dreg:$0x1f]  }
0x104: {  	[hbm4b:s12+s1] =	stream.linear.scatter [tilespmem:s3], [sflag:$0x4], $0x1900, $0x38;
	[tilespmem:$0x19C80] =	vst v63  }
0x105: {  	s11 =	sld [smem:$0x7F3]  }
0x106: {  	[hbm4b:s24+s1] =	stream.linear.scatter [tilespmem:s4], [sflag:$0x4], $0x1900, $0x38;
	[tilespmem:$0x19C80] =	vst v63  }
0x107: {  	_ = 	snop  }
0x108: {  	[hbm4b:s11+s1] =	stream.linear.scatter [tilespmem:s5], [sflag:$0x4], $0x1900, $0x38;
	[tilespmem:$0x19C80] =	vst v63  }
0x109: {  	_ =	swait.ge [sflag:s22], $0x1900  }
0x10a: {  	[sflag:s22] =	ssyncset.done $0x0  }
0x10b: {  	[sflag:s22] =	ssyncadd.s32 $0xFFFFE700  }
0x10c: {  	_ =	swait.ge [sflag:s23], $0x1900  }
0x10d: {  	[sflag:s23] =	ssyncset.done $0x0  }
0x10e: {  	s24 =	simm.s32 $0x2500;
	s12 =	rddreg [dreg:$0x11];
	[sflag:s23] =	ssyncadd.s32 $0xFFFFE700  }
0x10f: {  	[tilespmem:s24], [sflag:$0x1] =	stream.linear.gather [hbm4b:s12+s1], $0x1900, $0x38;
	[tilespmem:$0x19C80] =	vst v63  }
0x110: {  	s12 =	rddreg [dreg:$0x12];
	s24 =	simm.s32 $0x5700  }
0x111: {  	[tilespmem:s24], [sflag:$0x2] =	stream.linear.gather [hbm4b:s12+s1], $0x1900, $0x38;
	[tilespmem:$0x19C80] =	vst v63  }
0x112: {  	_ =	swait.ge [sflag:s6], $0xC80  }
0x113: {  	[sflag:s6] =	ssyncset.done $0x0  }
0x114: {  	[sflag:s6] =	ssyncadd.s32 $0xFFFFF380  }
0x115: {  	_ =	swait.ge [sflag:s6], $0xC80  }
0x116: {  	[sflag:s6] =	ssyncset.done $0x0  }
0x117: {  	[sflag:s6] =	ssyncadd.s32 $0xFFFFF380  }
0x118: {  	_ =	swait.ge [sflag:s6], $0xC80  }
0x119: {  	[sflag:s6] =	ssyncset.done $0x0  }
0x11a: {  	[sflag:s6] =	ssyncadd.s32 $0xFFFFF380  }
0x11b: {  	_ =	swait.ge [sflag:s6], $0xC80  }
0x11c: {  	[sflag:s6] =	ssyncset.done $0x0  }
0x11d: {  	[sflag:s6] =	ssyncadd.s32 $0xFFFFF380  }
0x11e: {  	_ =	swait.ge [sflag:s6], $0xC80  }
0x11f: {  	[sflag:s6] =	ssyncset.done $0x0  }
0x120: {  	[sflag:s6] =	ssyncadd.s32 $0xFFFFF380  }
0x121: {  	_ =	swait.ge [sflag:s6], $0xC80  }
0x122: {  	[sflag:s6] =	ssyncset.done $0x0  }
0x123: {  	s10 =	simm.s32 $0x0;
	[sflag:s6] =	ssyncadd.s32 $0xFFFFF380  }
0x124: {  	v4 =	vld [tilespmem:s10+$0xC00];
	_ =	sdelay $0x2  }
0x125: {  	v3 =	vld [tilespmem:s10+$0xC10]  }
0x126: {  	v2 =	vld [tilespmem:s10+$0xC20];
	_ =	sdelay $0x2  }
0x127: {  	v1 =	vld [tilespmem:s10+$0xC30]  }
0x128: {  	v7 =	vld.idx.msk [tilespmem:v4+s2+$0x0], $0xffff;
	_ =	sdelay $0x2  }
0x129: {  	v10 =	vadd.s32 $0x80, v4;
	v12 =	vld.idx.msk [tilespmem:v3+s2+$0x0], $0xffff  }
0x12a: {  	v13 =	vadd.s32 $0x80, v3;
	v14 =	vld.idx.msk [tilespmem:v2+s2+$0x0], $0xffff  }
0x12b: {  	[tilespmem:s10+$0x7000] =	vst v7;
	v7 =	vadd.s32 $0x80, v2;
	_ =	sdelay $0x1  }
0x12c: {  	v15 =	vld.idx.msk [tilespmem:v1+s2+$0x0], $0xffff  }
0x12d: {  	v61 =	vadd.s32 $0x80, v1;
	[tilespmem:s10+$0x7010] =	vst v12;
	v10 =	vld.idx.msk [tilespmem:v10+s2+$0x0], $0xffff  }
0x12e: {  	v17 =	vadd.s32 $0x100, v4;
	[tilespmem:s10+$0x7020] =	vst v14;
	v12 =	vld.idx.msk [tilespmem:v13+s2+$0x0], $0xffff  }
0x12f: {  	v0 =	vadd.f32 v9, v0;
	v14 =	vld.idx.msk [tilespmem:v7+s2+$0x0], $0xffff  }
0x130: {  	s11 =	simm.s32 $0x0;
	v5 =	vld [tilespmem:s10+$0x3E00];
	v13 =	vadd.s32 $0x100, v3  }
0x131: {  	v0 =	vadd.f32 v6, v0;
	s24 =	sand.u32 $0x1FC0, s11;
	v6 =	vld [tilespmem:s10+$0x3E30];
	[tilespmem:s10+$0x7030] =	vst v15  }
0x132: {  	v9 =	vadd.s32 $0x100, v2;
	v15 =	vld.idx.msk [tilespmem:v61+s2+$0x0], $0xffff;
	[tilespmem:s24+$0x8900] =	vst v10  }
0x133: {  	v63 =	vadd.s32 $0x100, v1;
	[tilespmem:s10+$0x8910] =	vst v12;
	v62 =	vld.idx.msk [tilespmem:v17+s2+$0x0], $0xffff  }
0x134: {  	v0 =	vadd.f32 v8, v0;
	v8 =	vld [tilespmem:s10+$0x3E10];
	[tilespmem:s10+$0x8920] =	vst v14;
	v14 =	vadd.s32 $0x180, v4  }
0x135: {  	v10 =	vld.idx.msk [tilespmem:v13+s2+$0x0], $0xffff  }
0x136: {  	v7 =	vld [tilespmem:s10+$0x3E20];
	v12 =	vadd.s32 $0x180, v3  }
0x137: {  	[tilespmem:s10+$0x8930] =	vst v15;
	v9 =	vld.idx.msk [tilespmem:v9+s2+$0x0], $0xffff  }
0x138: {  	v0 =	vadd.f32 v11, v0;
	s1 =	simm.s32 $0x100;
	v13 =	vadd.s32 $0x180, v2;
	v11 =	vld.idx.msk [tilespmem:v63+s2+$0x0], $0xffff;
	[tilespmem:s24+$0xA200] =	vst v62  }
.LBB2_6:
0x139: {  	s12 =	sshra.s32 s1, $0x2;
	v14 =	vld.idx.msk [tilespmem:v14+s2+$0x0], $0xffff  }
0x13a: {  	v15 =	vld [tilespmem:s12+$0x3E00];
	[tilespmem:s10+$0xA210] =	vst v10;
	v10 =	vadd.s32 $0x180, v1  }
0x13b: {  	v16 =	vadd.s32 $0x200, v4;
	v12 =	vld.idx.msk [tilespmem:v12+s2+$0x0], $0xffff  }
0x13c: {  	v17 =	vld [tilespmem:s12+$0xC30];
	[tilespmem:s10+$0xA220] =	vst v9  }
0x13d: {  	v9 =	vadd.s32 $0x200, v3;
	v13 =	vld.idx.msk [tilespmem:v13+s2+$0x0], $0xffff  }
0x13e: {  	v18 =	vld [tilespmem:s12+$0xC00];
	[tilespmem:s10+$0xA230] =	vst v11  }
0x13f: {  	v11 =	vadd.s32 $0x200, v2;
	[tilespmem:s24+$0xBB00] =	vst v14;
	v10 =	vld.idx.msk [tilespmem:v10+s2+$0x0], $0xffff  }
0x140: {  	v14 =	vld.idx.msk [tilespmem:v16+s2+$0x0], $0xffff  }
0x141: {  	v16 =	vld [tilespmem:s12+$0xC10];
	[tilespmem:s10+$0xBB10] =	vst v12;
	v12 =	vadd.s32 $0x200, v1  }
0x142: {  	v19 =	vadd.s32 $0x280, v4;
	v9 =	vld.idx.msk [tilespmem:v9+s2+$0x0], $0xffff  }
0x143: {  	v20 =	vld [tilespmem:s12+$0xC20];
	[tilespmem:s10+$0xBB20] =	vst v13  }
0x144: {  	v13 =	vadd.s32 $0x280, v3;
	v11 =	vld.idx.msk [tilespmem:v11+s2+$0x0], $0xffff  }
0x145: {  	v21 =	vld.idx.msk [tilespmem:v17+s2+$0x0], $0xffff;
	[tilespmem:s10+$0xBB30] =	vst v10  }
0x146: {  	v10 =	vadd.s32 $0x280, v2;
	[tilespmem:s24+$0xD400] =	vst v14;
	v12 =	vld.idx.msk [tilespmem:v12+s2+$0x0], $0xffff  }
0x147: {  	v14 =	vld.idx.msk [tilespmem:v19+s2+$0x0], $0xffff  }
0x148: {  	v22 =	vshll.u32 v5, $0x7;
	v5 =	vmov v15;
	v19 =	vld.idx.msk [tilespmem:v18+s2+$0x0], $0xffff;
	[tilespmem:s10+$0xD410] =	vst v9;
	v9 =	vadd.s32 $0x280, v1  }
0x149: {  	v15 =	vadd.s32 v4, v22;
	v4 =	vmov v18;
	v13 =	vld.idx.msk [tilespmem:v13+s2+$0x0], $0xffff  }
0x14a: {  	v8 =	vshll.u32 v8, $0x7;
	v18 =	vadd.s32 $0x80, v4;
	v22 =	vld.idx.msk [tilespmem:v16+s2+$0x0], $0xffff;
	[tilespmem:s10+$0xD420] =	vst v11  }
0x14b: {  	v8 =	vadd.s32 v3, v8;
	v3 =	vmov v16;
	v10 =	vld.idx.msk [tilespmem:v10+s2+$0x0], $0xffff  }
0x14c: {  	v7 =	vshll.u32 v7, $0x7;
	v11 =	vadd.s32 $0x80, v3;
	v16 =	vld.idx.msk [tilespmem:v20+s2+$0x0], $0xffff;
	[tilespmem:s10+$0xD430] =	vst v12  }
0x14d: {  	v7 =	vadd.s32 v2, v7;
	v2 =	vmov v20;
	[tilespmem:s24+$0xED00] =	vst v14;
	v9 =	vld.idx.msk [tilespmem:v9+s2+$0x0], $0xffff  }
0x14e: {  	v6 =	vshll.u32 v6, $0x7;
	v12 =	vadd.s32 $0x80, v2;
	[tilespmem:s12+$0x7000] =	vst v19;
	v14 =	vld.idx.msk [tilespmem:v15+s21+$0x0], $0xffff  }
0x14f: {  	v6 =	vadd.s32 v1, v6;
	v1 =	vmov v17;
	v15 =	vld.idx.msk [tilespmem:v18+s2+$0x0], $0xffff;
	[tilespmem:s10+$0xED10] =	vst v13  }
0x150: {  	v13 =	vadd.s32 $0x80, v1;
	[tilespmem:s12+$0x7010] =	vst v22;
	v8 =	vld.idx.msk [tilespmem:v8+s21+$0x0], $0xffff  }
0x151: {  	v17 =	vadd.s32 $0x100, v4;
	v11 =	vld.idx.msk [tilespmem:v11+s2+$0x0], $0xffff;
	[tilespmem:s10+$0xED20] =	vst v10  }
0x152: {  	[tilespmem:s12+$0x7020] =	vst v16;
	v7 =	vld.idx.msk [tilespmem:v7+s21+$0x0], $0xffff  }
0x153: {  	s11 =	sadd.s32 $0x40, s11;
	v10 =	vadd.s32 $0x100, v3;
	v12 =	vld.idx.msk [tilespmem:v12+s2+$0x0], $0xffff;
	[tilespmem:s10+$0xED30] =	vst v9;
	s10 =	smov.u32 s12  }
0x154: {  	p0 =	slt.u32 s11, $0x18C0;
	s24 =	sand.u32 $0x1FC0, s11;
	v0 =	vadd.f32 v14, v0;
	[tilespmem:s10+$0x7030] =	vst v21;
	v16 =	vld.idx.msk [tilespmem:v6+s21+$0x0], $0xffff  }
0x155: {  	v9 =	vadd.s32 $0x100, v2;
	[tilespmem:s24+$0x8900] =	vst v15;
	v13 =	vld.idx.msk [tilespmem:v13+s2+$0x0], $0xffff  }
0x156: {  	v0 =	vadd.f32 v8, v0;
	v15 =	vld.idx.msk [tilespmem:v17+s2+$0x0], $0xffff  }
0x157: {  	[tilespmem:s10+$0x8910] =	vst v11;
	v6 =	vld [tilespmem:s10+$0x3E30];
	v11 =	vadd.s32 $0x100, v1  }
.Ltmp2:
0x158: {  	v14 =	vadd.s32 $0x180, v4;
	v0 =	vadd.f32 v7, v0;
	v10 =	vld.idx.msk [tilespmem:v10+s2+$0x0], $0xffff;
	(pc) =	sbr.rel @p0 .LBB2_6-.Ltmp2, $4  }
0x159: {  	v7 =	vld [tilespmem:s10+$0x3E20];
	[tilespmem:s10+$0x8920] =	vst v12  }
0x15a: {  	v12 =	vadd.s32 $0x180, v3;
	v0 =	vadd.f32 v16, v0;
	v9 =	vld.idx.msk [tilespmem:v9+s2+$0x0], $0xffff  }
0x15b: {  	v8 =	vld [tilespmem:s10+$0x3E10];
	[tilespmem:s10+$0x8930] =	vst v13  }
0x15c: {  	s1 =	sadd.s32 $0x100, s1;
	v13 =	vadd.s32 $0x180, v2;
	[tilespmem:s24+$0xA200] =	vst v15;
	v11 =	vld.idx.msk [tilespmem:v11+s2+$0x0], $0xffff  }
0x15d: {  	_ =	sdelay $0x1  }
0x15e: {  	v15 =	vadd.s32 $0x180, v1;
	_ =	sdelay $0x1  }
0x15f: {  	v14 =	vld.idx.msk [tilespmem:v14+s2+$0x0], $0xffff;
	[tilespmem:s10+$0xA210] =	vst v10  }
0x160: {  	v10 =	vadd.s32 $0x200, v4;
	v12 =	vld.idx.msk [tilespmem:v12+s2+$0x0], $0xffff;
	[tilespmem:s10+$0xA220] =	vst v9  }
0x161: {  	v9 =	vadd.s32 $0x200, v3;
	v13 =	vld.idx.msk [tilespmem:v13+s2+$0x0], $0xffff;
	[tilespmem:s10+$0xA230] =	vst v11  }
0x162: {  	v11 =	vadd.s32 $0x200, v2;
	v15 =	vld.idx.msk [tilespmem:v15+s2+$0x0], $0xffff  }
0x163: {  	v16 =	vadd.s32 $0x200, v1  }
0x164: {  	[tilespmem:s24+$0xBB00] =	vst v14  }
0x165: {  	v10 =	vld.idx.msk [tilespmem:v10+s2+$0x0], $0xffff;
	[tilespmem:s10+$0xBB10] =	vst v12  }
0x166: {  	v12 =	vadd.s32 $0x280, v4;
	v9 =	vld.idx.msk [tilespmem:v9+s2+$0x0], $0xffff;
	[tilespmem:s10+$0xBB20] =	vst v13  }
0x167: {  	v13 =	vadd.s32 $0x280, v3;
	v11 =	vld.idx.msk [tilespmem:v11+s2+$0x0], $0xffff;
	[tilespmem:s10+$0xBB30] =	vst v15  }
0x168: {  	v14 =	vadd.s32 $0x280, v2;
	v15 =	vld.idx.msk [tilespmem:v16+s2+$0x0], $0xffff  }
0x169: {  	v62 =	vadd.s32 $0x280, v1  }
0x16a: {  	[tilespmem:s24+$0xD400] =	vst v10  }
0x16b: {  	v5 =	vshll.u32 v5, $0x7;
	v10 =	vld.idx.msk [tilespmem:v12+s2+$0x0], $0xffff;
	[tilespmem:s10+$0xD410] =	vst v9  }
0x16c: {  	v8 =	vshll.u32 v8, $0x7;
	v4 =	vadd.s32 v4, v5;
	v5 =	vld.idx.msk [tilespmem:v13+s2+$0x0], $0xffff;
	[tilespmem:s10+$0xD420] =	vst v11  }
0x16d: {  	v7 =	vshll.u32 v7, $0x7;
	v3 =	vadd.s32 v3, v8;
	v8 =	vld.idx.msk [tilespmem:v14+s2+$0x0], $0xffff;
	[tilespmem:s10+$0xD430] =	vst v15  }
0x16e: {  	v2 =	vadd.s32 v2, v7;
	v7 =	vld.idx.msk [tilespmem:v62+s2+$0x0], $0xffff;
	_ =	sdelay $0x1  }
0x16f: {  	v6 =	vshll.u32 v6, $0x7;
	[tilespmem:s24+$0xED00] =	vst v10  }
0x170: {  	v1 =	vadd.s32 v1, v6;
	[tilespmem:s10+$0xED10] =	vst v5  }
0x171: {  	[tilespmem:s10+$0xED20] =	vst v8  }
0x172: {  	v6 =	vld.idx.msk [tilespmem:v4+s21+$0x0], $0xffff;
	[tilespmem:s10+$0xED30] =	vst v7  }
0x173: {  	v9 =	vld.idx.msk [tilespmem:v3+s21+$0x0], $0xffff;
	s10 =	rddreg [dreg:$0x13]  }
0x174: {  	s1 =	simm.s32 $0x0;
	v8 =	vld.idx.msk [tilespmem:v2+s21+$0x0], $0xffff;
	s24 =	sld [smem:$0x7F4]  }
0x175: {  	v11 =	vld.idx.msk [tilespmem:v1+s21+$0x0], $0xffff;
	[hbm4b:s10+s1] =	stream.linear.scatter [tilespmem:s26], [sflag:$0x3], $0x1900, $0x38  }
0x176: {  	s11 =	sld [smem:$0x7F5]  }
0x177: {  	[hbm4b:s24+s1] =	stream.linear.scatter [tilespmem:s28], [sflag:$0x3], $0x1900, $0x38;
	[tilespmem:$0x19C80] =	vst v63  }
0x178: {  	s12 =	sld [smem:$0x7F6]  }
0x179: {  	[hbm4b:s11+s1] =	stream.linear.scatter [tilespmem:s29], [sflag:$0x3], $0x1900, $0x38;
	[tilespmem:$0x19C80] =	vst v63  }
0x17a: {  	s24 =	sld [smem:$0x7F7]  }
0x17b: {  	[hbm4b:s12+s1] =	stream.linear.scatter [tilespmem:s30], [sflag:$0x3], $0x1900, $0x38;
	[tilespmem:$0x19C80] =	vst v63  }
0x17c: {  	s11 =	sld [smem:$0x7F8]  }
0x17d: {  	[hbm4b:s24+s1] =	stream.linear.scatter [tilespmem:s31], [sflag:$0x3], $0x1900, $0x38;
	[tilespmem:$0x19C80] =	vst v63  }
0x17e: {  	_ = 	snop  }
0x17f: {  	[hbm4b:s11+s1] =	stream.linear.scatter [tilespmem:s0], [sflag:$0x3], $0x1900, $0x38;
	[tilespmem:$0x19C80] =	vst v63  }
0x180: {  	_ =	swait.ge [sflag:s22], $0x1900  }
0x181: {  	[sflag:s22] =	ssyncset.done $0x0  }
0x182: {  	[sflag:s22] =	ssyncadd.s32 $0xFFFFE700  }
0x183: {  	_ =	swait.ge [sflag:s23], $0x1900  }
0x184: {  	[sflag:s23] =	ssyncset.done $0x0  }
0x185: {  	s12 =	rddreg [dreg:$0x14];
	[sflag:s23] =	ssyncadd.s32 $0xFFFFE700  }
0x186: {  	[tilespmem:s18], [sflag:$0x1] =	stream.linear.gather [hbm4b:s12+s1], $0xC80, $0x38;
	[tilespmem:$0x19C80] =	vst v63  }
0x187: {  	s24 =	rddreg [dreg:$0x15]  }
0x188: {  	[tilespmem:s19], [sflag:$0x2] =	stream.linear.gather [hbm4b:s24+s1], $0xC80, $0x38;
	[tilespmem:$0x19C80] =	vst v63  }
0x189: {  	_ =	swait.ge [sflag:s8], $0x1900  }
0x18a: {  	[sflag:s8] =	ssyncset.done $0x0  }
0x18b: {  	[sflag:s8] =	ssyncadd.s32 $0xFFFFE700  }
0x18c: {  	_ =	swait.ge [sflag:s8], $0x1900  }
0x18d: {  	[sflag:s8] =	ssyncset.done $0x0  }
0x18e: {  	[sflag:s8] =	ssyncadd.s32 $0xFFFFE700  }
0x18f: {  	_ =	swait.ge [sflag:s8], $0x1900  }
0x190: {  	[sflag:s8] =	ssyncset.done $0x0  }
0x191: {  	[sflag:s8] =	ssyncadd.s32 $0xFFFFE700  }
0x192: {  	_ =	swait.ge [sflag:s8], $0x1900  }
0x193: {  	[sflag:s8] =	ssyncset.done $0x0  }
0x194: {  	[sflag:s8] =	ssyncadd.s32 $0xFFFFE700  }
0x195: {  	_ =	swait.ge [sflag:s8], $0x1900  }
0x196: {  	[sflag:s8] =	ssyncset.done $0x0  }
0x197: {  	[sflag:s8] =	ssyncadd.s32 $0xFFFFE700  }
0x198: {  	_ =	swait.ge [sflag:s8], $0x1900  }
0x199: {  	[sflag:s8] =	ssyncset.done $0x0  }
0x19a: {  	s10 =	simm.s32 $0x0;
	[sflag:s8] =	ssyncadd.s32 $0xFFFFE700  }
0x19b: {  	v4 =	vld [tilespmem:s10+$0x2500];
	_ =	sdelay $0x2  }
0x19c: {  	v3 =	vld [tilespmem:s10+$0x2510]  }
0x19d: {  	v2 =	vld [tilespmem:s10+$0x2520];
	_ =	sdelay $0x2  }
0x19e: {  	v1 =	vld [tilespmem:s10+$0x2530]  }
0x19f: {  	v7 =	vld.idx.msk [tilespmem:v4+s2+$0x0], $0xffff;
	_ =	sdelay $0x2  }
0x1a0: {  	v10 =	vadd.s32 $0x80, v4;
	v12 =	vld.idx.msk [tilespmem:v3+s2+$0x0], $0xffff  }
0x1a1: {  	v13 =	vadd.s32 $0x80, v3;
	v14 =	vld.idx.msk [tilespmem:v2+s2+$0x0], $0xffff  }
0x1a2: {  	[tilespmem:s10+$0x10600] =	vst v7;
	v7 =	vadd.s32 $0x80, v2;
	_ =	sdelay $0x1  }
0x1a3: {  	v15 =	vld.idx.msk [tilespmem:v1+s2+$0x0], $0xffff  }
0x1a4: {  	v63 =	vadd.s32 $0x80, v1;
	[tilespmem:s10+$0x10610] =	vst v12;
	v10 =	vld.idx.msk [tilespmem:v10+s2+$0x0], $0xffff  }
0x1a5: {  	v17 =	vadd.s32 $0x100, v4;
	[tilespmem:s10+$0x10620] =	vst v14;
	v12 =	vld.idx.msk [tilespmem:v13+s2+$0x0], $0xffff  }
0x1a6: {  	v14 =	vld.idx.msk [tilespmem:v7+s2+$0x0], $0xffff  }
0x1a7: {  	v0 =	vadd.f32 v6, v0;
	s11 =	simm.s32 $0x0;
	v5 =	vld [tilespmem:s10+$0x5700];
	v13 =	vadd.s32 $0x100, v3  }
0x1a8: {  	s24 =	sand.u32 $0x1FC0, s11;
	v6 =	vld [tilespmem:s10+$0x5730];
	[tilespmem:s10+$0x10630] =	vst v15  }
0x1a9: {  	v0 =	vadd.f32 v9, v0;
	v15 =	vadd.s32 $0x100, v2;
	v16 =	vld.idx.msk [tilespmem:v63+s2+$0x0], $0xffff;
	[tilespmem:s24+$0x11F00] =	vst v10  }
0x1aa: {  	v18 =	vadd.s32 $0x100, v1;
	[tilespmem:s10+$0x11F10] =	vst v12;
	v17 =	vld.idx.msk [tilespmem:v17+s2+$0x0], $0xffff  }
0x1ab: {  	v0 =	vadd.f32 v8, v0;
	v8 =	vld [tilespmem:s10+$0x5710];
	[tilespmem:s10+$0x11F20] =	vst v14;
	v14 =	vadd.s32 $0x180, v4  }
0x1ac: {  	v10 =	vld.idx.msk [tilespmem:v13+s2+$0x0], $0xffff  }
0x1ad: {  	v7 =	vld [tilespmem:s10+$0x5720];
	v12 =	vadd.s32 $0x180, v3  }
0x1ae: {  	[tilespmem:s10+$0x11F30] =	vst v16;
	v9 =	vld.idx.msk [tilespmem:v15+s2+$0x0], $0xffff  }
0x1af: {  	v0 =	vadd.f32 v11, v0;
	s1 =	simm.s32 $0x100;
	v13 =	vadd.s32 $0x180, v2;
	v11 =	vld.idx.msk [tilespmem:v18+s2+$0x0], $0xffff;
	[tilespmem:s24+$0x13800] =	vst v17  }
.LBB2_8:
0x1b0: {  	s12 =	sshra.s32 s1, $0x2;
	v14 =	vld.idx.msk [tilespmem:v14+s2+$0x0], $0xffff  }
0x1b1: {  	v15 =	vld [tilespmem:s12+$0x5700];
	[tilespmem:s10+$0x13810] =	vst v10;
	v10 =	vadd.s32 $0x180, v1  }
0x1b2: {  	v16 =	vadd.s32 $0x200, v4;
	v12 =	vld.idx.msk [tilespmem:v12+s2+$0x0], $0xffff  }
0x1b3: {  	v17 =	vld [tilespmem:s12+$0x2530];
	[tilespmem:s10+$0x13820] =	vst v9  }
0x1b4: {  	v9 =	vadd.s32 $0x200, v3;
	v13 =	vld.idx.msk [tilespmem:v13+s2+$0x0], $0xffff  }
0x1b5: {  	v18 =	vld [tilespmem:s12+$0x2500];
	[tilespmem:s10+$0x13830] =	vst v11  }
0x1b6: {  	v11 =	vadd.s32 $0x200, v2;
	[tilespmem:s24+$0x15100] =	vst v14;
	v10 =	vld.idx.msk [tilespmem:v10+s2+$0x0], $0xffff  }
0x1b7: {  	v14 =	vld.idx.msk [tilespmem:v16+s2+$0x0], $0xffff  }
0x1b8: {  	v16 =	vld [tilespmem:s12+$0x2510];
	[tilespmem:s10+$0x15110] =	vst v12;
	v12 =	vadd.s32 $0x200, v1  }
0x1b9: {  	v19 =	vadd.s32 $0x280, v4;
	v9 =	vld.idx.msk [tilespmem:v9+s2+$0x0], $0xffff  }
0x1ba: {  	v20 =	vld [tilespmem:s12+$0x2520];
	[tilespmem:s10+$0x15120] =	vst v13  }
0x1bb: {  	v13 =	vadd.s32 $0x280, v3;
	v11 =	vld.idx.msk [tilespmem:v11+s2+$0x0], $0xffff  }
0x1bc: {  	v21 =	vld.idx.msk [tilespmem:v17+s2+$0x0], $0xffff;
	[tilespmem:s10+$0x15130] =	vst v10  }
0x1bd: {  	v10 =	vadd.s32 $0x280, v2;
	[tilespmem:s24+$0x16A00] =	vst v14;
	v12 =	vld.idx.msk [tilespmem:v12+s2+$0x0], $0xffff  }
0x1be: {  	v14 =	vld.idx.msk [tilespmem:v19+s2+$0x0], $0xffff  }
0x1bf: {  	v22 =	vshll.u32 v5, $0x7;
	v5 =	vmov v15;
	v19 =	vld.idx.msk [tilespmem:v18+s2+$0x0], $0xffff;
	[tilespmem:s10+$0x16A10] =	vst v9;
	v9 =	vadd.s32 $0x280, v1  }
0x1c0: {  	v15 =	vadd.s32 v4, v22;
	v4 =	vmov v18;
	v13 =	vld.idx.msk [tilespmem:v13+s2+$0x0], $0xffff  }
0x1c1: {  	v8 =	vshll.u32 v8, $0x7;
	v18 =	vadd.s32 $0x80, v4;
	v22 =	vld.idx.msk [tilespmem:v16+s2+$0x0], $0xffff;
	[tilespmem:s10+$0x16A20] =	vst v11  }
0x1c2: {  	v8 =	vadd.s32 v3, v8;
	v3 =	vmov v16;
	v10 =	vld.idx.msk [tilespmem:v10+s2+$0x0], $0xffff  }
0x1c3: {  	v7 =	vshll.u32 v7, $0x7;
	v11 =	vadd.s32 $0x80, v3;
	v16 =	vld.idx.msk [tilespmem:v20+s2+$0x0], $0xffff;
	[tilespmem:s10+$0x16A30] =	vst v12  }
0x1c4: {  	v7 =	vadd.s32 v2, v7;
	v2 =	vmov v20;
	[tilespmem:s24+$0x18300] =	vst v14;
	v9 =	vld.idx.msk [tilespmem:v9+s2+$0x0], $0xffff  }
0x1c5: {  	v6 =	vshll.u32 v6, $0x7;
	v12 =	vadd.s32 $0x80, v2;
	[tilespmem:s12+$0x10600] =	vst v19;
	v14 =	vld.idx.msk [tilespmem:v15+s21+$0x0], $0xffff  }
0x1c6: {  	v6 =	vadd.s32 v1, v6;
	v1 =	vmov v17;
	v15 =	vld.idx.msk [tilespmem:v18+s2+$0x0], $0xffff;
	[tilespmem:s10+$0x18310] =	vst v13  }
0x1c7: {  	v13 =	vadd.s32 $0x80, v1;
	[tilespmem:s12+$0x10610] =	vst v22;
	v8 =	vld.idx.msk [tilespmem:v8+s21+$0x0], $0xffff  }
0x1c8: {  	v17 =	vadd.s32 $0x100, v4;
	v11 =	vld.idx.msk [tilespmem:v11+s2+$0x0], $0xffff;
	[tilespmem:s10+$0x18320] =	vst v10  }
0x1c9: {  	[tilespmem:s12+$0x10620] =	vst v16;
	v7 =	vld.idx.msk [tilespmem:v7+s21+$0x0], $0xffff  }
0x1ca: {  	s11 =	sadd.s32 $0x40, s11;
	v10 =	vadd.s32 $0x100, v3;
	v12 =	vld.idx.msk [tilespmem:v12+s2+$0x0], $0xffff;
	[tilespmem:s10+$0x18330] =	vst v9;
	s10 =	smov.u32 s12  }
0x1cb: {  	p0 =	slt.u32 s11, $0x18C0;
	s24 =	sand.u32 $0x1FC0, s11;
	v0 =	vadd.f32 v14, v0;
	[tilespmem:s10+$0x10630] =	vst v21;
	v16 =	vld.idx.msk [tilespmem:v6+s21+$0x0], $0xffff  }
0x1cc: {  	v9 =	vadd.s32 $0x100, v2;
	[tilespmem:s24+$0x11F00] =	vst v15;
	v13 =	vld.idx.msk [tilespmem:v13+s2+$0x0], $0xffff  }
0x1cd: {  	v0 =	vadd.f32 v8, v0;
	v15 =	vld.idx.msk [tilespmem:v17+s2+$0x0], $0xffff  }
0x1ce: {  	[tilespmem:s10+$0x11F10] =	vst v11;
	v6 =	vld [tilespmem:s10+$0x5730];
	v11 =	vadd.s32 $0x100, v1  }
.Ltmp3:
0x1cf: {  	v14 =	vadd.s32 $0x180, v4;
	v0 =	vadd.f32 v7, v0;
	v10 =	vld.idx.msk [tilespmem:v10+s2+$0x0], $0xffff;
	(pc) =	sbr.rel @p0 .LBB2_8-.Ltmp3, $4  }
0x1d0: {  	v7 =	vld [tilespmem:s10+$0x5720];
	[tilespmem:s10+$0x11F20] =	vst v12  }
0x1d1: {  	v12 =	vadd.s32 $0x180, v3;
	v0 =	vadd.f32 v16, v0;
	v9 =	vld.idx.msk [tilespmem:v9+s2+$0x0], $0xffff  }
0x1d2: {  	v8 =	vld [tilespmem:s10+$0x5710];
	[tilespmem:s10+$0x11F30] =	vst v13  }
0x1d3: {  	s1 =	sadd.s32 $0x100, s1;
	v13 =	vadd.s32 $0x180, v2;
	[tilespmem:s24+$0x13800] =	vst v15;
	v11 =	vld.idx.msk [tilespmem:v11+s2+$0x0], $0xffff  }
0x1d4: {  	_ =	sdelay $0x1  }
0x1d5: {  	v15 =	vadd.s32 $0x180, v1;
	_ =	sdelay $0x1  }
0x1d6: {  	v14 =	vld.idx.msk [tilespmem:v14+s2+$0x0], $0xffff;
	[tilespmem:s10+$0x13810] =	vst v10  }
0x1d7: {  	v10 =	vadd.s32 $0x200, v4;
	v12 =	vld.idx.msk [tilespmem:v12+s2+$0x0], $0xffff;
	[tilespmem:s10+$0x13820] =	vst v9  }
0x1d8: {  	v9 =	vadd.s32 $0x200, v3;
	v13 =	vld.idx.msk [tilespmem:v13+s2+$0x0], $0xffff;
	[tilespmem:s10+$0x13830] =	vst v11  }
0x1d9: {  	v11 =	vadd.s32 $0x200, v2;
	v15 =	vld.idx.msk [tilespmem:v15+s2+$0x0], $0xffff  }
0x1da: {  	v16 =	vadd.s32 $0x200, v1  }
0x1db: {  	[tilespmem:s24+$0x15100] =	vst v14  }
0x1dc: {  	v10 =	vld.idx.msk [tilespmem:v10+s2+$0x0], $0xffff;
	[tilespmem:s10+$0x15110] =	vst v12  }
0x1dd: {  	v12 =	vadd.s32 $0x280, v4;
	v9 =	vld.idx.msk [tilespmem:v9+s2+$0x0], $0xffff;
	[tilespmem:s10+$0x15120] =	vst v13  }
0x1de: {  	v13 =	vadd.s32 $0x280, v3;
	v11 =	vld.idx.msk [tilespmem:v11+s2+$0x0], $0xffff;
	[tilespmem:s10+$0x15130] =	vst v15  }
0x1df: {  	v14 =	vadd.s32 $0x280, v2;
	v15 =	vld.idx.msk [tilespmem:v16+s2+$0x0], $0xffff  }
0x1e0: {  	v62 =	vadd.s32 $0x280, v1  }
0x1e1: {  	[tilespmem:s24+$0x16A00] =	vst v10  }
0x1e2: {  	v5 =	vshll.u32 v5, $0x7;
	v10 =	vld.idx.msk [tilespmem:v12+s2+$0x0], $0xffff;
	[tilespmem:s10+$0x16A10] =	vst v9  }
0x1e3: {  	v8 =	vshll.u32 v8, $0x7;
	v4 =	vadd.s32 v4, v5;
	v5 =	vld.idx.msk [tilespmem:v13+s2+$0x0], $0xffff;
	[tilespmem:s10+$0x16A20] =	vst v11  }
0x1e4: {  	v7 =	vshll.u32 v7, $0x7;
	v3 =	vadd.s32 v3, v8;
	v8 =	vld.idx.msk [tilespmem:v14+s2+$0x0], $0xffff;
	[tilespmem:s10+$0x16A30] =	vst v15  }
0x1e5: {  	v2 =	vadd.s32 v2, v7;
	v7 =	vld.idx.msk [tilespmem:v62+s2+$0x0], $0xffff  }
0x1e6: {  	v6 =	vshll.u32 v6, $0x7  }
0x1e7: {  	v1 =	vadd.s32 v1, v6;
	[tilespmem:s24+$0x18300] =	vst v10  }
0x1e8: {  	[tilespmem:s10+$0x18310] =	vst v5  }
0x1e9: {  	v6 =	vld.idx.msk [tilespmem:v4+s21+$0x0], $0xffff;
	[tilespmem:s10+$0x18320] =	vst v8  }
0x1ea: {  	v9 =	vld.idx.msk [tilespmem:v3+s21+$0x0], $0xffff;
	[tilespmem:s10+$0x18330] =	vst v7  }
0x1eb: {  	s1 =	simm.s32 $0x0;
	s11 =	simm.s32 $0x10600;
	v8 =	vld.idx.msk [tilespmem:v2+s21+$0x0], $0xffff;
	s10 =	rddreg [dreg:$0x16]  }
0x1ec: {  	v11 =	vld.idx.msk [tilespmem:v1+s21+$0x0], $0xffff;
	[hbm4b:s10+s1] =	stream.linear.scatter [tilespmem:s11], [sflag:$0x4], $0x1900, $0x38  }
0x1ed: {  	s11 =	sld [smem:$0x7F9];
	_ =	sdelay $0x1  }
0x1ee: {  	s12 =	simm.s32 $0x11F00;
	s24 =	sld [smem:$0x7FA]  }
0x1ef: {  	[hbm4b:s11+s1] =	stream.linear.scatter [tilespmem:s12], [sflag:$0x4], $0x1900, $0x38;
	[tilespmem:$0x19C80] =	vst v63  }
0x1f0: {  	s11 =	sld [smem:$0x7FB]  }
0x1f1: {  	[hbm4b:s24+s1] =	stream.linear.scatter [tilespmem:s25], [sflag:$0x4], $0x1900, $0x38;
	[tilespmem:$0x19C80] =	vst v63  }
0x1f2: {  	s12 =	sld [smem:$0x7FC]  }
0x1f3: {  	[hbm4b:s11+s1] =	stream.linear.scatter [tilespmem:s3], [sflag:$0x4], $0x1900, $0x38;
	[tilespmem:$0x19C80] =	vst v63  }
0x1f4: {  	s24 =	sld [smem:$0x7FD]  }
0x1f5: {  	[hbm4b:s12+s1] =	stream.linear.scatter [tilespmem:s4], [sflag:$0x4], $0x1900, $0x38;
	[tilespmem:$0x19C80] =	vst v63  }
0x1f6: {  	_ = 	snop  }
0x1f7: {  	[hbm4b:s24+s1] =	stream.linear.scatter [tilespmem:s5], [sflag:$0x4], $0x1900, $0x38;
	[tilespmem:$0x19C80] =	vst v63  }
0x1f8: {  	_ =	swait.ge [sflag:s22], $0xC80  }
0x1f9: {  	[sflag:s22] =	ssyncset.done $0x0  }
0x1fa: {  	[sflag:s22] =	ssyncadd.s32 $0xFFFFF380  }
0x1fb: {  	_ =	swait.ge [sflag:s23], $0xC80  }
0x1fc: {  	[sflag:s23] =	ssyncset.done $0x0  }
0x1fd: {  	[sflag:s23] =	ssyncadd.s32 $0xFFFFF380  }
0x1fe: {  	_ =	swait.ge [sflag:s6], $0x1900  }
0x1ff: {  	[sflag:s6] =	ssyncset.done $0x0  }
0x200: {  	[sflag:s6] =	ssyncadd.s32 $0xFFFFE700  }
0x201: {  	_ =	swait.ge [sflag:s6], $0x1900  }
0x202: {  	[sflag:s6] =	ssyncset.done $0x0  }
0x203: {  	[sflag:s6] =	ssyncadd.s32 $0xFFFFE700  }
0x204: {  	_ =	swait.ge [sflag:s6], $0x1900  }
0x205: {  	[sflag:s6] =	ssyncset.done $0x0  }
0x206: {  	[sflag:s6] =	ssyncadd.s32 $0xFFFFE700  }
0x207: {  	_ =	swait.ge [sflag:s6], $0x1900  }
0x208: {  	[sflag:s6] =	ssyncset.done $0x0  }
0x209: {  	[sflag:s6] =	ssyncadd.s32 $0xFFFFE700  }
0x20a: {  	_ =	swait.ge [sflag:s6], $0x1900  }
0x20b: {  	[sflag:s6] =	ssyncset.done $0x0  }
0x20c: {  	[sflag:s6] =	ssyncadd.s32 $0xFFFFE700  }
0x20d: {  	_ =	swait.ge [sflag:s6], $0x1900  }
0x20e: {  	[sflag:s6] =	ssyncset.done $0x0  }
0x20f: {  	s10 =	simm.s32 $0x0;
	[sflag:s6] =	ssyncadd.s32 $0xFFFFE700  }
0x210: {  	v4 =	vld [tilespmem:s10+$0xC00];
	_ =	sdelay $0x2  }
0x211: {  	v3 =	vld [tilespmem:s10+$0xC10]  }
0x212: {  	v2 =	vld [tilespmem:s10+$0xC20];
	_ =	sdelay $0x2  }
0x213: {  	v1 =	vld [tilespmem:s10+$0xC30]  }
0x214: {  	v7 =	vld.idx.msk [tilespmem:v4+s2+$0x0], $0xffff;
	_ =	sdelay $0x2  }
0x215: {  	v10 =	vadd.s32 $0x80, v4;
	v12 =	vld.idx.msk [tilespmem:v3+s2+$0x0], $0xffff  }
0x216: {  	v13 =	vadd.s32 $0x80, v3;
	v14 =	vld.idx.msk [tilespmem:v2+s2+$0x0], $0xffff  }
0x217: {  	[tilespmem:s10+$0x7000] =	vst v7;
	v7 =	vadd.s32 $0x80, v2;
	_ =	sdelay $0x1  }
0x218: {  	v15 =	vld.idx.msk [tilespmem:v1+s2+$0x0], $0xffff  }
0x219: {  	v63 =	vadd.s32 $0x80, v1;
	[tilespmem:s10+$0x7010] =	vst v12;
	v10 =	vld.idx.msk [tilespmem:v10+s2+$0x0], $0xffff  }
0x21a: {  	v17 =	vadd.s32 $0x100, v4;
	[tilespmem:s10+$0x7020] =	vst v14;
	v12 =	vld.idx.msk [tilespmem:v13+s2+$0x0], $0xffff  }
0x21b: {  	v14 =	vld.idx.msk [tilespmem:v7+s2+$0x0], $0xffff  }
0x21c: {  	v0 =	vadd.f32 v6, v0;
	s11 =	simm.s32 $0x0;
	v5 =	vld [tilespmem:s10+$0x3E00];
	v13 =	vadd.s32 $0x100, v3  }
0x21d: {  	s24 =	sand.u32 $0xFC0, s11;
	v6 =	vld [tilespmem:s10+$0x3E30];
	[tilespmem:s10+$0x7030] =	vst v15  }
0x21e: {  	v0 =	vadd.f32 v9, v0;
	v15 =	vadd.s32 $0x100, v2;
	v16 =	vld.idx.msk [tilespmem:v63+s2+$0x0], $0xffff;
	[tilespmem:s24+$0x8900] =	vst v10  }
0x21f: {  	v18 =	vadd.s32 $0x100, v1;
	[tilespmem:s10+$0x8910] =	vst v12;
	v17 =	vld.idx.msk [tilespmem:v17+s2+$0x0], $0xffff  }
0x220: {  	v0 =	vadd.f32 v8, v0;
	v8 =	vld [tilespmem:s10+$0x3E10];
	[tilespmem:s10+$0x8920] =	vst v14;
	v14 =	vadd.s32 $0x180, v4  }
0x221: {  	v10 =	vld.idx.msk [tilespmem:v13+s2+$0x0], $0xffff  }
0x222: {  	v7 =	vld [tilespmem:s10+$0x3E20];
	v12 =	vadd.s32 $0x180, v3  }
0x223: {  	[tilespmem:s10+$0x8930] =	vst v16;
	v9 =	vld.idx.msk [tilespmem:v15+s2+$0x0], $0xffff  }
0x224: {  	v0 =	vadd.f32 v11, v0;
	s1 =	simm.s32 $0x100;
	v13 =	vadd.s32 $0x180, v2;
	v11 =	vld.idx.msk [tilespmem:v18+s2+$0x0], $0xffff;
	[tilespmem:s24+$0xA200] =	vst v17  }
.LBB2_10:
0x225: {  	s12 =	sshra.s32 s1, $0x2;
	v14 =	vld.idx.msk [tilespmem:v14+s2+$0x0], $0xffff  }
0x226: {  	v15 =	vld [tilespmem:s12+$0x3E00];
	[tilespmem:s10+$0xA210] =	vst v10;
	v10 =	vadd.s32 $0x180, v1  }
0x227: {  	v16 =	vadd.s32 $0x200, v4;
	v12 =	vld.idx.msk [tilespmem:v12+s2+$0x0], $0xffff  }
0x228: {  	v17 =	vld [tilespmem:s12+$0xC30];
	[tilespmem:s10+$0xA220] =	vst v9  }
0x229: {  	v9 =	vadd.s32 $0x200, v3;
	v13 =	vld.idx.msk [tilespmem:v13+s2+$0x0], $0xffff  }
0x22a: {  	v18 =	vld [tilespmem:s12+$0xC00];
	[tilespmem:s10+$0xA230] =	vst v11  }
0x22b: {  	v11 =	vadd.s32 $0x200, v2;
	[tilespmem:s24+$0xBB00] =	vst v14;
	v10 =	vld.idx.msk [tilespmem:v10+s2+$0x0], $0xffff  }
0x22c: {  	v14 =	vld.idx.msk [tilespmem:v16+s2+$0x0], $0xffff  }
0x22d: {  	v16 =	vld [tilespmem:s12+$0xC10];
	[tilespmem:s10+$0xBB10] =	vst v12;
	v12 =	vadd.s32 $0x200, v1  }
0x22e: {  	v19 =	vadd.s32 $0x280, v4;
	v9 =	vld.idx.msk [tilespmem:v9+s2+$0x0], $0xffff  }
0x22f: {  	v20 =	vld [tilespmem:s12+$0xC20];
	[tilespmem:s10+$0xBB20] =	vst v13  }
0x230: {  	v13 =	vadd.s32 $0x280, v3;
	v11 =	vld.idx.msk [tilespmem:v11+s2+$0x0], $0xffff  }
0x231: {  	v21 =	vld.idx.msk [tilespmem:v17+s2+$0x0], $0xffff;
	[tilespmem:s10+$0xBB30] =	vst v10  }
0x232: {  	v10 =	vadd.s32 $0x280, v2;
	[tilespmem:s24+$0xD400] =	vst v14;
	v12 =	vld.idx.msk [tilespmem:v12+s2+$0x0], $0xffff  }
0x233: {  	v14 =	vld.idx.msk [tilespmem:v19+s2+$0x0], $0xffff  }
0x234: {  	v22 =	vshll.u32 v5, $0x7;
	v5 =	vmov v15;
	v19 =	vld.idx.msk [tilespmem:v18+s2+$0x0], $0xffff;
	[tilespmem:s10+$0xD410] =	vst v9;
	v9 =	vadd.s32 $0x280, v1  }
0x235: {  	v15 =	vadd.s32 v4, v22;
	v4 =	vmov v18;
	v13 =	vld.idx.msk [tilespmem:v13+s2+$0x0], $0xffff  }
0x236: {  	v8 =	vshll.u32 v8, $0x7;
	v18 =	vadd.s32 $0x80, v4;
	v22 =	vld.idx.msk [tilespmem:v16+s2+$0x0], $0xffff;
	[tilespmem:s10+$0xD420] =	vst v11  }
0x237: {  	v8 =	vadd.s32 v3, v8;
	v3 =	vmov v16;
	v10 =	vld.idx.msk [tilespmem:v10+s2+$0x0], $0xffff  }
0x238: {  	v7 =	vshll.u32 v7, $0x7;
	v11 =	vadd.s32 $0x80, v3;
	v16 =	vld.idx.msk [tilespmem:v20+s2+$0x0], $0xffff;
	[tilespmem:s10+$0xD430] =	vst v12  }
0x239: {  	v7 =	vadd.s32 v2, v7;
	v2 =	vmov v20;
	[tilespmem:s24+$0xED00] =	vst v14;
	v9 =	vld.idx.msk [tilespmem:v9+s2+$0x0], $0xffff  }
0x23a: {  	v6 =	vshll.u32 v6, $0x7;
	v12 =	vadd.s32 $0x80, v2;
	[tilespmem:s12+$0x7000] =	vst v19;
	v14 =	vld.idx.msk [tilespmem:v15+s21+$0x0], $0xffff  }
0x23b: {  	v6 =	vadd.s32 v1, v6;
	v1 =	vmov v17;
	v15 =	vld.idx.msk [tilespmem:v18+s2+$0x0], $0xffff;
	[tilespmem:s10+$0xED10] =	vst v13  }
0x23c: {  	v13 =	vadd.s32 $0x80, v1;
	[tilespmem:s12+$0x7010] =	vst v22;
	v8 =	vld.idx.msk [tilespmem:v8+s21+$0x0], $0xffff  }
0x23d: {  	v17 =	vadd.s32 $0x100, v4;
	v11 =	vld.idx.msk [tilespmem:v11+s2+$0x0], $0xffff;
	[tilespmem:s10+$0xED20] =	vst v10  }
0x23e: {  	[tilespmem:s12+$0x7020] =	vst v16;
	v7 =	vld.idx.msk [tilespmem:v7+s21+$0x0], $0xffff  }
0x23f: {  	s11 =	sadd.s32 $0x40, s11;
	v10 =	vadd.s32 $0x100, v3;
	v12 =	vld.idx.msk [tilespmem:v12+s2+$0x0], $0xffff;
	[tilespmem:s10+$0xED30] =	vst v9;
	s10 =	smov.u32 s12  }
0x240: {  	p0 =	slt.u32 s11, $0xC40;
	s24 =	sand.u32 $0xFC0, s11;
	v0 =	vadd.f32 v14, v0;
	[tilespmem:s10+$0x7030] =	vst v21;
	v16 =	vld.idx.msk [tilespmem:v6+s21+$0x0], $0xffff  }
0x241: {  	v9 =	vadd.s32 $0x100, v2;
	[tilespmem:s24+$0x8900] =	vst v15;
	v13 =	vld.idx.msk [tilespmem:v13+s2+$0x0], $0xffff  }
0x242: {  	v0 =	vadd.f32 v8, v0;
	v15 =	vld.idx.msk [tilespmem:v17+s2+$0x0], $0xffff  }
0x243: {  	[tilespmem:s10+$0x8910] =	vst v11;
	v6 =	vld [tilespmem:s10+$0x3E30];
	v11 =	vadd.s32 $0x100, v1  }
.Ltmp4:
0x244: {  	v14 =	vadd.s32 $0x180, v4;
	v0 =	vadd.f32 v7, v0;
	v10 =	vld.idx.msk [tilespmem:v10+s2+$0x0], $0xffff;
	(pc) =	sbr.rel @p0 .LBB2_10-.Ltmp4, $4  }
0x245: {  	v7 =	vld [tilespmem:s10+$0x3E20];
	[tilespmem:s10+$0x8920] =	vst v12  }
0x246: {  	v12 =	vadd.s32 $0x180, v3;
	v0 =	vadd.f32 v16, v0;
	v9 =	vld.idx.msk [tilespmem:v9+s2+$0x0], $0xffff  }
0x247: {  	v8 =	vld [tilespmem:s10+$0x3E10];
	[tilespmem:s10+$0x8930] =	vst v13  }
0x248: {  	s1 =	sadd.s32 $0x100, s1;
	v13 =	vadd.s32 $0x180, v2;
	[tilespmem:s24+$0xA200] =	vst v15;
	v11 =	vld.idx.msk [tilespmem:v11+s2+$0x0], $0xffff  }
0x249: {  	_ =	sdelay $0x1  }
0x24a: {  	v15 =	vadd.s32 $0x180, v1;
	_ =	sdelay $0x1  }
0x24b: {  	v14 =	vld.idx.msk [tilespmem:v14+s2+$0x0], $0xffff;
	[tilespmem:s10+$0xA210] =	vst v10  }
0x24c: {  	v50 =	vadd.s32 $0x200, v4;
	v12 =	vld.idx.msk [tilespmem:v12+s2+$0x0], $0xffff;
	[tilespmem:s10+$0xA220] =	vst v9  }
0x24d: {  	v51 =	vadd.s32 $0x200, v3;
	v13 =	vld.idx.msk [tilespmem:v13+s2+$0x0], $0xffff;
	[tilespmem:s10+$0xA230] =	vst v11  }
0x24e: {  	v52 =	vadd.s32 $0x200, v2;
	v15 =	vld.idx.msk [tilespmem:v15+s2+$0x0], $0xffff  }
0x24f: {  	v16 =	vadd.s32 $0x200, v1  }
0x250: {  	[tilespmem:s24+$0xBB00] =	vst v14  }
0x251: {  	v10 =	vld.idx.msk [tilespmem:v50+s2+$0x0], $0xffff;
	[tilespmem:s10+$0xBB10] =	vst v12  }
0x252: {  	v53 =	vadd.s32 $0x280, v4;
	v9 =	vld.idx.msk [tilespmem:v51+s2+$0x0], $0xffff;
	[tilespmem:s10+$0xBB20] =	vst v13  }
0x253: {  	v54 =	vadd.s32 $0x280, v3;
	v11 =	vld.idx.msk [tilespmem:v52+s2+$0x0], $0xffff;
	[tilespmem:s10+$0xBB30] =	vst v15  }
0x254: {  	v55 =	vadd.s32 $0x280, v2;
	v15 =	vld.idx.msk [tilespmem:v16+s2+$0x0], $0xffff  }
0x255: {  	v56 =	vadd.s32 $0x280, v1  }
0x256: {  	[tilespmem:s24+$0xD400] =	vst v10  }
0x257: {  	v10 =	vld.idx.msk [tilespmem:v53+s2+$0x0], $0xffff;
	[tilespmem:s10+$0xD410] =	vst v9  }
0x258: {  	v5 =	vshll.u32 v5, $0x7;
	v58 =	vld.idx.msk [tilespmem:v54+s2+$0x0], $0xffff;
	[tilespmem:s10+$0xD420] =	vst v11  }
0x259: {  	v57 =	vadd.s32 v4, v5;
	v8 =	vshll.u32 v8, $0x7;
	v60 =	vld.idx.msk [tilespmem:v55+s2+$0x0], $0xffff;
	[tilespmem:s10+$0xD430] =	vst v15  }
0x25a: {  	v7 =	vshll.u32 v7, $0x7;
	v59 =	vadd.s32 v3, v8;
	v62 =	vld.idx.msk [tilespmem:v56+s2+$0x0], $0xffff  }
0x25b: {  	v6 =	vshll.u32 v6, $0x7;
	v61 =	vadd.s32 v2, v7  }
0x25c: {  	v63 =	vadd.s32 v1, v6;
	[tilespmem:s24+$0xED00] =	vst v10  }
0x25d: {  	[tilespmem:s10+$0xED10] =	vst v58  }
0x25e: {  	v4 =	vld.idx.msk [tilespmem:v57+s21+$0x0], $0xffff;
	[tilespmem:s10+$0xED20] =	vst v60  }
0x25f: {  	v3 =	vld.idx.msk [tilespmem:v59+s21+$0x0], $0xffff;
	[tilespmem:s10+$0xED30] =	vst v62  }
0x260: {  	v2 =	vld.idx.msk [tilespmem:v61+s21+$0x0], $0xffff;
	s1 =	rddreg [dreg:$0x17]  }
0x261: {  	v1 =	vld.idx.msk [tilespmem:v63+s21+$0x0], $0xffff;
	[hbm4b:s1+s2] =	stream.linear.scatter [tilespmem:s26], [sflag:$0x3], $0xC80, $0x38  }
0x262: {  	_ = 	snop  }
0x263: {  	[hbm4b:s13+s2] =	stream.linear.scatter [tilespmem:s28], [sflag:$0x3], $0xC80, $0x38;
	[tilespmem:$0x19C80] =	vst v63  }
0x264: {  	_ = 	snop  }
0x265: {  	[hbm4b:s14+s2] =	stream.linear.scatter [tilespmem:s29], [sflag:$0x3], $0xC80, $0x38;
	[tilespmem:$0x19C80] =	vst v63  }
0x266: {  	_ = 	snop  }
0x267: {  	[hbm4b:s15+s2] =	stream.linear.scatter [tilespmem:s30], [sflag:$0x3], $0xC80, $0x38;
	[tilespmem:$0x19C80] =	vst v63  }
0x268: {  	_ = 	snop  }
0x269: {  	[hbm4b:s16+s2] =	stream.linear.scatter [tilespmem:s31], [sflag:$0x3], $0xC80, $0x38;
	[tilespmem:$0x19C80] =	vst v63  }
0x26a: {  	_ = 	snop  }
0x26b: {  	[hbm4b:s17+s2] =	stream.linear.scatter [tilespmem:s0], [sflag:$0x3], $0xC80, $0x38;
	[tilespmem:$0x19C80] =	vst v63  }
0x26c: {  	_ =	swait.ge [sflag:s6], $0xC80  }
0x26d: {  	[sflag:s6] =	ssyncset.done $0x0  }
0x26e: {  	[sflag:s6] =	ssyncadd.s32 $0xFFFFF380  }
0x26f: {  	_ =	swait.ge [sflag:s6], $0xC80  }
0x270: {  	[sflag:s6] =	ssyncset.done $0x0  }
0x271: {  	[sflag:s6] =	ssyncadd.s32 $0xFFFFF380  }
0x272: {  	_ =	swait.ge [sflag:s6], $0xC80  }
0x273: {  	[sflag:s6] =	ssyncset.done $0x0  }
0x274: {  	[sflag:s6] =	ssyncadd.s32 $0xFFFFF380  }
0x275: {  	_ =	swait.ge [sflag:s6], $0xC80  }
0x276: {  	[sflag:s6] =	ssyncset.done $0x0  }
0x277: {  	[sflag:s6] =	ssyncadd.s32 $0xFFFFF380  }
0x278: {  	_ =	swait.ge [sflag:s6], $0xC80  }
0x279: {  	[sflag:s6] =	ssyncset.done $0x0  }
0x27a: {  	[sflag:s6] =	ssyncadd.s32 $0xFFFFF380  }
0x27b: {  	_ =	swait.ge [sflag:s6], $0xC80  }
0x27c: {  	[sflag:s6] =	ssyncset.done $0x0  }
0x27d: {  	[sflag:s6] =	ssyncadd.s32 $0xFFFFF380  }
0x27e: {  	_ =	swait.ge [sflag:s8], $0x1900  }
0x27f: {  	[sflag:s8] =	ssyncset.done $0x0  }
0x280: {  	[sflag:s8] =	ssyncadd.s32 $0xFFFFE700  }
0x281: {  	_ =	swait.ge [sflag:s8], $0x1900  }
0x282: {  	[sflag:s8] =	ssyncset.done $0x0  }
0x283: {  	[sflag:s8] =	ssyncadd.s32 $0xFFFFE700  }
0x284: {  	_ =	swait.ge [sflag:s8], $0x1900  }
0x285: {  	[sflag:s8] =	ssyncset.done $0x0  }
0x286: {  	[sflag:s8] =	ssyncadd.s32 $0xFFFFE700  }
0x287: {  	_ =	swait.ge [sflag:s8], $0x1900  }
0x288: {  	v0 =	vadd.f32 v4, v0;
	[sflag:s8] =	ssyncset.done $0x0  }
0x289: {  	[sflag:s8] =	ssyncadd.s32 $0xFFFFE700  }
0x28a: {  	v0 =	vadd.f32 v3, v0;
	_ =	swait.ge [sflag:s8], $0x1900  }
0x28b: {  	[sflag:s8] =	ssyncset.done $0x0  }
0x28c: {  	v0 =	vadd.f32 v2, v0;
	[sflag:s8] =	ssyncadd.s32 $0xFFFFE700  }
0x28d: {  	_ =	swait.ge [sflag:s8], $0x1900  }
0x28e: {  	v0 =	vadd.f32 v1, v0;
	[sflag:s8] =	ssyncset.done $0x0  }
0x28f: {  	[sflag:s8] =	ssyncadd.s32 $0xFFFFE700  }
0x290: {  	s12 =	simm.s32 $0x19C00;
	s11 =	rddreg [dreg:$0x19];
	[tilespmem:$0x19C00] =	vst v0  }
0x291: {  	[hbm4b:s11+s2] =	stream.linear.scatter [tilespmem:s12], [sflag:$0x5], $0x80, $0x38;
	[tilespmem:$0x19C80] =	vst v63  }
0x292: {  	_ =	swait.ge [sflag:s20], $0x80  }
0x293: {  	s9 =	sadd.s32 $0x1, s9;
	s24 =	rddreg [dreg:$0x1a]  }
0x294: {  	p0 =	sne.s32 s9, s24  }
.Ltmp5:
0x295: {  	_ = 	snop;
	(pc) =	sbr.rel @p0 .LBB2_1-.Ltmp5, $3  }
0x296: {  	_ =	sdelay $0x1  }
0x297: {  	[sflag:s20] =	ssyncset.done $0x0  }
0x298: {  	[sflag:s20] =	ssyncadd.s32 $0xFFFFFF80  }
0x299: {  	_ =	sfence.sel $0x180000  }
0x29a: {  	[bflag:$0x0] =	sbarrier.arrive $0xFFFF  }
0x29b: {  	_ =	strace $0x90000047  }
0x29c: {  	s0 =	stileid.u32;
	[bflag:$0x2] =	sbarrier.arrive $0xFFFF  }
0x29d: {  	p0 =	sne.s32 s0, $0x0;
	s0 =	rddreg [dreg:$0x4]  }
0x29e: {  	s0 =	sadd.s32 @!p0 $0x100000, s0  }
0x29f: {  	[sflag:s0] =	ssyncadd.tile.s32 @!p0 $0x1;
	_ =	shalt  }
.Lfunc_end2:
_tile_overlayer_lowered:
.L_overlay_start_2:
0x2a0: {  	(tag) =	ssettag $0x2  }
0x2a1: {  	s0 =	rddreg [dreg:$0x0];
	s2 =	stileid.u32  }
0x2a2: {  	s1 =	rddreg [dreg:$0x1];
	p0 =	sne.s32 s2, $0x0  }
0x2a3: {  	s3 =	rddreg [dreg:$0x2];
	[bflag:$0x3] =	sbarrier.arrive $0xFFFF;
	s2 =	simm.s32 @!p0 $0x1C05  }
0x2a4: {  	[timem:s3], [sflag:s2] =	dma.local @!p0 [hbm:s0], s1  }
0x2a5: {  	s0 =	simm.s32 @!p0 $0x5  }
0x2a6: {  	_ =	swait.ge @!p0 [sflag:s0], s1  }
0x2a7: {  	s1 =	ssub.s32 @!p0 $0x0, s1;
	[sflag:s0] =	ssyncset.done @!p0 $0x0  }
0x2a8: {  	[sflag:s0] =	ssyncadd.s32 @!p0 s1  }
0x2a9: {  	[bflag:$0x3] =	sbarrier.arrive $0xFFFF  }
0x2aa: {  	_ =	shalt  }

</sc_bundles>
